<compile_context>
chip_gen: v7x
topology: tpu7x:2x2x1
jax: 0.10.2.dev20260603
libtpu: 0.0.44.dev20260713+nightly
codegen_flags: <defaults>
</compile_context>

<pallas_src>
import functools

import jax
import jax.numpy as jnp
from jax import lax
from jax.experimental import pallas as pl
from jax.experimental.pallas import tpu as pltpu
from jax.experimental.pallas import tpu_sc as plsc

_K_FRAC = 0.15
_MOMENTUM = 0.99998
_HB = 16
_NT = 16
_L = 16


def _loss_kernel(pred_ref, tgt_ref, out_ref):
    x = pred_ref[0]
    t = tgt_ref[0]
    m = jnp.max(x, axis=0)
    s = jnp.sum(jnp.exp(x - m[None, :, :]), axis=0)
    lse = m + jnp.log(s)
    cls = jax.lax.broadcasted_iota(jnp.int32, x.shape, 0)
    tl = jnp.sum(jnp.where(cls == t[None, :, :], x, 0.0), axis=0)
    loss = lse - tl
    out_ref[...] = jnp.where(loss == 0.0, 0.0, loss)


def _select_kernel(num, n_per_tile, loss_hbm, out_hbm, data_v, histf_v,
                   tileh_v, tmp_v, part_v, out_v, shared_hist, shared_part):
    sid = lax.axis_index("s")
    nv = n_per_tile // _L
    iota = lax.broadcasted_iota(jnp.int32, (_L,), 0)
    ones = jnp.ones((_L,), jnp.int32)
    pltpu.sync_copy(loss_hbm.at[pl.ds(sid * n_per_tile, n_per_tile)], data_v)

    prefix = jnp.int32(0)
    k_rem = jnp.int32(num)
    for p, (shift, nbits) in enumerate(((20, 11), (10, 10), (0, 10))):
        nbins = 1 << nbits
        nch = nbins // _L

        def zero_body(j, _):
            for l in range(_L):
                histf_v[pl.ds(l * 2048 + j * _L, _L)] = jnp.zeros((_L,), jnp.int32)
            return 0

        lax.fori_loop(0, nch, zero_body, 0)

        def hist_body(j, _, shift=shift, nbins=nbins, p=p, prefix=prefix):
            v = data_v[pl.ds(j * _L, _L)]
            e = lax.bitcast_convert_type(v, jnp.int32)
            b = jnp.right_shift(e, jnp.int32(shift)) & jnp.int32(nbins - 1)
            fidx = iota * jnp.int32(2048) + b
            if p == 0:
                plsc.addupdate_scatter(histf_v, [fidx], ones)
            else:
                hi = jnp.right_shift(e, jnp.int32(shift + nbits))
                active = hi == prefix
                plsc.addupdate_scatter(histf_v, [fidx], ones, mask=active)
            return 0

        lax.fori_loop(0, nv, hist_body, 0)

        def merge_body(j, _):
            acc = histf_v[pl.ds(j * _L, _L)]
            for l in range(1, _L):
                acc = acc + histf_v[pl.ds(l * 2048 + j * _L, _L)]
            tileh_v[pl.ds(j * _L, _L)] = acc
            return 0

        lax.fori_loop(0, nch, merge_body, 0)

        pltpu.sync_copy(tileh_v.at[pl.ds(0, nbins)],
                        shared_hist.at[pl.ds(sid * 2048, nbins)])
        plsc.subcore_barrier()
        pltpu.sync_copy(shared_hist, histf_v)
        plsc.subcore_barrier()

        def scan_body(i, carry):
            acc, w, found, ksub = carry
            c = nch - 1 - i
            chunk = histf_v[pl.ds(c * _L, _L)]
            for l in range(1, _NT):
                chunk = chunk + histf_v[pl.ds(l * 2048 + c * _L, _L)]
            suf = lax.rev(jnp.cumsum(lax.rev(chunk, (0,))), (0,)) + acc
            cond = suf >= k_rem
            t = jnp.sum(cond.astype(jnp.int32)) - 1
            has = t >= 0
            sel = jnp.logical_and(has, jnp.logical_not(found))
            lane_eq = iota == t
            s_w = jnp.sum(jnp.where(lane_eq, suf, 0))
            h_w = jnp.sum(jnp.where(lane_eq, chunk, 0))
            w = jnp.where(sel, c * _L + t, w)
            ksub = jnp.where(sel, s_w - h_w, ksub)
            found = jnp.logical_or(found, has)
            acc = acc + jnp.sum(chunk)
            return acc, w, found, ksub

        _, w, _, ksub = lax.fori_loop(
            0, nch, scan_body,
            (jnp.int32(0), jnp.int32(0), jnp.bool_(False), jnp.int32(0)))
        prefix = jnp.left_shift(prefix, jnp.int32(nbits)) | w
        k_rem = k_rem - ksub

    thr = prefix

    def sum_body(j, carry):
        svec, cvec = carry
        v = data_v[pl.ds(j * _L, _L)]
        e = lax.bitcast_convert_type(v, jnp.int32)
        m = e >= thr
        svec = svec + jnp.where(m, v, 0.0)
        cvec = cvec + jnp.where(m, jnp.int32(1), jnp.int32(0))
        return svec, cvec

    svec, cvec = lax.fori_loop(
        0, nv, sum_body,
        (jnp.zeros((_L,), jnp.float32), jnp.zeros((_L,), jnp.int32)))
    psum = jnp.sum(svec)
    pcnt = jnp.sum(cvec).astype(jnp.float32)

    tmp_v[...] = jnp.where(iota == 0, psum,
                           jnp.where(iota == 1, pcnt, 0.0))
    pltpu.sync_copy(tmp_v, shared_part.at[pl.ds(sid * _L, _L)])
    plsc.subcore_barrier()

    @pl.when(sid == 0)
    def _emit():
        pltpu.sync_copy(shared_part, part_v)
        acc = part_v[pl.ds(0, _L)]
        for l in range(1, _NT):
            acc = acc + part_v[pl.ds(l * _L, _L)]
        ts = jnp.sum(jnp.where(iota == 0, acc, 0.0))
        tc = jnp.sum(jnp.where(iota == 1, acc, 0.0))
        tsv = jnp.zeros((_L,), jnp.float32) + ts
        tcv = jnp.zeros((_L,), jnp.float32) + tc
        out_v[...] = tsv / tcv
        pltpu.sync_copy(out_v, out_hbm)


def kernel(pred, target, step):
    B, C, H, W = pred.shape
    num = int(_K_FRAC * B * H * W * max(_MOMENTUM ** 1000, _K_FRAC))
    tgt = target.astype(jnp.int32)
    grid = (B, H // _HB)
    loss = pl.pallas_call(
        _loss_kernel,
        grid=grid,
        in_specs=[
            pl.BlockSpec((1, C, _HB, W), lambda b, h: (b, 0, h, 0)),
            pl.BlockSpec((1, _HB, W), lambda b, h: (b, h, 0)),
        ],
        out_specs=pl.BlockSpec((_HB, W), lambda b, h: (b * (H // _HB) + h, 0)),
        out_shape=jax.ShapeDtypeStruct((B * H, W), jnp.float32),
        compiler_params=pltpu.CompilerParams(
            dimension_semantics=("arbitrary", "arbitrary"),
        ),
    )(pred, tgt)

    n = B * H * W
    n_per_tile = n // _NT
    mesh = plsc.VectorSubcoreMesh(
        core_axis_name="c", subcore_axis_name="s", num_cores=1)
    sel = functools.partial(
        pl.kernel,
        mesh=mesh,
        compiler_params=pltpu.CompilerParams(needs_layout_passes=False),
        out_type=jax.ShapeDtypeStruct((_L,), jnp.float32),
        scratch_types=[
            pltpu.VMEM((n_per_tile,), jnp.float32),
            pltpu.VMEM((_L * 2048,), jnp.int32),
            pltpu.VMEM((2048,), jnp.int32),
            pltpu.VMEM((_L,), jnp.float32),
            pltpu.VMEM((_NT * _L,), jnp.float32),
            pltpu.VMEM((_L,), jnp.float32),
            pltpu.VMEM_SHARED((_NT * 2048,), jnp.int32),
            pltpu.VMEM_SHARED((_NT * _L,), jnp.float32),
        ],
    )(functools.partial(_select_kernel, num, n_per_tile))
    out = sel(loss.reshape(-1))
    return out[0]

# --- scband reference (transcript-rebuilt; emitter-appended) ---
"""Pipeline reference for scband-bootstrapped-cross-entropy-42056319762859 (READ-ONLY COPY).

The authoritative reference and input builder live on the scoring server;
editing this copy changes nothing except your own understanding.
"""

import jax, jax.numpy as jnp
import numpy as np

K_FRAC = 0.15
MOMENTUM = 0.99998

def setup_inputs(seed: int = 0) -> dict:
    key = jax.random.key(seed)
    k1, k2 = jax.random.split(key)
    pred = jax.random.normal(k1, (4, 96, 512, 512), dtype=jnp.float32)
    target = jax.random.randint(k2, (4, 512, 512), 0, 96, dtype=jnp.int64)
    step = 1000
    return {"pred": pred, "target": target, "step": step}

def reference(pred, target, step):
    B, C, H, W = pred.shape
    num = int(K_FRAC * B * H * W * max(MOMENTUM ** 1000, K_FRAC))
    # criterion = CrossEntropyLoss(reduction='none') over class dim
    logp = jax.nn.log_softmax(pred, axis=1)
    loss = -jnp.take_along_axis(logp, target[:, None, :, :].astype(jnp.int32), axis=1)[:, 0]
    loss = loss.reshape(-1)
    tk = jnp.argsort(-loss)  # descending
    TK = loss[tk[num - 1 + 0 * step]]
    mask = (loss >= TK).astype(loss.dtype)
    # equivalent to loss[loss >= TK].mean() with static shapes
    return jnp.sum(loss * mask) / jnp.sum(mask)

if __name__ == "__main__":
    import jax
    _d = setup_inputs()
    print(jax.jit(kernel)(*tuple(_d.values())))

</pallas_src>

<mosaic_0001>
#map = affine_map<(d0, d1) -> (0)>
module attributes {stable_mosaic.version = 14 : i64} {
  func.func @_select_kernel(%arg0: i32, %arg1: i32, %arg2: memref<1048576xf32, #tpu.memory_space<hbm>>, %arg3: memref<16xf32, #tpu.memory_space<hbm>>, %arg4: memref<65536xf32, #tpu.memory_space<vmem>>, %arg5: memref<32768xi32, #tpu.memory_space<vmem>>, %arg6: memref<2048xi32, #tpu.memory_space<vmem>>, %arg7: memref<16xf32, #tpu.memory_space<vmem>>, %arg8: memref<256xf32, #tpu.memory_space<vmem>>, %arg9: memref<16xf32, #tpu.memory_space<vmem>>, %arg10: memref<32768xi32, #tpu.memory_space<vmem_shared>>, %arg11: memref<256xf32, #tpu.memory_space<vmem_shared>>) attributes {dimension_semantics = [#tpu.dimension_semantics<core_parallel>, #tpu.dimension_semantics<subcore_parallel>], iteration_bounds = array<i64: 1, 16>, scalar_prefetch = 0 : i64, scratch_operands = 8 : i64, tpu.core_type = #tpu.core_type<sc_vector_subcore>, window_params = [{transform_indices = #map}, {transform_indices = #map}]} {
    %iota3A = tpu.iota {dimensions = array<i32: 0>} : vector<16xi32>
    %broadcast_in_dim3A = arith.constant 1 : i32
    %broadcast_in_dim3A_0 = vector.broadcast %broadcast_in_dim3A : i32 to vector<16xi32>
    %mul3A = arith.constant 65536 : i32
    %mul3A_1 = arith.muli %arg1, %mul3A : i32
    "tpu.region"() ({
      %run_scoped3A = tpu.sem_alloc : memref<!tpu.dma_semaphore, #tpu.memory_space<semaphore_mem>>
      %dma_start3A = tpu.memref_slice %arg2[%mul3A_1] : memref<1048576xf32, #tpu.memory_space<hbm>> -> memref<65536xf32, #tpu.memory_space<hbm>>
      %dma_start3A_151 = tpu.memref_slice %arg2[%mul3A_1] : memref<1048576xf32, #tpu.memory_space<hbm>> -> memref<65536xf32, #tpu.memory_space<hbm>>
      tpu.enqueue_dma source(%dma_start3A_151 : memref<65536xf32, #tpu.memory_space<hbm>>) target(%arg4 : memref<65536xf32, #tpu.memory_space<vmem>>) target_semaphore(%run_scoped3A : memref<!tpu.dma_semaphore, #tpu.memory_space<semaphore_mem>>)
      %dma_wait3A = tpu.memref_slice %arg2[%mul3A_1] : memref<1048576xf32, #tpu.memory_space<hbm>> -> memref<65536xf32, #tpu.memory_space<hbm>>
      %dma_wait3A_152 = tpu.memref_slice %arg2[%mul3A_1] : memref<1048576xf32, #tpu.memory_space<hbm>> -> memref<65536xf32, #tpu.memory_space<hbm>>
      tpu.wait_dma2 semaphore(%run_scoped3A : memref<!tpu.dma_semaphore, #tpu.memory_space<semaphore_mem>>) src(%dma_wait3A_152 : memref<65536xf32, #tpu.memory_space<hbm>>) dst(%arg4 : memref<65536xf32, #tpu.memory_space<vmem>>)
      tpu.yield
    }) : () -> ()
    %scan3A = arith.constant 0 : i32
    %scan3A_2 = arith.constant 0 : i32
    %scan3A_3 = arith.constant 128 : i32
    %scan3A_4 = arith.addi %scan3A_2, %scan3A_3 : i32
    %scan3A_5 = arith.constant 1 : i32
    %scan3A_6 = scf.for %scan3A_151 = %scan3A_2 to %scan3A_4 step %scan3A_5 iter_args(%scan3A_152 = %scan3A) -> (i32)  : i32 {
      %broadcast_in_dim3A_153 = arith.constant 0 : i32
      %broadcast_in_dim3A_154 = vector.broadcast %broadcast_in_dim3A_153 : i32 to vector<16xi32>
      %mul3A_155 = arith.constant 16 : i32
      %mul3A_156 = arith.muli %scan3A_151, %mul3A_155 : i32
      %add3A = arith.constant 0 : i32
      %add3A_157 = arith.addi %add3A, %mul3A_156 : i32
      %swap3A_158 = arith.index_cast %add3A_157 : i32 to index
      %swap3A_159 = tpu.vector_load %arg5[%swap3A_158] {strides = array<i32>} : memref<32768xi32, #tpu.memory_space<vmem>>, vector<16xi32>,
      tpu.vector_store %arg5[%swap3A_158], %broadcast_in_dim3A_154 {strides = array<i32>} : memref<32768xi32, #tpu.memory_space<vmem>>, vector<16xi32>,
      %broadcast_in_dim3A_160 = arith.constant 0 : i32
      %broadcast_in_dim3A_161 = vector.broadcast %broadcast_in_dim3A_160 : i32 to vector<16xi32>
      %mul3A_162 = arith.constant 16 : i32
      %mul3A_163 = arith.muli %scan3A_151, %mul3A_162 : i32
      %add3A_164 = arith.constant 2048 : i32
      %add3A_165 = arith.addi %add3A_164, %mul3A_163 : i32
      %swap3A_166 = arith.index_cast %add3A_165 : i32 to index
      %swap3A_167 = tpu.vector_load %arg5[%swap3A_166] {strides = array<i32>} : memref<32768xi32, #tpu.memory_space<vmem>>, vector<16xi32>,
      tpu.vector_store %arg5[%swap3A_166], %broadcast_in_dim3A_161 {strides = array<i32>} : memref<32768xi32, #tpu.memory_space<vmem>>, vector<16xi32>,
      %broadcast_in_dim3A_168 = arith.constant 0 : i32
      %broadcast_in_dim3A_169 = vector.broadcast %broadcast_in_dim3A_168 : i32 to vector<16xi32>
      %mul3A_170 = arith.constant 16 : i32
      %mul3A_171 = arith.muli %scan3A_151, %mul3A_170 : i32
      %add3A_172 = arith.constant 4096 : i32
      %add3A_173 = arith.addi %add3A_172, %mul3A_171 : i32
      %swap3A_174 = arith.index_cast %add3A_173 : i32 to index
      %swap3A_175 = tpu.vector_load %arg5[%swap3A_174] {strides = array<i32>} : memref<32768xi32, #tpu.memory_space<vmem>>, vector<16xi32>,
      tpu.vector_store %arg5[%swap3A_174], %broadcast_in_dim3A_169 {strides = array<i32>} : memref<32768xi32, #tpu.memory_space<vmem>>, vector<16xi32>,
      %broadcast_in_dim3A_176 = arith.constant 0 : i32
      %broadcast_in_dim3A_177 = vector.broadcast %broadcast_in_dim3A_176 : i32 to vector<16xi32>
      %mul3A_178 = arith.constant 16 : i32
      %mul3A_179 = arith.muli %scan3A_151, %mul3A_178 : i32
      %add3A_180 = arith.constant 6144 : i32
      %add3A_181 = arith.addi %add3A_180, %mul3A_179 : i32
      %swap3A_182 = arith.index_cast %add3A_181 : i32 to index
      %swap3A_183 = tpu.vector_load %arg5[%swap3A_182] {strides = array<i32>} : memref<32768xi32, #tpu.memory_space<vmem>>, vector<16xi32>,
      tpu.vector_store %arg5[%swap3A_182], %broadcast_in_dim3A_177 {strides = array<i32>} : memref<32768xi32, #tpu.memory_space<vmem>>, vector<16xi32>,
      %broadcast_in_dim3A_184 = arith.constant 0 : i32
      %broadcast_in_dim3A_185 = vector.broadcast %broadcast_in_dim3A_184 : i32 to vector<16xi32>
      %mul3A_186 = arith.constant 16 : i32
      %mul3A_187 = arith.muli %scan3A_151, %mul3A_186 : i32
      %add3A_188 = arith.constant 8192 : i32
      %add3A_189 = arith.addi %add3A_188, %mul3A_187 : i32
      %swap3A_190 = arith.index_cast %add3A_189 : i32 to index
      %swap3A_191 = tpu.vector_load %arg5[%swap3A_190] {strides = array<i32>} : memref<32768xi32, #tpu.memory_space<vmem>>, vector<16xi32>,
      tpu.vector_store %arg5[%swap3A_190], %broadcast_in_dim3A_185 {strides = array<i32>} : memref<32768xi32, #tpu.memory_space<vmem>>, vector<16xi32>,
      %broadcast_in_dim3A_192 = arith.constant 0 : i32
      %broadcast_in_dim3A_193 = vector.broadcast %broadcast_in_dim3A_192 : i32 to vector<16xi32>
      %mul3A_194 = arith.constant 16 : i32
      %mul3A_195 = arith.muli %scan3A_151, %mul3A_194 : i32
      %add3A_196 = arith.constant 10240 : i32
      %add3A_197 = arith.addi %add3A_196, %mul3A_195 : i32
      %swap3A_198 = arith.index_cast %add3A_197 : i32 to index
      %swap3A_199 = tpu.vector_load %arg5[%swap3A_198] {strides = array<i32>} : memref<32768xi32, #tpu.memory_space<vmem>>, vector<16xi32>,
      tpu.vector_store %arg5[%swap3A_198], %broadcast_in_dim3A_193 {strides = array<i32>} : memref<32768xi32, #tpu.memory_space<vmem>>, vector<16xi32>,
      %broadcast_in_dim3A_200 = arith.constant 0 : i32
      %broadcast_in_dim3A_201 = vector.broadcast %broadcast_in_dim3A_200 : i32 to vector<16xi32>
      %mul3A_202 = arith.constant 16 : i32
      %mul3A_203 = arith.muli %scan3A_151, %mul3A_202 : i32
      %add3A_204 = arith.constant 12288 : i32
      %add3A_205 = arith.addi %add3A_204, %mul3A_203 : i32
      %swap3A_206 = arith.index_cast %add3A_205 : i32 to index
      %swap3A_207 = tpu.vector_load %arg5[%swap3A_206] {strides = array<i32>} : memref<32768xi32, #tpu.memory_space<vmem>>, vector<16xi32>,
      tpu.vector_store %arg5[%swap3A_206], %broadcast_in_dim3A_201 {strides = array<i32>} : memref<32768xi32, #tpu.memory_space<vmem>>, vector<16xi32>,
      %broadcast_in_dim3A_208 = arith.constant 0 : i32
      %broadcast_in_dim3A_209 = vector.broadcast %broadcast_in_dim3A_208 : i32 to vector<16xi32>
      %mul3A_210 = arith.constant 16 : i32
      %mul3A_211 = arith.muli %scan3A_151, %mul3A_210 : i32
      %add3A_212 = arith.constant 14336 : i32
      %add3A_213 = arith.addi %add3A_212, %mul3A_211 : i32
      %swap3A_214 = arith.index_cast %add3A_213 : i32 to index
      %swap3A_215 = tpu.vector_load %arg5[%swap3A_214] {strides = array<i32>} : memref<32768xi32, #tpu.memory_space<vmem>>, vector<16xi32>,
      tpu.vector_store %arg5[%swap3A_214], %broadcast_in_dim3A_209 {strides = array<i32>} : memref<32768xi32, #tpu.memory_space<vmem>>, vector<16xi32>,
      %broadcast_in_dim3A_216 = arith.constant 0 : i32
      %broadcast_in_dim3A_217 = vector.broadcast %broadcast_in_dim3A_216 : i32 to vector<16xi32>
      %mul3A_218 = arith.constant 16 : i32
      %mul3A_219 = arith.muli %scan3A_151, %mul3A_218 : i32
      %add3A_220 = arith.constant 16384 : i32
      %add3A_221 = arith.addi %add3A_220, %mul3A_219 : i32
      %swap3A_222 = arith.index_cast %add3A_221 : i32 to index
      %swap3A_223 = tpu.vector_load %arg5[%swap3A_222] {strides = array<i32>} : memref<32768xi32, #tpu.memory_space<vmem>>, vector<16xi32>,
      tpu.vector_store %arg5[%swap3A_222], %broadcast_in_dim3A_217 {strides = array<i32>} : memref<32768xi32, #tpu.memory_space<vmem>>, vector<16xi32>,
      %broadcast_in_dim3A_224 = arith.constant 0 : i32
      %broadcast_in_dim3A_225 = vector.broadcast %broadcast_in_dim3A_224 : i32 to vector<16xi32>
      %mul3A_226 = arith.constant 16 : i32
      %mul3A_227 = arith.muli %scan3A_151, %mul3A_226 : i32
      %add3A_228 = arith.constant 18432 : i32
      %add3A_229 = arith.addi %add3A_228, %mul3A_227 : i32
      %swap3A_230 = arith.index_cast %add3A_229 : i32 to index
      %swap3A_231 = tpu.vector_load %arg5[%swap3A_230] {strides = array<i32>} : memref<32768xi32, #tpu.memory_space<vmem>>, vector<16xi32>,
      tpu.vector_store %arg5[%swap3A_230], %broadcast_in_dim3A_225 {strides = array<i32>} : memref<32768xi32, #tpu.memory_space<vmem>>, vector<16xi32>,
      %broadcast_in_dim3A_232 = arith.constant 0 : i32
      %broadcast_in_dim3A_233 = vector.broadcast %broadcast_in_dim3A_232 : i32 to vector<16xi32>
      %mul3A_234 = arith.constant 16 : i32
      %mul3A_235 = arith.muli %scan3A_151, %mul3A_234 : i32
      %add3A_236 = arith.constant 20480 : i32
      %add3A_237 = arith.addi %add3A_236, %mul3A_235 : i32
      %swap3A_238 = arith.index_cast %add3A_237 : i32 to index
      %swap3A_239 = tpu.vector_load %arg5[%swap3A_238] {strides = array<i32>} : memref<32768xi32, #tpu.memory_space<vmem>>, vector<16xi32>,
      tpu.vector_store %arg5[%swap3A_238], %broadcast_in_dim3A_233 {strides = array<i32>} : memref<32768xi32, #tpu.memory_space<vmem>>, vector<16xi32>,
      %broadcast_in_dim3A_240 = arith.constant 0 : i32
      %broadcast_in_dim3A_241 = vector.broadcast %broadcast_in_dim3A_240 : i32 to vector<16xi32>
      %mul3A_242 = arith.constant 16 : i32
      %mul3A_243 = arith.muli %scan3A_151, %mul3A_242 : i32
      %add3A_244 = arith.constant 22528 : i32
      %add3A_245 = arith.addi %add3A_244, %mul3A_243 : i32
      %swap3A_246 = arith.index_cast %add3A_245 : i32 to index
      %swap3A_247 = tpu.vector_load %arg5[%swap3A_246] {strides = array<i32>} : memref<32768xi32, #tpu.memory_space<vmem>>, vector<16xi32>,
      tpu.vector_store %arg5[%swap3A_246], %broadcast_in_dim3A_241 {strides = array<i32>} : memref<32768xi32, #tpu.memory_space<vmem>>, vector<16xi32>,
      %broadcast_in_dim3A_248 = arith.constant 0 : i32
      %broadcast_in_dim3A_249 = vector.broadcast %broadcast_in_dim3A_248 : i32 to vector<16xi32>
      %mul3A_250 = arith.constant 16 : i32
      %mul3A_251 = arith.muli %scan3A_151, %mul3A_250 : i32
      %add3A_252 = arith.constant 24576 : i32
      %add3A_253 = arith.addi %add3A_252, %mul3A_251 : i32
      %swap3A_254 = arith.index_cast %add3A_253 : i32 to index
      %swap3A_255 = tpu.vector_load %arg5[%swap3A_254] {strides = array<i32>} : memref<32768xi32, #tpu.memory_space<vmem>>, vector<16xi32>,
      tpu.vector_store %arg5[%swap3A_254], %broadcast_in_dim3A_249 {strides = array<i32>} : memref<32768xi32, #tpu.memory_space<vmem>>, vector<16xi32>,
      %broadcast_in_dim3A_256 = arith.constant 0 : i32
      %broadcast_in_dim3A_257 = vector.broadcast %broadcast_in_dim3A_256 : i32 to vector<16xi32>
      %mul3A_258 = arith.constant 16 : i32
      %mul3A_259 = arith.muli %scan3A_151, %mul3A_258 : i32
      %add3A_260 = arith.constant 26624 : i32
      %add3A_261 = arith.addi %add3A_260, %mul3A_259 : i32
      %swap3A_262 = arith.index_cast %add3A_261 : i32 to index
      %swap3A_263 = tpu.vector_load %arg5[%swap3A_262] {strides = array<i32>} : memref<32768xi32, #tpu.memory_space<vmem>>, vector<16xi32>,
      tpu.vector_store %arg5[%swap3A_262], %broadcast_in_dim3A_257 {strides = array<i32>} : memref<32768xi32, #tpu.memory_space<vmem>>, vector<16xi32>,
      %broadcast_in_dim3A_264 = arith.constant 0 : i32
      %broadcast_in_dim3A_265 = vector.broadcast %broadcast_in_dim3A_264 : i32 to vector<16xi32>
      %mul3A_266 = arith.constant 16 : i32
      %mul3A_267 = arith.muli %scan3A_151, %mul3A_266 : i32
      %add3A_268 = arith.constant 28672 : i32
      %add3A_269 = arith.addi %add3A_268, %mul3A_267 : i32
      %swap3A_270 = arith.index_cast %add3A_269 : i32 to index
      %swap3A_271 = tpu.vector_load %arg5[%swap3A_270] {strides = array<i32>} : memref<32768xi32, #tpu.memory_space<vmem>>, vector<16xi32>,
      tpu.vector_store %arg5[%swap3A_270], %broadcast_in_dim3A_265 {strides = array<i32>} : memref<32768xi32, #tpu.memory_space<vmem>>, vector<16xi32>,
      %broadcast_in_dim3A_272 = arith.constant 0 : i32
      %broadcast_in_dim3A_273 = vector.broadcast %broadcast_in_dim3A_272 : i32 to vector<16xi32>
      %mul3A_274 = arith.constant 16 : i32
      %mul3A_275 = arith.muli %scan3A_151, %mul3A_274 : i32
      %add3A_276 = arith.constant 30720 : i32
      %add3A_277 = arith.addi %add3A_276, %mul3A_275 : i32
      %swap3A_278 = arith.index_cast %add3A_277 : i32 to index
      %swap3A_279 = tpu.vector_load %arg5[%swap3A_278] {strides = array<i32>} : memref<32768xi32, #tpu.memory_space<vmem>>, vector<16xi32>,
      tpu.vector_store %arg5[%swap3A_278], %broadcast_in_dim3A_273 {strides = array<i32>} : memref<32768xi32, #tpu.memory_space<vmem>>, vector<16xi32>,
      %scan3A_280 = arith.constant 0 : i32
      scf.yield %scan3A_280 : i32
    }
    %scan3A_7 = arith.constant 128 : i32
    %scan3A_8 = arith.constant 0 : i32
    %scan3A_9 = arith.constant 0 : i32
    %scan3A_10 = arith.constant 4096 : i32
    %scan3A_11 = arith.addi %scan3A_9, %scan3A_10 : i32
    %scan3A_12 = arith.constant 1 : i32
    %scan3A_13 = scf.for %scan3A_151 = %scan3A_9 to %scan3A_11 step %scan3A_12 iter_args(%scan3A_152 = %scan3A_8) -> (i32)  : i32 {
      %mul3A_153 = arith.constant 16 : i32
      %mul3A_154 = arith.muli %scan3A_151, %mul3A_153 : i32
      %get3A = arith.index_cast %mul3A_154 : i32 to index
      %get3A_155 = tpu.vector_load %arg4[%get3A] {strides = array<i32>} : memref<65536xf32, #tpu.memory_space<vmem>>, vector<16xf32>,
      %bitcast_convert_type3A = tpu.bitcast %get3A_155 : vector<16xf32> -> vector<16xi32>
      %shift_right_arithmetic3A = arith.constant 20 : i32
      %shift_right_arithmetic3A_156 = vector.broadcast %shift_right_arithmetic3A : i32 to vector<16xi32>
      %shift_right_arithmetic3A_157 = arith.shrsi %bitcast_convert_type3A, %shift_right_arithmetic3A_156 : vector<16xi32>
      %and3A = arith.constant 2047 : i32
      %and3A_158 = vector.broadcast %and3A : i32 to vector<16xi32>
      %and3A_159 = arith.andi %shift_right_arithmetic3A_157, %and3A_158 : vector<16xi32>
      %mul3A_160 = arith.constant 2048 : i32
      %mul3A_161 = vector.broadcast %mul3A_160 : i32 to vector<16xi32>
      %mul3A_162 = arith.muli %iota3A, %mul3A_161 : vector<16xi32>
      %add3A = arith.addi %mul3A_162, %and3A_159 : vector<16xi32>
      tpu.vector_store_idx %arg5[%add3A], %broadcast_in_dim3A_0 {add = true} : memref<32768xi32, #tpu.memory_space<vmem>>[vector<16xi32>], vector<16xi32>,
      %scan3A_163 = arith.constant 0 : i32
      scf.yield %scan3A_163 : i32
    }
    %scan3A_14 = arith.constant 4096 : i32
    %scan3A_15 = arith.constant 0 : i32
    %scan3A_16 = arith.constant 0 : i32
    %scan3A_17 = arith.constant 128 : i32
    %scan3A_18 = arith.addi %scan3A_16, %scan3A_17 : i32
    %scan3A_19 = arith.constant 1 : i32
    %scan3A_20 = scf.for %scan3A_151 = %scan3A_16 to %scan3A_18 step %scan3A_19 iter_args(%scan3A_152 = %scan3A_15) -> (i32)  : i32 {
      %mul3A_153 = arith.constant 16 : i32
      %mul3A_154 = arith.muli %scan3A_151, %mul3A_153 : i32
      %get3A = arith.index_cast %mul3A_154 : i32 to index
      %get3A_155 = tpu.vector_load %arg5[%get3A] {strides = array<i32>} : memref<32768xi32, #tpu.memory_space<vmem>>, vector<16xi32>,
      %mul3A_156 = arith.constant 16 : i32
      %mul3A_157 = arith.muli %scan3A_151, %mul3A_156 : i32
      %add3A = arith.constant 2048 : i32
      %add3A_158 = arith.addi %add3A, %mul3A_157 : i32
      %get3A_159 = arith.index_cast %add3A_158 : i32 to index
      %get3A_160 = tpu.vector_load %arg5[%get3A_159] {strides = array<i32>} : memref<32768xi32, #tpu.memory_space<vmem>>, vector<16xi32>,
      %add3A_161 = arith.addi %get3A_155, %get3A_160 : vector<16xi32>
      %mul3A_162 = arith.constant 16 : i32
      %mul3A_163 = arith.muli %scan3A_151, %mul3A_162 : i32
      %add3A_164 = arith.constant 4096 : i32
      %add3A_165 = arith.addi %add3A_164, %mul3A_163 : i32
      %get3A_166 = arith.index_cast %add3A_165 : i32 to index
      %get3A_167 = tpu.vector_load %arg5[%get3A_166] {strides = array<i32>} : memref<32768xi32, #tpu.memory_space<vmem>>, vector<16xi32>,
      %add3A_168 = arith.addi %add3A_161, %get3A_167 : vector<16xi32>
      %mul3A_169 = arith.constant 16 : i32
      %mul3A_170 = arith.muli %scan3A_151, %mul3A_169 : i32
      %add3A_171 = arith.constant 6144 : i32
      %add3A_172 = arith.addi %add3A_171, %mul3A_170 : i32
      %get3A_173 = arith.index_cast %add3A_172 : i32 to index
      %get3A_174 = tpu.vector_load %arg5[%get3A_173] {strides = array<i32>} : memref<32768xi32, #tpu.memory_space<vmem>>, vector<16xi32>,
      %add3A_175 = arith.addi %add3A_168, %get3A_174 : vector<16xi32>
      %mul3A_176 = arith.constant 16 : i32
      %mul3A_177 = arith.muli %scan3A_151, %mul3A_176 : i32
      %add3A_178 = arith.constant 8192 : i32
      %add3A_179 = arith.addi %add3A_178, %mul3A_177 : i32
      %get3A_180 = arith.index_cast %add3A_179 : i32 to index
      %get3A_181 = tpu.vector_load %arg5[%get3A_180] {strides = array<i32>} : memref<32768xi32, #tpu.memory_space<vmem>>, vector<16xi32>,
      %add3A_182 = arith.addi %add3A_175, %get3A_181 : vector<16xi32>
      %mul3A_183 = arith.constant 16 : i32
      %mul3A_184 = arith.muli %scan3A_151, %mul3A_183 : i32
      %add3A_185 = arith.constant 10240 : i32
      %add3A_186 = arith.addi %add3A_185, %mul3A_184 : i32
      %get3A_187 = arith.index_cast %add3A_186 : i32 to index
      %get3A_188 = tpu.vector_load %arg5[%get3A_187] {strides = array<i32>} : memref<32768xi32, #tpu.memory_space<vmem>>, vector<16xi32>,
      %add3A_189 = arith.addi %add3A_182, %get3A_188 : vector<16xi32>
      %mul3A_190 = arith.constant 16 : i32
      %mul3A_191 = arith.muli %scan3A_151, %mul3A_190 : i32
      %add3A_192 = arith.constant 12288 : i32
      %add3A_193 = arith.addi %add3A_192, %mul3A_191 : i32
      %get3A_194 = arith.index_cast %add3A_193 : i32 to index
      %get3A_195 = tpu.vector_load %arg5[%get3A_194] {strides = array<i32>} : memref<32768xi32, #tpu.memory_space<vmem>>, vector<16xi32>,
      %add3A_196 = arith.addi %add3A_189, %get3A_195 : vector<16xi32>
      %mul3A_197 = arith.constant 16 : i32
      %mul3A_198 = arith.muli %scan3A_151, %mul3A_197 : i32
      %add3A_199 = arith.constant 14336 : i32
      %add3A_200 = arith.addi %add3A_199, %mul3A_198 : i32
      %get3A_201 = arith.index_cast %add3A_200 : i32 to index
      %get3A_202 = tpu.vector_load %arg5[%get3A_201] {strides = array<i32>} : memref<32768xi32, #tpu.memory_space<vmem>>, vector<16xi32>,
      %add3A_203 = arith.addi %add3A_196, %get3A_202 : vector<16xi32>
      %mul3A_204 = arith.constant 16 : i32
      %mul3A_205 = arith.muli %scan3A_151, %mul3A_204 : i32
      %add3A_206 = arith.constant 16384 : i32
      %add3A_207 = arith.addi %add3A_206, %mul3A_205 : i32
      %get3A_208 = arith.index_cast %add3A_207 : i32 to index
      %get3A_209 = tpu.vector_load %arg5[%get3A_208] {strides = array<i32>} : memref<32768xi32, #tpu.memory_space<vmem>>, vector<16xi32>,
      %add3A_210 = arith.addi %add3A_203, %get3A_209 : vector<16xi32>
      %mul3A_211 = arith.constant 16 : i32
      %mul3A_212 = arith.muli %scan3A_151, %mul3A_211 : i32
      %add3A_213 = arith.constant 18432 : i32
      %add3A_214 = arith.addi %add3A_213, %mul3A_212 : i32
      %get3A_215 = arith.index_cast %add3A_214 : i32 to index
      %get3A_216 = tpu.vector_load %arg5[%get3A_215] {strides = array<i32>} : memref<32768xi32, #tpu.memory_space<vmem>>, vector<16xi32>,
      %add3A_217 = arith.addi %add3A_210, %get3A_216 : vector<16xi32>
      %mul3A_218 = arith.constant 16 : i32
      %mul3A_219 = arith.muli %scan3A_151, %mul3A_218 : i32
      %add3A_220 = arith.constant 20480 : i32
      %add3A_221 = arith.addi %add3A_220, %mul3A_219 : i32
      %get3A_222 = arith.index_cast %add3A_221 : i32 to index
      %get3A_223 = tpu.vector_load %arg5[%get3A_222] {strides = array<i32>} : memref<32768xi32, #tpu.memory_space<vmem>>, vector<16xi32>,
      %add3A_224 = arith.addi %add3A_217, %get3A_223 : vector<16xi32>
      %mul3A_225 = arith.constant 16 : i32
      %mul3A_226 = arith.muli %scan3A_151, %mul3A_225 : i32
      %add3A_227 = arith.constant 22528 : i32
      %add3A_228 = arith.addi %add3A_227, %mul3A_226 : i32
      %get3A_229 = arith.index_cast %add3A_228 : i32 to index
      %get3A_230 = tpu.vector_load %arg5[%get3A_229] {strides = array<i32>} : memref<32768xi32, #tpu.memory_space<vmem>>, vector<16xi32>,
      %add3A_231 = arith.addi %add3A_224, %get3A_230 : vector<16xi32>
      %mul3A_232 = arith.constant 16 : i32
      %mul3A_233 = arith.muli %scan3A_151, %mul3A_232 : i32
      %add3A_234 = arith.constant 24576 : i32
      %add3A_235 = arith.addi %add3A_234, %mul3A_233 : i32
      %get3A_236 = arith.index_cast %add3A_235 : i32 to index
      %get3A_237 = tpu.vector_load %arg5[%get3A_236] {strides = array<i32>} : memref<32768xi32, #tpu.memory_space<vmem>>, vector<16xi32>,
      %add3A_238 = arith.addi %add3A_231, %get3A_237 : vector<16xi32>
      %mul3A_239 = arith.constant 16 : i32
      %mul3A_240 = arith.muli %scan3A_151, %mul3A_239 : i32
      %add3A_241 = arith.constant 26624 : i32
      %add3A_242 = arith.addi %add3A_241, %mul3A_240 : i32
      %get3A_243 = arith.index_cast %add3A_242 : i32 to index
      %get3A_244 = tpu.vector_load %arg5[%get3A_243] {strides = array<i32>} : memref<32768xi32, #tpu.memory_space<vmem>>, vector<16xi32>,
      %add3A_245 = arith.addi %add3A_238, %get3A_244 : vector<16xi32>
      %mul3A_246 = arith.constant 16 : i32
      %mul3A_247 = arith.muli %scan3A_151, %mul3A_246 : i32
      %add3A_248 = arith.constant 28672 : i32
      %add3A_249 = arith.addi %add3A_248, %mul3A_247 : i32
      %get3A_250 = arith.index_cast %add3A_249 : i32 to index
      %get3A_251 = tpu.vector_load %arg5[%get3A_250] {strides = array<i32>} : memref<32768xi32, #tpu.memory_space<vmem>>, vector<16xi32>,
      %add3A_252 = arith.addi %add3A_245, %get3A_251 : vector<16xi32>
      %mul3A_253 = arith.constant 16 : i32
      %mul3A_254 = arith.muli %scan3A_151, %mul3A_253 : i32
      %add3A_255 = arith.constant 30720 : i32
      %add3A_256 = arith.addi %add3A_255, %mul3A_254 : i32
      %get3A_257 = arith.index_cast %add3A_256 : i32 to index
      %get3A_258 = tpu.vector_load %arg5[%get3A_257] {strides = array<i32>} : memref<32768xi32, #tpu.memory_space<vmem>>, vector<16xi32>,
      %add3A_259 = arith.addi %add3A_252, %get3A_258 : vector<16xi32>
      %mul3A_260 = arith.constant 16 : i32
      %mul3A_261 = arith.muli %scan3A_151, %mul3A_260 : i32
      %swap3A_262 = arith.index_cast %mul3A_261 : i32 to index
      %swap3A_263 = tpu.vector_load %arg6[%swap3A_262] {strides = array<i32>} : memref<2048xi32, #tpu.memory_space<vmem>>, vector<16xi32>,
      tpu.vector_store %arg6[%swap3A_262], %add3A_259 {strides = array<i32>} : memref<2048xi32, #tpu.memory_space<vmem>>, vector<16xi32>,
      %scan3A_264 = arith.constant 0 : i32
      scf.yield %scan3A_264 : i32
    }
    %scan3A_21 = arith.constant 128 : i32
    %mul3A_22 = arith.constant 2048 : i32
    %mul3A_23 = arith.muli %arg1, %mul3A_22 : i32
    "tpu.region"() ({
      %run_scoped3A = tpu.sem_alloc : memref<!tpu.dma_semaphore, #tpu.memory_space<semaphore_mem>>
      %dma_start3A = arith.constant 0 : i32
      %dma_start3A_151 = tpu.memref_slice %arg6[%dma_start3A] : memref<2048xi32, #tpu.memory_space<vmem>> -> memref<2048xi32, #tpu.memory_space<vmem>>
      %dma_start3A_152 = tpu.memref_slice %arg10[%mul3A_23] : memref<32768xi32, #tpu.memory_space<vmem_shared>> -> memref<2048xi32, #tpu.memory_space<vmem_shared>>
      %dma_start3A_153 = tpu.memref_slice %arg10[%mul3A_23] : memref<32768xi32, #tpu.memory_space<vmem_shared>> -> memref<2048xi32, #tpu.memory_space<vmem_shared>>
      %dma_start3A_154 = arith.constant 0 : i32
      %dma_start3A_155 = tpu.memref_slice %arg6[%dma_start3A_154] : memref<2048xi32, #tpu.memory_space<vmem>> -> memref<2048xi32, #tpu.memory_space<vmem>>
      tpu.enqueue_dma source(%dma_start3A_155 : memref<2048xi32, #tpu.memory_space<vmem>>) target(%dma_start3A_153 : memref<2048xi32, #tpu.memory_space<vmem_shared>>) target_semaphore(%run_scoped3A : memref<!tpu.dma_semaphore, #tpu.memory_space<semaphore_mem>>)
      %dma_wait3A = arith.constant 0 : i32
      %dma_wait3A_156 = tpu.memref_slice %arg6[%dma_wait3A] : memref<2048xi32, #tpu.memory_space<vmem>> -> memref<2048xi32, #tpu.memory_space<vmem>>
      %dma_wait3A_157 = tpu.memref_slice %arg10[%mul3A_23] : memref<32768xi32, #tpu.memory_space<vmem_shared>> -> memref<2048xi32, #tpu.memory_space<vmem_shared>>
      %dma_wait3A_158 = tpu.memref_slice %arg10[%mul3A_23] : memref<32768xi32, #tpu.memory_space<vmem_shared>> -> memref<2048xi32, #tpu.memory_space<vmem_shared>>
      %dma_wait3A_159 = arith.constant 0 : i32
      %dma_wait3A_160 = tpu.memref_slice %arg6[%dma_wait3A_159] : memref<2048xi32, #tpu.memory_space<vmem>> -> memref<2048xi32, #tpu.memory_space<vmem>>
      tpu.wait_dma2 semaphore(%run_scoped3A : memref<!tpu.dma_semaphore, #tpu.memory_space<semaphore_mem>>) src(%dma_wait3A_160 : memref<2048xi32, #tpu.memory_space<vmem>>) dst(%dma_wait3A_158 : memref<2048xi32, #tpu.memory_space<vmem_shared>>)
      tpu.yield
    }) : () -> ()
    %barrier3A = arith.constant 0 : index
    tpu.barrier barrier_id(%barrier3A)
    "tpu.region"() ({
      %run_scoped3A = tpu.sem_alloc : memref<!tpu.dma_semaphore, #tpu.memory_space<semaphore_mem>>
      tpu.enqueue_dma source(%arg10 : memref<32768xi32, #tpu.memory_space<vmem_shared>>) target(%arg5 : memref<32768xi32, #tpu.memory_space<vmem>>) target_semaphore(%run_scoped3A : memref<!tpu.dma_semaphore, #tpu.memory_space<semaphore_mem>>)
      tpu.wait_dma2 semaphore(%run_scoped3A : memref<!tpu.dma_semaphore, #tpu.memory_space<semaphore_mem>>) src(%arg10 : memref<32768xi32, #tpu.memory_space<vmem_shared>>) dst(%arg5 : memref<32768xi32, #tpu.memory_space<vmem>>)
      tpu.yield
    }) : () -> ()
    %barrier3A_24 = arith.constant 0 : index
    tpu.barrier barrier_id(%barrier3A_24)
    %scan3A_25 = arith.constant 154171 : i32
    %scan3A_26 = arith.constant 0 : i32
    %scan3A_27 = arith.constant 0 : i32
    %scan3A_28 = arith.constant false
    %scan3A_29 = arith.constant 0 : i32
    %scan3A_30 = arith.constant 0 : i32
    %scan3A_31 = arith.constant 128 : i32
    %scan3A_32 = arith.addi %scan3A_30, %scan3A_31 : i32
    %scan3A_33 = arith.constant 1 : i32
    %scan3A_34:4 = scf.for %scan3A_151 = %scan3A_30 to %scan3A_32 step %scan3A_33 iter_args(%scan3A_152 = %scan3A_26, %scan3A_153 = %scan3A_27, %scan3A_154 = %scan3A_28, %scan3A_155 = %scan3A_29) -> (i32, i32, i1, i32)  : i32 {
      %sub3A_156 = arith.constant 127 : i32
      %sub3A_157 = arith.subi %sub3A_156, %scan3A_151 : i32
      %mul3A_158 = arith.constant 16 : i32
      %mul3A_159 = arith.muli %sub3A_157, %mul3A_158 : i32
      %get3A = arith.index_cast %mul3A_159 : i32 to index
      %get3A_160 = tpu.vector_load %arg5[%get3A] {strides = array<i32>} : memref<32768xi32, #tpu.memory_space<vmem>>, vector<16xi32>,
      %mul3A_161 = arith.constant 16 : i32
      %mul3A_162 = arith.muli %sub3A_157, %mul3A_161 : i32
      %add3A = arith.constant 2048 : i32
      %add3A_163 = arith.addi %add3A, %mul3A_162 : i32
      %get3A_164 = arith.index_cast %add3A_163 : i32 to index
      %get3A_165 = tpu.vector_load %arg5[%get3A_164] {strides = array<i32>} : memref<32768xi32, #tpu.memory_space<vmem>>, vector<16xi32>,
      %add3A_166 = arith.addi %get3A_160, %get3A_165 : vector<16xi32>
      %mul3A_167 = arith.constant 16 : i32
      %mul3A_168 = arith.muli %sub3A_157, %mul3A_167 : i32
      %add3A_169 = arith.constant 4096 : i32
      %add3A_170 = arith.addi %add3A_169, %mul3A_168 : i32
      %get3A_171 = arith.index_cast %add3A_170 : i32 to index
      %get3A_172 = tpu.vector_load %arg5[%get3A_171] {strides = array<i32>} : memref<32768xi32, #tpu.memory_space<vmem>>, vector<16xi32>,
      %add3A_173 = arith.addi %add3A_166, %get3A_172 : vector<16xi32>
      %mul3A_174 = arith.constant 16 : i32
      %mul3A_175 = arith.muli %sub3A_157, %mul3A_174 : i32
      %add3A_176 = arith.constant 6144 : i32
      %add3A_177 = arith.addi %add3A_176, %mul3A_175 : i32
      %get3A_178 = arith.index_cast %add3A_177 : i32 to index
      %get3A_179 = tpu.vector_load %arg5[%get3A_178] {strides = array<i32>} : memref<32768xi32, #tpu.memory_space<vmem>>, vector<16xi32>,
      %add3A_180 = arith.addi %add3A_173, %get3A_179 : vector<16xi32>
      %mul3A_181 = arith.constant 16 : i32
      %mul3A_182 = arith.muli %sub3A_157, %mul3A_181 : i32
      %add3A_183 = arith.constant 8192 : i32
      %add3A_184 = arith.addi %add3A_183, %mul3A_182 : i32
      %get3A_185 = arith.index_cast %add3A_184 : i32 to index
      %get3A_186 = tpu.vector_load %arg5[%get3A_185] {strides = array<i32>} : memref<32768xi32, #tpu.memory_space<vmem>>, vector<16xi32>,
      %add3A_187 = arith.addi %add3A_180, %get3A_186 : vector<16xi32>
      %mul3A_188 = arith.constant 16 : i32
      %mul3A_189 = arith.muli %sub3A_157, %mul3A_188 : i32
      %add3A_190 = arith.constant 10240 : i32
      %add3A_191 = arith.addi %add3A_190, %mul3A_189 : i32
      %get3A_192 = arith.index_cast %add3A_191 : i32 to index
      %get3A_193 = tpu.vector_load %arg5[%get3A_192] {strides = array<i32>} : memref<32768xi32, #tpu.memory_space<vmem>>, vector<16xi32>,
      %add3A_194 = arith.addi %add3A_187, %get3A_193 : vector<16xi32>
      %mul3A_195 = arith.constant 16 : i32
      %mul3A_196 = arith.muli %sub3A_157, %mul3A_195 : i32
      %add3A_197 = arith.constant 12288 : i32
      %add3A_198 = arith.addi %add3A_197, %mul3A_196 : i32
      %get3A_199 = arith.index_cast %add3A_198 : i32 to index
      %get3A_200 = tpu.vector_load %arg5[%get3A_199] {strides = array<i32>} : memref<32768xi32, #tpu.memory_space<vmem>>, vector<16xi32>,
      %add3A_201 = arith.addi %add3A_194, %get3A_200 : vector<16xi32>
      %mul3A_202 = arith.constant 16 : i32
      %mul3A_203 = arith.muli %sub3A_157, %mul3A_202 : i32
      %add3A_204 = arith.constant 14336 : i32
      %add3A_205 = arith.addi %add3A_204, %mul3A_203 : i32
      %get3A_206 = arith.index_cast %add3A_205 : i32 to index
      %get3A_207 = tpu.vector_load %arg5[%get3A_206] {strides = array<i32>} : memref<32768xi32, #tpu.memory_space<vmem>>, vector<16xi32>,
      %add3A_208 = arith.addi %add3A_201, %get3A_207 : vector<16xi32>
      %mul3A_209 = arith.constant 16 : i32
      %mul3A_210 = arith.muli %sub3A_157, %mul3A_209 : i32
      %add3A_211 = arith.constant 16384 : i32
      %add3A_212 = arith.addi %add3A_211, %mul3A_210 : i32
      %get3A_213 = arith.index_cast %add3A_212 : i32 to index
      %get3A_214 = tpu.vector_load %arg5[%get3A_213] {strides = array<i32>} : memref<32768xi32, #tpu.memory_space<vmem>>, vector<16xi32>,
      %add3A_215 = arith.addi %add3A_208, %get3A_214 : vector<16xi32>
      %mul3A_216 = arith.constant 16 : i32
      %mul3A_217 = arith.muli %sub3A_157, %mul3A_216 : i32
      %add3A_218 = arith.constant 18432 : i32
      %add3A_219 = arith.addi %add3A_218, %mul3A_217 : i32
      %get3A_220 = arith.index_cast %add3A_219 : i32 to index
      %get3A_221 = tpu.vector_load %arg5[%get3A_220] {strides = array<i32>} : memref<32768xi32, #tpu.memory_space<vmem>>, vector<16xi32>,
      %add3A_222 = arith.addi %add3A_215, %get3A_221 : vector<16xi32>
      %mul3A_223 = arith.constant 16 : i32
      %mul3A_224 = arith.muli %sub3A_157, %mul3A_223 : i32
      %add3A_225 = arith.constant 20480 : i32
      %add3A_226 = arith.addi %add3A_225, %mul3A_224 : i32
      %get3A_227 = arith.index_cast %add3A_226 : i32 to index
      %get3A_228 = tpu.vector_load %arg5[%get3A_227] {strides = array<i32>} : memref<32768xi32, #tpu.memory_space<vmem>>, vector<16xi32>,
      %add3A_229 = arith.addi %add3A_222, %get3A_228 : vector<16xi32>
      %mul3A_230 = arith.constant 16 : i32
      %mul3A_231 = arith.muli %sub3A_157, %mul3A_230 : i32
      %add3A_232 = arith.constant 22528 : i32
      %add3A_233 = arith.addi %add3A_232, %mul3A_231 : i32
      %get3A_234 = arith.index_cast %add3A_233 : i32 to index
      %get3A_235 = tpu.vector_load %arg5[%get3A_234] {strides = array<i32>} : memref<32768xi32, #tpu.memory_space<vmem>>, vector<16xi32>,
      %add3A_236 = arith.addi %add3A_229, %get3A_235 : vector<16xi32>
      %mul3A_237 = arith.constant 16 : i32
      %mul3A_238 = arith.muli %sub3A_157, %mul3A_237 : i32
      %add3A_239 = arith.constant 24576 : i32
      %add3A_240 = arith.addi %add3A_239, %mul3A_238 : i32
      %get3A_241 = arith.index_cast %add3A_240 : i32 to index
      %get3A_242 = tpu.vector_load %arg5[%get3A_241] {strides = array<i32>} : memref<32768xi32, #tpu.memory_space<vmem>>, vector<16xi32>,
      %add3A_243 = arith.addi %add3A_236, %get3A_242 : vector<16xi32>
      %mul3A_244 = arith.constant 16 : i32
      %mul3A_245 = arith.muli %sub3A_157, %mul3A_244 : i32
      %add3A_246 = arith.constant 26624 : i32
      %add3A_247 = arith.addi %add3A_246, %mul3A_245 : i32
      %get3A_248 = arith.index_cast %add3A_247 : i32 to index
      %get3A_249 = tpu.vector_load %arg5[%get3A_248] {strides = array<i32>} : memref<32768xi32, #tpu.memory_space<vmem>>, vector<16xi32>,
      %add3A_250 = arith.addi %add3A_243, %get3A_249 : vector<16xi32>
      %mul3A_251 = arith.constant 16 : i32
      %mul3A_252 = arith.muli %sub3A_157, %mul3A_251 : i32
      %add3A_253 = arith.constant 28672 : i32
      %add3A_254 = arith.addi %add3A_253, %mul3A_252 : i32
      %get3A_255 = arith.index_cast %add3A_254 : i32 to index
      %get3A_256 = tpu.vector_load %arg5[%get3A_255] {strides = array<i32>} : memref<32768xi32, #tpu.memory_space<vmem>>, vector<16xi32>,
      %add3A_257 = arith.addi %add3A_250, %get3A_256 : vector<16xi32>
      %mul3A_258 = arith.constant 16 : i32
      %mul3A_259 = arith.muli %sub3A_157, %mul3A_258 : i32
      %add3A_260 = arith.constant 30720 : i32
      %add3A_261 = arith.addi %add3A_260, %mul3A_259 : i32
      %get3A_262 = arith.index_cast %add3A_261 : i32 to index
      %get3A_263 = tpu.vector_load %arg5[%get3A_262] {strides = array<i32>} : memref<32768xi32, #tpu.memory_space<vmem>>, vector<16xi32>,
      %add3A_264 = arith.addi %add3A_257, %get3A_263 : vector<16xi32>
      %rev3A = arith.constant 15 : i32
      %rev3A_265 = vector.broadcast %rev3A : i32 to vector<16xi32>
      %rev3A_266 = tpu.iota {dimensions = array<i32: 0>} : vector<16xi32>
      %rev3A_267 = arith.subi %rev3A_265, %rev3A_266 : vector<16xi32>
      %rev3A_268 = tpu.dynamic_gather %add3A_264[%rev3A_267] in [0] : vector<16xi32>, vector<16xi32> -> vector<16xi32>
      %cumsum3A = arith.constant true
      %cumsum3A_269 = vector.broadcast %cumsum3A : i1 to vector<16xi1>
      %cumsum3A_270 = tpu.scan <sum>, %rev3A_268 masked %cumsum3A_269 : vector<16xi32>, vector<16xi1> -> vector<16xi32>
      %rev3A_271 = arith.constant 15 : i32
      %rev3A_272 = vector.broadcast %rev3A_271 : i32 to vector<16xi32>
      %rev3A_273 = tpu.iota {dimensions = array<i32: 0>} : vector<16xi32>
      %rev3A_274 = arith.subi %rev3A_272, %rev3A_273 : vector<16xi32>
      %rev3A_275 = tpu.dynamic_gather %cumsum3A_270[%rev3A_274] in [0] : vector<16xi32>, vector<16xi32> -> vector<16xi32>
      %add3A_276 = vector.broadcast %scan3A_152 : i32 to vector<16xi32>
      %add3A_277 = arith.addi %rev3A_275, %add3A_276 : vector<16xi32>
      %ge3A = vector.broadcast %scan3A_25 : i32 to vector<16xi32>
      %ge3A_278 = arith.cmpi sge, %add3A_277, %ge3A : vector<16xi32>
      %convert_element_type3A_279 = arith.extui %ge3A_278 : vector<16xi1> to vector<16xi32>
      %reduce_sum3A_280 = arith.constant true
      %reduce_sum3A_281 = vector.broadcast %reduce_sum3A_280 : i1 to vector<16xi1>
      %reduce_sum3A_282 = tpu.scan <sum>, %convert_element_type3A_279 masked %reduce_sum3A_281 : vector<16xi32>, vector<16xi1> -> vector<16xi32>
      %reduce_sum3A_283 = vector.extract %reduce_sum3A_282[15] : i32 from vector<16xi32>
      %sub3A_284 = arith.constant 1 : i32
      %sub3A_285 = arith.subi %reduce_sum3A_283, %sub3A_284 : i32
      %ge3A_286 = arith.constant 0 : i32
      %ge3A_287 = arith.cmpi sge, %sub3A_285, %ge3A_286 : i32
      %not3A = arith.constant true
      %not3A_288 = arith.xori %scan3A_154, %not3A : i1
      %and3A = arith.andi %ge3A_287, %not3A_288 : i1
      %eq3A_289 = vector.broadcast %sub3A_285 : i32 to vector<16xi32>
      %eq3A_290 = arith.cmpi eq, %iota3A, %eq3A_289 : vector<16xi32>
      %jit3A_291 = arith.constant 0 : i32
      %broadcast_in_dim3A_292 = vector.broadcast %jit3A_291 : i32 to vector<16xi32>
      %select_n3A_293 = arith.select %eq3A_290, %add3A_277, %broadcast_in_dim3A_292 : vector<16xi1>, vector<16xi32>
      %reduce_sum3A_294 = arith.constant true
      %reduce_sum3A_295 = vector.broadcast %reduce_sum3A_294 : i1 to vector<16xi1>
      %reduce_sum3A_296 = tpu.scan <sum>, %select_n3A_293 masked %reduce_sum3A_295 : vector<16xi32>, vector<16xi1> -> vector<16xi32>
      %reduce_sum3A_297 = vector.extract %reduce_sum3A_296[15] : i32 from vector<16xi32>
      %jit3A_298 = arith.constant 0 : i32
      %broadcast_in_dim3A_299 = vector.broadcast %jit3A_298 : i32 to vector<16xi32>
      %select_n3A_300 = arith.select %eq3A_290, %add3A_264, %broadcast_in_dim3A_299 : vector<16xi1>, vector<16xi32>
      %reduce_sum3A_301 = arith.constant true
      %reduce_sum3A_302 = vector.broadcast %reduce_sum3A_301 : i1 to vector<16xi1>
      %reduce_sum3A_303 = tpu.scan <sum>, %select_n3A_300 masked %reduce_sum3A_302 : vector<16xi32>, vector<16xi1> -> vector<16xi32>
      %reduce_sum3A_304 = vector.extract %reduce_sum3A_303[15] : i32 from vector<16xi32>
      %mul3A_305 = arith.constant 16 : i32
      %mul3A_306 = arith.muli %sub3A_157, %mul3A_305 : i32
      %add3A_307 = arith.addi %mul3A_306, %sub3A_285 : i32
      %select_n3A_308 = arith.select %and3A, %add3A_307, %scan3A_153 : i32
      %sub3A_309 = arith.subi %reduce_sum3A_297, %reduce_sum3A_304 : i32
      %select_n3A_310 = arith.select %and3A, %sub3A_309, %scan3A_155 : i32
      %or3A_311 = arith.ori %scan3A_154, %ge3A_287 : i1
      %reduce_sum3A_312 = arith.constant true
      %reduce_sum3A_313 = vector.broadcast %reduce_sum3A_312 : i1 to vector<16xi1>
      %reduce_sum3A_314 = tpu.scan <sum>, %add3A_264 masked %reduce_sum3A_313 : vector<16xi32>, vector<16xi1> -> vector<16xi32>
      %reduce_sum3A_315 = vector.extract %reduce_sum3A_314[15] : i32 from vector<16xi32>
      %add3A_316 = arith.addi %scan3A_152, %reduce_sum3A_315 : i32
      scf.yield %add3A_316, %select_n3A_308, %or3A_311, %select_n3A_310 : i32, i32, i1, i32
    }
    %scan3A_35 = arith.constant 128 : i32
    %shift_left3A = arith.constant 0 : i32
    %shift_left3A_36 = arith.constant 11 : i32
    %shift_left3A_37 = arith.shli %shift_left3A, %shift_left3A_36 : i32
    %or3A = arith.ori %shift_left3A_37, %scan3A_34#1 : i32
    %sub3A = arith.constant 154171 : i32
    %sub3A_38 = arith.subi %sub3A, %scan3A_34#3 : i32
    %scan3A_39 = arith.constant 0 : i32
    %scan3A_40 = arith.constant 0 : i32
    %scan3A_41 = arith.constant 64 : i32
    %scan3A_42 = arith.addi %scan3A_40, %scan3A_41 : i32
    %scan3A_43 = arith.constant 1 : i32
    %scan3A_44 = scf.for %scan3A_151 = %scan3A_40 to %scan3A_42 step %scan3A_43 iter_args(%scan3A_152 = %scan3A_39) -> (i32)  : i32 {
      %broadcast_in_dim3A_153 = arith.constant 0 : i32
      %broadcast_in_dim3A_154 = vector.broadcast %broadcast_in_dim3A_153 : i32 to vector<16xi32>
      %mul3A_155 = arith.constant 16 : i32
      %mul3A_156 = arith.muli %scan3A_151, %mul3A_155 : i32
      %add3A = arith.constant 0 : i32
      %add3A_157 = arith.addi %add3A, %mul3A_156 : i32
      %swap3A_158 = arith.index_cast %add3A_157 : i32 to index
      %swap3A_159 = tpu.vector_load %arg5[%swap3A_158] {strides = array<i32>} : memref<32768xi32, #tpu.memory_space<vmem>>, vector<16xi32>,
      tpu.vector_store %arg5[%swap3A_158], %broadcast_in_dim3A_154 {strides = array<i32>} : memref<32768xi32, #tpu.memory_space<vmem>>, vector<16xi32>,
      %broadcast_in_dim3A_160 = arith.constant 0 : i32
      %broadcast_in_dim3A_161 = vector.broadcast %broadcast_in_dim3A_160 : i32 to vector<16xi32>
      %mul3A_162 = arith.constant 16 : i32
      %mul3A_163 = arith.muli %scan3A_151, %mul3A_162 : i32
      %add3A_164 = arith.constant 2048 : i32
      %add3A_165 = arith.addi %add3A_164, %mul3A_163 : i32
      %swap3A_166 = arith.index_cast %add3A_165 : i32 to index
      %swap3A_167 = tpu.vector_load %arg5[%swap3A_166] {strides = array<i32>} : memref<32768xi32, #tpu.memory_space<vmem>>, vector<16xi32>,
      tpu.vector_store %arg5[%swap3A_166], %broadcast_in_dim3A_161 {strides = array<i32>} : memref<32768xi32, #tpu.memory_space<vmem>>, vector<16xi32>,
      %broadcast_in_dim3A_168 = arith.constant 0 : i32
      %broadcast_in_dim3A_169 = vector.broadcast %broadcast_in_dim3A_168 : i32 to vector<16xi32>
      %mul3A_170 = arith.constant 16 : i32
      %mul3A_171 = arith.muli %scan3A_151, %mul3A_170 : i32
      %add3A_172 = arith.constant 4096 : i32
      %add3A_173 = arith.addi %add3A_172, %mul3A_171 : i32
      %swap3A_174 = arith.index_cast %add3A_173 : i32 to index
      %swap3A_175 = tpu.vector_load %arg5[%swap3A_174] {strides = array<i32>} : memref<32768xi32, #tpu.memory_space<vmem>>, vector<16xi32>,
      tpu.vector_store %arg5[%swap3A_174], %broadcast_in_dim3A_169 {strides = array<i32>} : memref<32768xi32, #tpu.memory_space<vmem>>, vector<16xi32>,
      %broadcast_in_dim3A_176 = arith.constant 0 : i32
      %broadcast_in_dim3A_177 = vector.broadcast %broadcast_in_dim3A_176 : i32 to vector<16xi32>
      %mul3A_178 = arith.constant 16 : i32
      %mul3A_179 = arith.muli %scan3A_151, %mul3A_178 : i32
      %add3A_180 = arith.constant 6144 : i32
      %add3A_181 = arith.addi %add3A_180, %mul3A_179 : i32
      %swap3A_182 = arith.index_cast %add3A_181 : i32 to index
      %swap3A_183 = tpu.vector_load %arg5[%swap3A_182] {strides = array<i32>} : memref<32768xi32, #tpu.memory_space<vmem>>, vector<16xi32>,
      tpu.vector_store %arg5[%swap3A_182], %broadcast_in_dim3A_177 {strides = array<i32>} : memref<32768xi32, #tpu.memory_space<vmem>>, vector<16xi32>,
      %broadcast_in_dim3A_184 = arith.constant 0 : i32
      %broadcast_in_dim3A_185 = vector.broadcast %broadcast_in_dim3A_184 : i32 to vector<16xi32>
      %mul3A_186 = arith.constant 16 : i32
      %mul3A_187 = arith.muli %scan3A_151, %mul3A_186 : i32
      %add3A_188 = arith.constant 8192 : i32
      %add3A_189 = arith.addi %add3A_188, %mul3A_187 : i32
      %swap3A_190 = arith.index_cast %add3A_189 : i32 to index
      %swap3A_191 = tpu.vector_load %arg5[%swap3A_190] {strides = array<i32>} : memref<32768xi32, #tpu.memory_space<vmem>>, vector<16xi32>,
      tpu.vector_store %arg5[%swap3A_190], %broadcast_in_dim3A_185 {strides = array<i32>} : memref<32768xi32, #tpu.memory_space<vmem>>, vector<16xi32>,
      %broadcast_in_dim3A_192 = arith.constant 0 : i32
      %broadcast_in_dim3A_193 = vector.broadcast %broadcast_in_dim3A_192 : i32 to vector<16xi32>
      %mul3A_194 = arith.constant 16 : i32
      %mul3A_195 = arith.muli %scan3A_151, %mul3A_194 : i32
      %add3A_196 = arith.constant 10240 : i32
      %add3A_197 = arith.addi %add3A_196, %mul3A_195 : i32
      %swap3A_198 = arith.index_cast %add3A_197 : i32 to index
      %swap3A_199 = tpu.vector_load %arg5[%swap3A_198] {strides = array<i32>} : memref<32768xi32, #tpu.memory_space<vmem>>, vector<16xi32>,
      tpu.vector_store %arg5[%swap3A_198], %broadcast_in_dim3A_193 {strides = array<i32>} : memref<32768xi32, #tpu.memory_space<vmem>>, vector<16xi32>,
      %broadcast_in_dim3A_200 = arith.constant 0 : i32
      %broadcast_in_dim3A_201 = vector.broadcast %broadcast_in_dim3A_200 : i32 to vector<16xi32>
      %mul3A_202 = arith.constant 16 : i32
      %mul3A_203 = arith.muli %scan3A_151, %mul3A_202 : i32
      %add3A_204 = arith.constant 12288 : i32
      %add3A_205 = arith.addi %add3A_204, %mul3A_203 : i32
      %swap3A_206 = arith.index_cast %add3A_205 : i32 to index
      %swap3A_207 = tpu.vector_load %arg5[%swap3A_206] {strides = array<i32>} : memref<32768xi32, #tpu.memory_space<vmem>>, vector<16xi32>,
      tpu.vector_store %arg5[%swap3A_206], %broadcast_in_dim3A_201 {strides = array<i32>} : memref<32768xi32, #tpu.memory_space<vmem>>, vector<16xi32>,
      %broadcast_in_dim3A_208 = arith.constant 0 : i32
      %broadcast_in_dim3A_209 = vector.broadcast %broadcast_in_dim3A_208 : i32 to vector<16xi32>
      %mul3A_210 = arith.constant 16 : i32
      %mul3A_211 = arith.muli %scan3A_151, %mul3A_210 : i32
      %add3A_212 = arith.constant 14336 : i32
      %add3A_213 = arith.addi %add3A_212, %mul3A_211 : i32
      %swap3A_214 = arith.index_cast %add3A_213 : i32 to index
      %swap3A_215 = tpu.vector_load %arg5[%swap3A_214] {strides = array<i32>} : memref<32768xi32, #tpu.memory_space<vmem>>, vector<16xi32>,
      tpu.vector_store %arg5[%swap3A_214], %broadcast_in_dim3A_209 {strides = array<i32>} : memref<32768xi32, #tpu.memory_space<vmem>>, vector<16xi32>,
      %broadcast_in_dim3A_216 = arith.constant 0 : i32
      %broadcast_in_dim3A_217 = vector.broadcast %broadcast_in_dim3A_216 : i32 to vector<16xi32>
      %mul3A_218 = arith.constant 16 : i32
      %mul3A_219 = arith.muli %scan3A_151, %mul3A_218 : i32
      %add3A_220 = arith.constant 16384 : i32
      %add3A_221 = arith.addi %add3A_220, %mul3A_219 : i32
      %swap3A_222 = arith.index_cast %add3A_221 : i32 to index
      %swap3A_223 = tpu.vector_load %arg5[%swap3A_222] {strides = array<i32>} : memref<32768xi32, #tpu.memory_space<vmem>>, vector<16xi32>,
      tpu.vector_store %arg5[%swap3A_222], %broadcast_in_dim3A_217 {strides = array<i32>} : memref<32768xi32, #tpu.memory_space<vmem>>, vector<16xi32>,
      %broadcast_in_dim3A_224 = arith.constant 0 : i32
      %broadcast_in_dim3A_225 = vector.broadcast %broadcast_in_dim3A_224 : i32 to vector<16xi32>
      %mul3A_226 = arith.constant 16 : i32
      %mul3A_227 = arith.muli %scan3A_151, %mul3A_226 : i32
      %add3A_228 = arith.constant 18432 : i32
      %add3A_229 = arith.addi %add3A_228, %mul3A_227 : i32
      %swap3A_230 = arith.index_cast %add3A_229 : i32 to index
      %swap3A_231 = tpu.vector_load %arg5[%swap3A_230] {strides = array<i32>} : memref<32768xi32, #tpu.memory_space<vmem>>, vector<16xi32>,
      tpu.vector_store %arg5[%swap3A_230], %broadcast_in_dim3A_225 {strides = array<i32>} : memref<32768xi32, #tpu.memory_space<vmem>>, vector<16xi32>,
      %broadcast_in_dim3A_232 = arith.constant 0 : i32
      %broadcast_in_dim3A_233 = vector.broadcast %broadcast_in_dim3A_232 : i32 to vector<16xi32>
      %mul3A_234 = arith.constant 16 : i32
      %mul3A_235 = arith.muli %scan3A_151, %mul3A_234 : i32
      %add3A_236 = arith.constant 20480 : i32
      %add3A_237 = arith.addi %add3A_236, %mul3A_235 : i32
      %swap3A_238 = arith.index_cast %add3A_237 : i32 to index
      %swap3A_239 = tpu.vector_load %arg5[%swap3A_238] {strides = array<i32>} : memref<32768xi32, #tpu.memory_space<vmem>>, vector<16xi32>,
      tpu.vector_store %arg5[%swap3A_238], %broadcast_in_dim3A_233 {strides = array<i32>} : memref<32768xi32, #tpu.memory_space<vmem>>, vector<16xi32>,
      %broadcast_in_dim3A_240 = arith.constant 0 : i32
      %broadcast_in_dim3A_241 = vector.broadcast %broadcast_in_dim3A_240 : i32 to vector<16xi32>
      %mul3A_242 = arith.constant 16 : i32
      %mul3A_243 = arith.muli %scan3A_151, %mul3A_242 : i32
      %add3A_244 = arith.constant 22528 : i32
      %add3A_245 = arith.addi %add3A_244, %mul3A_243 : i32
      %swap3A_246 = arith.index_cast %add3A_245 : i32 to index
      %swap3A_247 = tpu.vector_load %arg5[%swap3A_246] {strides = array<i32>} : memref<32768xi32, #tpu.memory_space<vmem>>, vector<16xi32>,
      tpu.vector_store %arg5[%swap3A_246], %broadcast_in_dim3A_241 {strides = array<i32>} : memref<32768xi32, #tpu.memory_space<vmem>>, vector<16xi32>,
      %broadcast_in_dim3A_248 = arith.constant 0 : i32
      %broadcast_in_dim3A_249 = vector.broadcast %broadcast_in_dim3A_248 : i32 to vector<16xi32>
      %mul3A_250 = arith.constant 16 : i32
      %mul3A_251 = arith.muli %scan3A_151, %mul3A_250 : i32
      %add3A_252 = arith.constant 24576 : i32
      %add3A_253 = arith.addi %add3A_252, %mul3A_251 : i32
      %swap3A_254 = arith.index_cast %add3A_253 : i32 to index
      %swap3A_255 = tpu.vector_load %arg5[%swap3A_254] {strides = array<i32>} : memref<32768xi32, #tpu.memory_space<vmem>>, vector<16xi32>,
      tpu.vector_store %arg5[%swap3A_254], %broadcast_in_dim3A_249 {strides = array<i32>} : memref<32768xi32, #tpu.memory_space<vmem>>, vector<16xi32>,
      %broadcast_in_dim3A_256 = arith.constant 0 : i32
      %broadcast_in_dim3A_257 = vector.broadcast %broadcast_in_dim3A_256 : i32 to vector<16xi32>
      %mul3A_258 = arith.constant 16 : i32
      %mul3A_259 = arith.muli %scan3A_151, %mul3A_258 : i32
      %add3A_260 = arith.constant 26624 : i32
      %add3A_261 = arith.addi %add3A_260, %mul3A_259 : i32
      %swap3A_262 = arith.index_cast %add3A_261 : i32 to index
      %swap3A_263 = tpu.vector_load %arg5[%swap3A_262] {strides = array<i32>} : memref<32768xi32, #tpu.memory_space<vmem>>, vector<16xi32>,
      tpu.vector_store %arg5[%swap3A_262], %broadcast_in_dim3A_257 {strides = array<i32>} : memref<32768xi32, #tpu.memory_space<vmem>>, vector<16xi32>,
      %broadcast_in_dim3A_264 = arith.constant 0 : i32
      %broadcast_in_dim3A_265 = vector.broadcast %broadcast_in_dim3A_264 : i32 to vector<16xi32>
      %mul3A_266 = arith.constant 16 : i32
      %mul3A_267 = arith.muli %scan3A_151, %mul3A_266 : i32
      %add3A_268 = arith.constant 28672 : i32
      %add3A_269 = arith.addi %add3A_268, %mul3A_267 : i32
      %swap3A_270 = arith.index_cast %add3A_269 : i32 to index
      %swap3A_271 = tpu.vector_load %arg5[%swap3A_270] {strides = array<i32>} : memref<32768xi32, #tpu.memory_space<vmem>>, vector<16xi32>,
      tpu.vector_store %arg5[%swap3A_270], %broadcast_in_dim3A_265 {strides = array<i32>} : memref<32768xi32, #tpu.memory_space<vmem>>, vector<16xi32>,
      %broadcast_in_dim3A_272 = arith.constant 0 : i32
      %broadcast_in_dim3A_273 = vector.broadcast %broadcast_in_dim3A_272 : i32 to vector<16xi32>
      %mul3A_274 = arith.constant 16 : i32
      %mul3A_275 = arith.muli %scan3A_151, %mul3A_274 : i32
      %add3A_276 = arith.constant 30720 : i32
      %add3A_277 = arith.addi %add3A_276, %mul3A_275 : i32
      %swap3A_278 = arith.index_cast %add3A_277 : i32 to index
      %swap3A_279 = tpu.vector_load %arg5[%swap3A_278] {strides = array<i32>} : memref<32768xi32, #tpu.memory_space<vmem>>, vector<16xi32>,
      tpu.vector_store %arg5[%swap3A_278], %broadcast_in_dim3A_273 {strides = array<i32>} : memref<32768xi32, #tpu.memory_space<vmem>>, vector<16xi32>,
      %scan3A_280 = arith.constant 0 : i32
      scf.yield %scan3A_280 : i32
    }
    %scan3A_45 = arith.constant 64 : i32
    %scan3A_46 = arith.constant 0 : i32
    %scan3A_47 = arith.constant 0 : i32
    %scan3A_48 = arith.constant 4096 : i32
    %scan3A_49 = arith.addi %scan3A_47, %scan3A_48 : i32
    %scan3A_50 = arith.constant 1 : i32
    %scan3A_51 = scf.for %scan3A_151 = %scan3A_47 to %scan3A_49 step %scan3A_50 iter_args(%scan3A_152 = %scan3A_46) -> (i32)  : i32 {
      %mul3A_153 = arith.constant 16 : i32
      %mul3A_154 = arith.muli %scan3A_151, %mul3A_153 : i32
      %get3A = arith.index_cast %mul3A_154 : i32 to index
      %get3A_155 = tpu.vector_load %arg4[%get3A] {strides = array<i32>} : memref<65536xf32, #tpu.memory_space<vmem>>, vector<16xf32>,
      %bitcast_convert_type3A = tpu.bitcast %get3A_155 : vector<16xf32> -> vector<16xi32>
      %shift_right_arithmetic3A = arith.constant 10 : i32
      %shift_right_arithmetic3A_156 = vector.broadcast %shift_right_arithmetic3A : i32 to vector<16xi32>
      %shift_right_arithmetic3A_157 = arith.shrsi %bitcast_convert_type3A, %shift_right_arithmetic3A_156 : vector<16xi32>
      %and3A = arith.constant 1023 : i32
      %and3A_158 = vector.broadcast %and3A : i32 to vector<16xi32>
      %and3A_159 = arith.andi %shift_right_arithmetic3A_157, %and3A_158 : vector<16xi32>
      %mul3A_160 = arith.constant 2048 : i32
      %mul3A_161 = vector.broadcast %mul3A_160 : i32 to vector<16xi32>
      %mul3A_162 = arith.muli %iota3A, %mul3A_161 : vector<16xi32>
      %add3A = arith.addi %mul3A_162, %and3A_159 : vector<16xi32>
      %shift_right_arithmetic3A_163 = arith.constant 20 : i32
      %shift_right_arithmetic3A_164 = vector.broadcast %shift_right_arithmetic3A_163 : i32 to vector<16xi32>
      %shift_right_arithmetic3A_165 = arith.shrsi %bitcast_convert_type3A, %shift_right_arithmetic3A_164 : vector<16xi32>
      %eq3A_166 = vector.broadcast %or3A : i32 to vector<16xi32>
      %eq3A_167 = arith.cmpi eq, %shift_right_arithmetic3A_165, %eq3A_166 : vector<16xi32>
      tpu.vector_store_idx %arg5[%add3A], %broadcast_in_dim3A_0 masked %eq3A_167 {add = true} : memref<32768xi32, #tpu.memory_space<vmem>>[vector<16xi32>], vector<16xi32>, vector<16xi1>
      %scan3A_168 = arith.constant 0 : i32
      scf.yield %scan3A_168 : i32
    }
    %scan3A_52 = arith.constant 4096 : i32
    %scan3A_53 = arith.constant 0 : i32
    %scan3A_54 = arith.constant 0 : i32
    %scan3A_55 = arith.constant 64 : i32
    %scan3A_56 = arith.addi %scan3A_54, %scan3A_55 : i32
    %scan3A_57 = arith.constant 1 : i32
    %scan3A_58 = scf.for %scan3A_151 = %scan3A_54 to %scan3A_56 step %scan3A_57 iter_args(%scan3A_152 = %scan3A_53) -> (i32)  : i32 {
      %mul3A_153 = arith.constant 16 : i32
      %mul3A_154 = arith.muli %scan3A_151, %mul3A_153 : i32
      %get3A = arith.index_cast %mul3A_154 : i32 to index
      %get3A_155 = tpu.vector_load %arg5[%get3A] {strides = array<i32>} : memref<32768xi32, #tpu.memory_space<vmem>>, vector<16xi32>,
      %mul3A_156 = arith.constant 16 : i32
      %mul3A_157 = arith.muli %scan3A_151, %mul3A_156 : i32
      %add3A = arith.constant 2048 : i32
      %add3A_158 = arith.addi %add3A, %mul3A_157 : i32
      %get3A_159 = arith.index_cast %add3A_158 : i32 to index
      %get3A_160 = tpu.vector_load %arg5[%get3A_159] {strides = array<i32>} : memref<32768xi32, #tpu.memory_space<vmem>>, vector<16xi32>,
      %add3A_161 = arith.addi %get3A_155, %get3A_160 : vector<16xi32>
      %mul3A_162 = arith.constant 16 : i32
      %mul3A_163 = arith.muli %scan3A_151, %mul3A_162 : i32
      %add3A_164 = arith.constant 4096 : i32
      %add3A_165 = arith.addi %add3A_164, %mul3A_163 : i32
      %get3A_166 = arith.index_cast %add3A_165 : i32 to index
      %get3A_167 = tpu.vector_load %arg5[%get3A_166] {strides = array<i32>} : memref<32768xi32, #tpu.memory_space<vmem>>, vector<16xi32>,
      %add3A_168 = arith.addi %add3A_161, %get3A_167 : vector<16xi32>
      %mul3A_169 = arith.constant 16 : i32
      %mul3A_170 = arith.muli %scan3A_151, %mul3A_169 : i32
      %add3A_171 = arith.constant 6144 : i32
      %add3A_172 = arith.addi %add3A_171, %mul3A_170 : i32
      %get3A_173 = arith.index_cast %add3A_172 : i32 to index
      %get3A_174 = tpu.vector_load %arg5[%get3A_173] {strides = array<i32>} : memref<32768xi32, #tpu.memory_space<vmem>>, vector<16xi32>,
      %add3A_175 = arith.addi %add3A_168, %get3A_174 : vector<16xi32>
      %mul3A_176 = arith.constant 16 : i32
      %mul3A_177 = arith.muli %scan3A_151, %mul3A_176 : i32
      %add3A_178 = arith.constant 8192 : i32
      %add3A_179 = arith.addi %add3A_178, %mul3A_177 : i32
      %get3A_180 = arith.index_cast %add3A_179 : i32 to index
      %get3A_181 = tpu.vector_load %arg5[%get3A_180] {strides = array<i32>} : memref<32768xi32, #tpu.memory_space<vmem>>, vector<16xi32>,
      %add3A_182 = arith.addi %add3A_175, %get3A_181 : vector<16xi32>
      %mul3A_183 = arith.constant 16 : i32
      %mul3A_184 = arith.muli %scan3A_151, %mul3A_183 : i32
      %add3A_185 = arith.constant 10240 : i32
      %add3A_186 = arith.addi %add3A_185, %mul3A_184 : i32
      %get3A_187 = arith.index_cast %add3A_186 : i32 to index
      %get3A_188 = tpu.vector_load %arg5[%get3A_187] {strides = array<i32>} : memref<32768xi32, #tpu.memory_space<vmem>>, vector<16xi32>,
      %add3A_189 = arith.addi %add3A_182, %get3A_188 : vector<16xi32>
      %mul3A_190 = arith.constant 16 : i32
      %mul3A_191 = arith.muli %scan3A_151, %mul3A_190 : i32
      %add3A_192 = arith.constant 12288 : i32
      %add3A_193 = arith.addi %add3A_192, %mul3A_191 : i32
      %get3A_194 = arith.index_cast %add3A_193 : i32 to index
      %get3A_195 = tpu.vector_load %arg5[%get3A_194] {strides = array<i32>} : memref<32768xi32, #tpu.memory_space<vmem>>, vector<16xi32>,
      %add3A_196 = arith.addi %add3A_189, %get3A_195 : vector<16xi32>
      %mul3A_197 = arith.constant 16 : i32
      %mul3A_198 = arith.muli %scan3A_151, %mul3A_197 : i32
      %add3A_199 = arith.constant 14336 : i32
      %add3A_200 = arith.addi %add3A_199, %mul3A_198 : i32
      %get3A_201 = arith.index_cast %add3A_200 : i32 to index
      %get3A_202 = tpu.vector_load %arg5[%get3A_201] {strides = array<i32>} : memref<32768xi32, #tpu.memory_space<vmem>>, vector<16xi32>,
      %add3A_203 = arith.addi %add3A_196, %get3A_202 : vector<16xi32>
      %mul3A_204 = arith.constant 16 : i32
      %mul3A_205 = arith.muli %scan3A_151, %mul3A_204 : i32
      %add3A_206 = arith.constant 16384 : i32
      %add3A_207 = arith.addi %add3A_206, %mul3A_205 : i32
      %get3A_208 = arith.index_cast %add3A_207 : i32 to index
      %get3A_209 = tpu.vector_load %arg5[%get3A_208] {strides = array<i32>} : memref<32768xi32, #tpu.memory_space<vmem>>, vector<16xi32>,
      %add3A_210 = arith.addi %add3A_203, %get3A_209 : vector<16xi32>
      %mul3A_211 = arith.constant 16 : i32
      %mul3A_212 = arith.muli %scan3A_151, %mul3A_211 : i32
      %add3A_213 = arith.constant 18432 : i32
      %add3A_214 = arith.addi %add3A_213, %mul3A_212 : i32
      %get3A_215 = arith.index_cast %add3A_214 : i32 to index
      %get3A_216 = tpu.vector_load %arg5[%get3A_215] {strides = array<i32>} : memref<32768xi32, #tpu.memory_space<vmem>>, vector<16xi32>,
      %add3A_217 = arith.addi %add3A_210, %get3A_216 : vector<16xi32>
      %mul3A_218 = arith.constant 16 : i32
      %mul3A_219 = arith.muli %scan3A_151, %mul3A_218 : i32
      %add3A_220 = arith.constant 20480 : i32
      %add3A_221 = arith.addi %add3A_220, %mul3A_219 : i32
      %get3A_222 = arith.index_cast %add3A_221 : i32 to index
      %get3A_223 = tpu.vector_load %arg5[%get3A_222] {strides = array<i32>} : memref<32768xi32, #tpu.memory_space<vmem>>, vector<16xi32>,
      %add3A_224 = arith.addi %add3A_217, %get3A_223 : vector<16xi32>
      %mul3A_225 = arith.constant 16 : i32
      %mul3A_226 = arith.muli %scan3A_151, %mul3A_225 : i32
      %add3A_227 = arith.constant 22528 : i32
      %add3A_228 = arith.addi %add3A_227, %mul3A_226 : i32
      %get3A_229 = arith.index_cast %add3A_228 : i32 to index
      %get3A_230 = tpu.vector_load %arg5[%get3A_229] {strides = array<i32>} : memref<32768xi32, #tpu.memory_space<vmem>>, vector<16xi32>,
      %add3A_231 = arith.addi %add3A_224, %get3A_230 : vector<16xi32>
      %mul3A_232 = arith.constant 16 : i32
      %mul3A_233 = arith.muli %scan3A_151, %mul3A_232 : i32
      %add3A_234 = arith.constant 24576 : i32
      %add3A_235 = arith.addi %add3A_234, %mul3A_233 : i32
      %get3A_236 = arith.index_cast %add3A_235 : i32 to index
      %get3A_237 = tpu.vector_load %arg5[%get3A_236] {strides = array<i32>} : memref<32768xi32, #tpu.memory_space<vmem>>, vector<16xi32>,
      %add3A_238 = arith.addi %add3A_231, %get3A_237 : vector<16xi32>
      %mul3A_239 = arith.constant 16 : i32
      %mul3A_240 = arith.muli %scan3A_151, %mul3A_239 : i32
      %add3A_241 = arith.constant 26624 : i32
      %add3A_242 = arith.addi %add3A_241, %mul3A_240 : i32
      %get3A_243 = arith.index_cast %add3A_242 : i32 to index
      %get3A_244 = tpu.vector_load %arg5[%get3A_243] {strides = array<i32>} : memref<32768xi32, #tpu.memory_space<vmem>>, vector<16xi32>,
      %add3A_245 = arith.addi %add3A_238, %get3A_244 : vector<16xi32>
      %mul3A_246 = arith.constant 16 : i32
      %mul3A_247 = arith.muli %scan3A_151, %mul3A_246 : i32
      %add3A_248 = arith.constant 28672 : i32
      %add3A_249 = arith.addi %add3A_248, %mul3A_247 : i32
      %get3A_250 = arith.index_cast %add3A_249 : i32 to index
      %get3A_251 = tpu.vector_load %arg5[%get3A_250] {strides = array<i32>} : memref<32768xi32, #tpu.memory_space<vmem>>, vector<16xi32>,
      %add3A_252 = arith.addi %add3A_245, %get3A_251 : vector<16xi32>
      %mul3A_253 = arith.constant 16 : i32
      %mul3A_254 = arith.muli %scan3A_151, %mul3A_253 : i32
      %add3A_255 = arith.constant 30720 : i32
      %add3A_256 = arith.addi %add3A_255, %mul3A_254 : i32
      %get3A_257 = arith.index_cast %add3A_256 : i32 to index
      %get3A_258 = tpu.vector_load %arg5[%get3A_257] {strides = array<i32>} : memref<32768xi32, #tpu.memory_space<vmem>>, vector<16xi32>,
      %add3A_259 = arith.addi %add3A_252, %get3A_258 : vector<16xi32>
      %mul3A_260 = arith.constant 16 : i32
      %mul3A_261 = arith.muli %scan3A_151, %mul3A_260 : i32
      %swap3A_262 = arith.index_cast %mul3A_261 : i32 to index
      %swap3A_263 = tpu.vector_load %arg6[%swap3A_262] {strides = array<i32>} : memref<2048xi32, #tpu.memory_space<vmem>>, vector<16xi32>,
      tpu.vector_store %arg6[%swap3A_262], %add3A_259 {strides = array<i32>} : memref<2048xi32, #tpu.memory_space<vmem>>, vector<16xi32>,
      %scan3A_264 = arith.constant 0 : i32
      scf.yield %scan3A_264 : i32
    }
    %scan3A_59 = arith.constant 64 : i32
    %mul3A_60 = arith.constant 2048 : i32
    %mul3A_61 = arith.muli %arg1, %mul3A_60 : i32
    "tpu.region"() ({
      %run_scoped3A = tpu.sem_alloc : memref<!tpu.dma_semaphore, #tpu.memory_space<semaphore_mem>>
      %dma_start3A = arith.constant 0 : i32
      %dma_start3A_151 = tpu.memref_slice %arg6[%dma_start3A] : memref<2048xi32, #tpu.memory_space<vmem>> -> memref<1024xi32, #tpu.memory_space<vmem>>
      %dma_start3A_152 = tpu.memref_slice %arg10[%mul3A_61] : memref<32768xi32, #tpu.memory_space<vmem_shared>> -> memref<1024xi32, #tpu.memory_space<vmem_shared>>
      %dma_start3A_153 = tpu.memref_slice %arg10[%mul3A_61] : memref<32768xi32, #tpu.memory_space<vmem_shared>> -> memref<1024xi32, #tpu.memory_space<vmem_shared>>
      %dma_start3A_154 = arith.constant 0 : i32
      %dma_start3A_155 = tpu.memref_slice %arg6[%dma_start3A_154] : memref<2048xi32, #tpu.memory_space<vmem>> -> memref<1024xi32, #tpu.memory_space<vmem>>
      tpu.enqueue_dma source(%dma_start3A_155 : memref<1024xi32, #tpu.memory_space<vmem>>) target(%dma_start3A_153 : memref<1024xi32, #tpu.memory_space<vmem_shared>>) target_semaphore(%run_scoped3A : memref<!tpu.dma_semaphore, #tpu.memory_space<semaphore_mem>>)
      %dma_wait3A = arith.constant 0 : i32
      %dma_wait3A_156 = tpu.memref_slice %arg6[%dma_wait3A] : memref<2048xi32, #tpu.memory_space<vmem>> -> memref<1024xi32, #tpu.memory_space<vmem>>
      %dma_wait3A_157 = tpu.memref_slice %arg10[%mul3A_61] : memref<32768xi32, #tpu.memory_space<vmem_shared>> -> memref<1024xi32, #tpu.memory_space<vmem_shared>>
      %dma_wait3A_158 = tpu.memref_slice %arg10[%mul3A_61] : memref<32768xi32, #tpu.memory_space<vmem_shared>> -> memref<1024xi32, #tpu.memory_space<vmem_shared>>
      %dma_wait3A_159 = arith.constant 0 : i32
      %dma_wait3A_160 = tpu.memref_slice %arg6[%dma_wait3A_159] : memref<2048xi32, #tpu.memory_space<vmem>> -> memref<1024xi32, #tpu.memory_space<vmem>>
      tpu.wait_dma2 semaphore(%run_scoped3A : memref<!tpu.dma_semaphore, #tpu.memory_space<semaphore_mem>>) src(%dma_wait3A_160 : memref<1024xi32, #tpu.memory_space<vmem>>) dst(%dma_wait3A_158 : memref<1024xi32, #tpu.memory_space<vmem_shared>>)
      tpu.yield
    }) : () -> ()
    %barrier3A_62 = arith.constant 0 : index
    tpu.barrier barrier_id(%barrier3A_62)
    "tpu.region"() ({
      %run_scoped3A = tpu.sem_alloc : memref<!tpu.dma_semaphore, #tpu.memory_space<semaphore_mem>>
      tpu.enqueue_dma source(%arg10 : memref<32768xi32, #tpu.memory_space<vmem_shared>>) target(%arg5 : memref<32768xi32, #tpu.memory_space<vmem>>) target_semaphore(%run_scoped3A : memref<!tpu.dma_semaphore, #tpu.memory_space<semaphore_mem>>)
      tpu.wait_dma2 semaphore(%run_scoped3A : memref<!tpu.dma_semaphore, #tpu.memory_space<semaphore_mem>>) src(%arg10 : memref<32768xi32, #tpu.memory_space<vmem_shared>>) dst(%arg5 : memref<32768xi32, #tpu.memory_space<vmem>>)
      tpu.yield
    }) : () -> ()
    %barrier3A_63 = arith.constant 0 : index
    tpu.barrier barrier_id(%barrier3A_63)
    %scan3A_64 = arith.constant 0 : i32
    %scan3A_65 = arith.constant 0 : i32
    %scan3A_66 = arith.constant false
    %scan3A_67 = arith.constant 0 : i32
    %scan3A_68 = arith.constant 0 : i32
    %scan3A_69 = arith.constant 64 : i32
    %scan3A_70 = arith.addi %scan3A_68, %scan3A_69 : i32
    %scan3A_71 = arith.constant 1 : i32
    %scan3A_72:4 = scf.for %scan3A_151 = %scan3A_68 to %scan3A_70 step %scan3A_71 iter_args(%scan3A_152 = %scan3A_64, %scan3A_153 = %scan3A_65, %scan3A_154 = %scan3A_66, %scan3A_155 = %scan3A_67) -> (i32, i32, i1, i32)  : i32 {
      %sub3A_156 = arith.constant 63 : i32
      %sub3A_157 = arith.subi %sub3A_156, %scan3A_151 : i32
      %mul3A_158 = arith.constant 16 : i32
      %mul3A_159 = arith.muli %sub3A_157, %mul3A_158 : i32
      %get3A = arith.index_cast %mul3A_159 : i32 to index
      %get3A_160 = tpu.vector_load %arg5[%get3A] {strides = array<i32>} : memref<32768xi32, #tpu.memory_space<vmem>>, vector<16xi32>,
      %mul3A_161 = arith.constant 16 : i32
      %mul3A_162 = arith.muli %sub3A_157, %mul3A_161 : i32
      %add3A = arith.constant 2048 : i32
      %add3A_163 = arith.addi %add3A, %mul3A_162 : i32
      %get3A_164 = arith.index_cast %add3A_163 : i32 to index
      %get3A_165 = tpu.vector_load %arg5[%get3A_164] {strides = array<i32>} : memref<32768xi32, #tpu.memory_space<vmem>>, vector<16xi32>,
      %add3A_166 = arith.addi %get3A_160, %get3A_165 : vector<16xi32>
      %mul3A_167 = arith.constant 16 : i32
      %mul3A_168 = arith.muli %sub3A_157, %mul3A_167 : i32
      %add3A_169 = arith.constant 4096 : i32
      %add3A_170 = arith.addi %add3A_169, %mul3A_168 : i32
      %get3A_171 = arith.index_cast %add3A_170 : i32 to index
      %get3A_172 = tpu.vector_load %arg5[%get3A_171] {strides = array<i32>} : memref<32768xi32, #tpu.memory_space<vmem>>, vector<16xi32>,
      %add3A_173 = arith.addi %add3A_166, %get3A_172 : vector<16xi32>
      %mul3A_174 = arith.constant 16 : i32
      %mul3A_175 = arith.muli %sub3A_157, %mul3A_174 : i32
      %add3A_176 = arith.constant 6144 : i32
      %add3A_177 = arith.addi %add3A_176, %mul3A_175 : i32
      %get3A_178 = arith.index_cast %add3A_177 : i32 to index
      %get3A_179 = tpu.vector_load %arg5[%get3A_178] {strides = array<i32>} : memref<32768xi32, #tpu.memory_space<vmem>>, vector<16xi32>,
      %add3A_180 = arith.addi %add3A_173, %get3A_179 : vector<16xi32>
      %mul3A_181 = arith.constant 16 : i32
      %mul3A_182 = arith.muli %sub3A_157, %mul3A_181 : i32
      %add3A_183 = arith.constant 8192 : i32
      %add3A_184 = arith.addi %add3A_183, %mul3A_182 : i32
      %get3A_185 = arith.index_cast %add3A_184 : i32 to index
      %get3A_186 = tpu.vector_load %arg5[%get3A_185] {strides = array<i32>} : memref<32768xi32, #tpu.memory_space<vmem>>, vector<16xi32>,
      %add3A_187 = arith.addi %add3A_180, %get3A_186 : vector<16xi32>
      %mul3A_188 = arith.constant 16 : i32
      %mul3A_189 = arith.muli %sub3A_157, %mul3A_188 : i32
      %add3A_190 = arith.constant 10240 : i32
      %add3A_191 = arith.addi %add3A_190, %mul3A_189 : i32
      %get3A_192 = arith.index_cast %add3A_191 : i32 to index
      %get3A_193 = tpu.vector_load %arg5[%get3A_192] {strides = array<i32>} : memref<32768xi32, #tpu.memory_space<vmem>>, vector<16xi32>,
      %add3A_194 = arith.addi %add3A_187, %get3A_193 : vector<16xi32>
      %mul3A_195 = arith.constant 16 : i32
      %mul3A_196 = arith.muli %sub3A_157, %mul3A_195 : i32
      %add3A_197 = arith.constant 12288 : i32
      %add3A_198 = arith.addi %add3A_197, %mul3A_196 : i32
      %get3A_199 = arith.index_cast %add3A_198 : i32 to index
      %get3A_200 = tpu.vector_load %arg5[%get3A_199] {strides = array<i32>} : memref<32768xi32, #tpu.memory_space<vmem>>, vector<16xi32>,
      %add3A_201 = arith.addi %add3A_194, %get3A_200 : vector<16xi32>
      %mul3A_202 = arith.constant 16 : i32
      %mul3A_203 = arith.muli %sub3A_157, %mul3A_202 : i32
      %add3A_204 = arith.constant 14336 : i32
      %add3A_205 = arith.addi %add3A_204, %mul3A_203 : i32
      %get3A_206 = arith.index_cast %add3A_205 : i32 to index
      %get3A_207 = tpu.vector_load %arg5[%get3A_206] {strides = array<i32>} : memref<32768xi32, #tpu.memory_space<vmem>>, vector<16xi32>,
      %add3A_208 = arith.addi %add3A_201, %get3A_207 : vector<16xi32>
      %mul3A_209 = arith.constant 16 : i32
      %mul3A_210 = arith.muli %sub3A_157, %mul3A_209 : i32
      %add3A_211 = arith.constant 16384 : i32
      %add3A_212 = arith.addi %add3A_211, %mul3A_210 : i32
      %get3A_213 = arith.index_cast %add3A_212 : i32 to index
      %get3A_214 = tpu.vector_load %arg5[%get3A_213] {strides = array<i32>} : memref<32768xi32, #tpu.memory_space<vmem>>, vector<16xi32>,
      %add3A_215 = arith.addi %add3A_208, %get3A_214 : vector<16xi32>
      %mul3A_216 = arith.constant 16 : i32
      %mul3A_217 = arith.muli %sub3A_157, %mul3A_216 : i32
      %add3A_218 = arith.constant 18432 : i32
      %add3A_219 = arith.addi %add3A_218, %mul3A_217 : i32
      %get3A_220 = arith.index_cast %add3A_219 : i32 to index
      %get3A_221 = tpu.vector_load %arg5[%get3A_220] {strides = array<i32>} : memref<32768xi32, #tpu.memory_space<vmem>>, vector<16xi32>,
      %add3A_222 = arith.addi %add3A_215, %get3A_221 : vector<16xi32>
      %mul3A_223 = arith.constant 16 : i32
      %mul3A_224 = arith.muli %sub3A_157, %mul3A_223 : i32
      %add3A_225 = arith.constant 20480 : i32
      %add3A_226 = arith.addi %add3A_225, %mul3A_224 : i32
      %get3A_227 = arith.index_cast %add3A_226 : i32 to index
      %get3A_228 = tpu.vector_load %arg5[%get3A_227] {strides = array<i32>} : memref<32768xi32, #tpu.memory_space<vmem>>, vector<16xi32>,
      %add3A_229 = arith.addi %add3A_222, %get3A_228 : vector<16xi32>
      %mul3A_230 = arith.constant 16 : i32
      %mul3A_231 = arith.muli %sub3A_157, %mul3A_230 : i32
      %add3A_232 = arith.constant 22528 : i32
      %add3A_233 = arith.addi %add3A_232, %mul3A_231 : i32
      %get3A_234 = arith.index_cast %add3A_233 : i32 to index
      %get3A_235 = tpu.vector_load %arg5[%get3A_234] {strides = array<i32>} : memref<32768xi32, #tpu.memory_space<vmem>>, vector<16xi32>,
      %add3A_236 = arith.addi %add3A_229, %get3A_235 : vector<16xi32>
      %mul3A_237 = arith.constant 16 : i32
      %mul3A_238 = arith.muli %sub3A_157, %mul3A_237 : i32
      %add3A_239 = arith.constant 24576 : i32
      %add3A_240 = arith.addi %add3A_239, %mul3A_238 : i32
      %get3A_241 = arith.index_cast %add3A_240 : i32 to index
      %get3A_242 = tpu.vector_load %arg5[%get3A_241] {strides = array<i32>} : memref<32768xi32, #tpu.memory_space<vmem>>, vector<16xi32>,
      %add3A_243 = arith.addi %add3A_236, %get3A_242 : vector<16xi32>
      %mul3A_244 = arith.constant 16 : i32
      %mul3A_245 = arith.muli %sub3A_157, %mul3A_244 : i32
      %add3A_246 = arith.constant 26624 : i32
      %add3A_247 = arith.addi %add3A_246, %mul3A_245 : i32
      %get3A_248 = arith.index_cast %add3A_247 : i32 to index
      %get3A_249 = tpu.vector_load %arg5[%get3A_248] {strides = array<i32>} : memref<32768xi32, #tpu.memory_space<vmem>>, vector<16xi32>,
      %add3A_250 = arith.addi %add3A_243, %get3A_249 : vector<16xi32>
      %mul3A_251 = arith.constant 16 : i32
      %mul3A_252 = arith.muli %sub3A_157, %mul3A_251 : i32
      %add3A_253 = arith.constant 28672 : i32
      %add3A_254 = arith.addi %add3A_253, %mul3A_252 : i32
      %get3A_255 = arith.index_cast %add3A_254 : i32 to index
      %get3A_256 = tpu.vector_load %arg5[%get3A_255] {strides = array<i32>} : memref<32768xi32, #tpu.memory_space<vmem>>, vector<16xi32>,
      %add3A_257 = arith.addi %add3A_250, %get3A_256 : vector<16xi32>
      %mul3A_258 = arith.constant 16 : i32
      %mul3A_259 = arith.muli %sub3A_157, %mul3A_258 : i32
      %add3A_260 = arith.constant 30720 : i32
      %add3A_261 = arith.addi %add3A_260, %mul3A_259 : i32
      %get3A_262 = arith.index_cast %add3A_261 : i32 to index
      %get3A_263 = tpu.vector_load %arg5[%get3A_262] {strides = array<i32>} : memref<32768xi32, #tpu.memory_space<vmem>>, vector<16xi32>,
      %add3A_264 = arith.addi %add3A_257, %get3A_263 : vector<16xi32>
      %rev3A = arith.constant 15 : i32
      %rev3A_265 = vector.broadcast %rev3A : i32 to vector<16xi32>
      %rev3A_266 = tpu.iota {dimensions = array<i32: 0>} : vector<16xi32>
      %rev3A_267 = arith.subi %rev3A_265, %rev3A_266 : vector<16xi32>
      %rev3A_268 = tpu.dynamic_gather %add3A_264[%rev3A_267] in [0] : vector<16xi32>, vector<16xi32> -> vector<16xi32>
      %cumsum3A = arith.constant true
      %cumsum3A_269 = vector.broadcast %cumsum3A : i1 to vector<16xi1>
      %cumsum3A_270 = tpu.scan <sum>, %rev3A_268 masked %cumsum3A_269 : vector<16xi32>, vector<16xi1> -> vector<16xi32>
      %rev3A_271 = arith.constant 15 : i32
      %rev3A_272 = vector.broadcast %rev3A_271 : i32 to vector<16xi32>
      %rev3A_273 = tpu.iota {dimensions = array<i32: 0>} : vector<16xi32>
      %rev3A_274 = arith.subi %rev3A_272, %rev3A_273 : vector<16xi32>
      %rev3A_275 = tpu.dynamic_gather %cumsum3A_270[%rev3A_274] in [0] : vector<16xi32>, vector<16xi32> -> vector<16xi32>
      %add3A_276 = vector.broadcast %scan3A_152 : i32 to vector<16xi32>
      %add3A_277 = arith.addi %rev3A_275, %add3A_276 : vector<16xi32>
      %ge3A = vector.broadcast %sub3A_38 : i32 to vector<16xi32>
      %ge3A_278 = arith.cmpi sge, %add3A_277, %ge3A : vector<16xi32>
      %convert_element_type3A_279 = arith.extui %ge3A_278 : vector<16xi1> to vector<16xi32>
      %reduce_sum3A_280 = arith.constant true
      %reduce_sum3A_281 = vector.broadcast %reduce_sum3A_280 : i1 to vector<16xi1>
      %reduce_sum3A_282 = tpu.scan <sum>, %convert_element_type3A_279 masked %reduce_sum3A_281 : vector<16xi32>, vector<16xi1> -> vector<16xi32>
      %reduce_sum3A_283 = vector.extract %reduce_sum3A_282[15] : i32 from vector<16xi32>
      %sub3A_284 = arith.constant 1 : i32
      %sub3A_285 = arith.subi %reduce_sum3A_283, %sub3A_284 : i32
      %ge3A_286 = arith.constant 0 : i32
      %ge3A_287 = arith.cmpi sge, %sub3A_285, %ge3A_286 : i32
      %not3A = arith.constant true
      %not3A_288 = arith.xori %scan3A_154, %not3A : i1
      %and3A = arith.andi %ge3A_287, %not3A_288 : i1
      %eq3A_289 = vector.broadcast %sub3A_285 : i32 to vector<16xi32>
      %eq3A_290 = arith.cmpi eq, %iota3A, %eq3A_289 : vector<16xi32>
      %jit3A_291 = arith.constant 0 : i32
      %broadcast_in_dim3A_292 = vector.broadcast %jit3A_291 : i32 to vector<16xi32>
      %select_n3A_293 = arith.select %eq3A_290, %add3A_277, %broadcast_in_dim3A_292 : vector<16xi1>, vector<16xi32>
      %reduce_sum3A_294 = arith.constant true
      %reduce_sum3A_295 = vector.broadcast %reduce_sum3A_294 : i1 to vector<16xi1>
      %reduce_sum3A_296 = tpu.scan <sum>, %select_n3A_293 masked %reduce_sum3A_295 : vector<16xi32>, vector<16xi1> -> vector<16xi32>
      %reduce_sum3A_297 = vector.extract %reduce_sum3A_296[15] : i32 from vector<16xi32>
      %jit3A_298 = arith.constant 0 : i32
      %broadcast_in_dim3A_299 = vector.broadcast %jit3A_298 : i32 to vector<16xi32>
      %select_n3A_300 = arith.select %eq3A_290, %add3A_264, %broadcast_in_dim3A_299 : vector<16xi1>, vector<16xi32>
      %reduce_sum3A_301 = arith.constant true
      %reduce_sum3A_302 = vector.broadcast %reduce_sum3A_301 : i1 to vector<16xi1>
      %reduce_sum3A_303 = tpu.scan <sum>, %select_n3A_300 masked %reduce_sum3A_302 : vector<16xi32>, vector<16xi1> -> vector<16xi32>
      %reduce_sum3A_304 = vector.extract %reduce_sum3A_303[15] : i32 from vector<16xi32>
      %mul3A_305 = arith.constant 16 : i32
      %mul3A_306 = arith.muli %sub3A_157, %mul3A_305 : i32
      %add3A_307 = arith.addi %mul3A_306, %sub3A_285 : i32
      %select_n3A_308 = arith.select %and3A, %add3A_307, %scan3A_153 : i32
      %sub3A_309 = arith.subi %reduce_sum3A_297, %reduce_sum3A_304 : i32
      %select_n3A_310 = arith.select %and3A, %sub3A_309, %scan3A_155 : i32
      %or3A_311 = arith.ori %scan3A_154, %ge3A_287 : i1
      %reduce_sum3A_312 = arith.constant true
      %reduce_sum3A_313 = vector.broadcast %reduce_sum3A_312 : i1 to vector<16xi1>
      %reduce_sum3A_314 = tpu.scan <sum>, %add3A_264 masked %reduce_sum3A_313 : vector<16xi32>, vector<16xi1> -> vector<16xi32>
      %reduce_sum3A_315 = vector.extract %reduce_sum3A_314[15] : i32 from vector<16xi32>
      %add3A_316 = arith.addi %scan3A_152, %reduce_sum3A_315 : i32
      scf.yield %add3A_316, %select_n3A_308, %or3A_311, %select_n3A_310 : i32, i32, i1, i32
    }
    %scan3A_73 = arith.constant 64 : i32
    %shift_left3A_74 = arith.constant 10 : i32
    %shift_left3A_75 = arith.shli %or3A, %shift_left3A_74 : i32
    %or3A_76 = arith.ori %shift_left3A_75, %scan3A_72#1 : i32
    %sub3A_77 = arith.subi %sub3A_38, %scan3A_72#3 : i32
    %scan3A_78 = arith.constant 0 : i32
    %scan3A_79 = arith.constant 0 : i32
    %scan3A_80 = arith.constant 64 : i32
    %scan3A_81 = arith.addi %scan3A_79, %scan3A_80 : i32
    %scan3A_82 = arith.constant 1 : i32
    %scan3A_83 = scf.for %scan3A_151 = %scan3A_79 to %scan3A_81 step %scan3A_82 iter_args(%scan3A_152 = %scan3A_78) -> (i32)  : i32 {
      %broadcast_in_dim3A_153 = arith.constant 0 : i32
      %broadcast_in_dim3A_154 = vector.broadcast %broadcast_in_dim3A_153 : i32 to vector<16xi32>
      %mul3A_155 = arith.constant 16 : i32
      %mul3A_156 = arith.muli %scan3A_151, %mul3A_155 : i32
      %add3A = arith.constant 0 : i32
      %add3A_157 = arith.addi %add3A, %mul3A_156 : i32
      %swap3A_158 = arith.index_cast %add3A_157 : i32 to index
      %swap3A_159 = tpu.vector_load %arg5[%swap3A_158] {strides = array<i32>} : memref<32768xi32, #tpu.memory_space<vmem>>, vector<16xi32>,
      tpu.vector_store %arg5[%swap3A_158], %broadcast_in_dim3A_154 {strides = array<i32>} : memref<32768xi32, #tpu.memory_space<vmem>>, vector<16xi32>,
      %broadcast_in_dim3A_160 = arith.constant 0 : i32
      %broadcast_in_dim3A_161 = vector.broadcast %broadcast_in_dim3A_160 : i32 to vector<16xi32>
      %mul3A_162 = arith.constant 16 : i32
      %mul3A_163 = arith.muli %scan3A_151, %mul3A_162 : i32
      %add3A_164 = arith.constant 2048 : i32
      %add3A_165 = arith.addi %add3A_164, %mul3A_163 : i32
      %swap3A_166 = arith.index_cast %add3A_165 : i32 to index
      %swap3A_167 = tpu.vector_load %arg5[%swap3A_166] {strides = array<i32>} : memref<32768xi32, #tpu.memory_space<vmem>>, vector<16xi32>,
      tpu.vector_store %arg5[%swap3A_166], %broadcast_in_dim3A_161 {strides = array<i32>} : memref<32768xi32, #tpu.memory_space<vmem>>, vector<16xi32>,
      %broadcast_in_dim3A_168 = arith.constant 0 : i32
      %broadcast_in_dim3A_169 = vector.broadcast %broadcast_in_dim3A_168 : i32 to vector<16xi32>
      %mul3A_170 = arith.constant 16 : i32
      %mul3A_171 = arith.muli %scan3A_151, %mul3A_170 : i32
      %add3A_172 = arith.constant 4096 : i32
      %add3A_173 = arith.addi %add3A_172, %mul3A_171 : i32
      %swap3A_174 = arith.index_cast %add3A_173 : i32 to index
      %swap3A_175 = tpu.vector_load %arg5[%swap3A_174] {strides = array<i32>} : memref<32768xi32, #tpu.memory_space<vmem>>, vector<16xi32>,
      tpu.vector_store %arg5[%swap3A_174], %broadcast_in_dim3A_169 {strides = array<i32>} : memref<32768xi32, #tpu.memory_space<vmem>>, vector<16xi32>,
      %broadcast_in_dim3A_176 = arith.constant 0 : i32
      %broadcast_in_dim3A_177 = vector.broadcast %broadcast_in_dim3A_176 : i32 to vector<16xi32>
      %mul3A_178 = arith.constant 16 : i32
      %mul3A_179 = arith.muli %scan3A_151, %mul3A_178 : i32
      %add3A_180 = arith.constant 6144 : i32
      %add3A_181 = arith.addi %add3A_180, %mul3A_179 : i32
      %swap3A_182 = arith.index_cast %add3A_181 : i32 to index
      %swap3A_183 = tpu.vector_load %arg5[%swap3A_182] {strides = array<i32>} : memref<32768xi32, #tpu.memory_space<vmem>>, vector<16xi32>,
      tpu.vector_store %arg5[%swap3A_182], %broadcast_in_dim3A_177 {strides = array<i32>} : memref<32768xi32, #tpu.memory_space<vmem>>, vector<16xi32>,
      %broadcast_in_dim3A_184 = arith.constant 0 : i32
      %broadcast_in_dim3A_185 = vector.broadcast %broadcast_in_dim3A_184 : i32 to vector<16xi32>
      %mul3A_186 = arith.constant 16 : i32
      %mul3A_187 = arith.muli %scan3A_151, %mul3A_186 : i32
      %add3A_188 = arith.constant 8192 : i32
      %add3A_189 = arith.addi %add3A_188, %mul3A_187 : i32
      %swap3A_190 = arith.index_cast %add3A_189 : i32 to index
      %swap3A_191 = tpu.vector_load %arg5[%swap3A_190] {strides = array<i32>} : memref<32768xi32, #tpu.memory_space<vmem>>, vector<16xi32>,
      tpu.vector_store %arg5[%swap3A_190], %broadcast_in_dim3A_185 {strides = array<i32>} : memref<32768xi32, #tpu.memory_space<vmem>>, vector<16xi32>,
      %broadcast_in_dim3A_192 = arith.constant 0 : i32
      %broadcast_in_dim3A_193 = vector.broadcast %broadcast_in_dim3A_192 : i32 to vector<16xi32>
      %mul3A_194 = arith.constant 16 : i32
      %mul3A_195 = arith.muli %scan3A_151, %mul3A_194 : i32
      %add3A_196 = arith.constant 10240 : i32
      %add3A_197 = arith.addi %add3A_196, %mul3A_195 : i32
      %swap3A_198 = arith.index_cast %add3A_197 : i32 to index
      %swap3A_199 = tpu.vector_load %arg5[%swap3A_198] {strides = array<i32>} : memref<32768xi32, #tpu.memory_space<vmem>>, vector<16xi32>,
      tpu.vector_store %arg5[%swap3A_198], %broadcast_in_dim3A_193 {strides = array<i32>} : memref<32768xi32, #tpu.memory_space<vmem>>, vector<16xi32>,
      %broadcast_in_dim3A_200 = arith.constant 0 : i32
      %broadcast_in_dim3A_201 = vector.broadcast %broadcast_in_dim3A_200 : i32 to vector<16xi32>
      %mul3A_202 = arith.constant 16 : i32
      %mul3A_203 = arith.muli %scan3A_151, %mul3A_202 : i32
      %add3A_204 = arith.constant 12288 : i32
      %add3A_205 = arith.addi %add3A_204, %mul3A_203 : i32
      %swap3A_206 = arith.index_cast %add3A_205 : i32 to index
      %swap3A_207 = tpu.vector_load %arg5[%swap3A_206] {strides = array<i32>} : memref<32768xi32, #tpu.memory_space<vmem>>, vector<16xi32>,
      tpu.vector_store %arg5[%swap3A_206], %broadcast_in_dim3A_201 {strides = array<i32>} : memref<32768xi32, #tpu.memory_space<vmem>>, vector<16xi32>,
      %broadcast_in_dim3A_208 = arith.constant 0 : i32
      %broadcast_in_dim3A_209 = vector.broadcast %broadcast_in_dim3A_208 : i32 to vector<16xi32>
      %mul3A_210 = arith.constant 16 : i32
      %mul3A_211 = arith.muli %scan3A_151, %mul3A_210 : i32
      %add3A_212 = arith.constant 14336 : i32
      %add3A_213 = arith.addi %add3A_212, %mul3A_211 : i32
      %swap3A_214 = arith.index_cast %add3A_213 : i32 to index
      %swap3A_215 = tpu.vector_load %arg5[%swap3A_214] {strides = array<i32>} : memref<32768xi32, #tpu.memory_space<vmem>>, vector<16xi32>,
      tpu.vector_store %arg5[%swap3A_214], %broadcast_in_dim3A_209 {strides = array<i32>} : memref<32768xi32, #tpu.memory_space<vmem>>, vector<16xi32>,
      %broadcast_in_dim3A_216 = arith.constant 0 : i32
      %broadcast_in_dim3A_217 = vector.broadcast %broadcast_in_dim3A_216 : i32 to vector<16xi32>
      %mul3A_218 = arith.constant 16 : i32
      %mul3A_219 = arith.muli %scan3A_151, %mul3A_218 : i32
      %add3A_220 = arith.constant 16384 : i32
      %add3A_221 = arith.addi %add3A_220, %mul3A_219 : i32
      %swap3A_222 = arith.index_cast %add3A_221 : i32 to index
      %swap3A_223 = tpu.vector_load %arg5[%swap3A_222] {strides = array<i32>} : memref<32768xi32, #tpu.memory_space<vmem>>, vector<16xi32>,
      tpu.vector_store %arg5[%swap3A_222], %broadcast_in_dim3A_217 {strides = array<i32>} : memref<32768xi32, #tpu.memory_space<vmem>>, vector<16xi32>,
      %broadcast_in_dim3A_224 = arith.constant 0 : i32
      %broadcast_in_dim3A_225 = vector.broadcast %broadcast_in_dim3A_224 : i32 to vector<16xi32>
      %mul3A_226 = arith.constant 16 : i32
      %mul3A_227 = arith.muli %scan3A_151, %mul3A_226 : i32
      %add3A_228 = arith.constant 18432 : i32
      %add3A_229 = arith.addi %add3A_228, %mul3A_227 : i32
      %swap3A_230 = arith.index_cast %add3A_229 : i32 to index
      %swap3A_231 = tpu.vector_load %arg5[%swap3A_230] {strides = array<i32>} : memref<32768xi32, #tpu.memory_space<vmem>>, vector<16xi32>,
      tpu.vector_store %arg5[%swap3A_230], %broadcast_in_dim3A_225 {strides = array<i32>} : memref<32768xi32, #tpu.memory_space<vmem>>, vector<16xi32>,
      %broadcast_in_dim3A_232 = arith.constant 0 : i32
      %broadcast_in_dim3A_233 = vector.broadcast %broadcast_in_dim3A_232 : i32 to vector<16xi32>
      %mul3A_234 = arith.constant 16 : i32
      %mul3A_235 = arith.muli %scan3A_151, %mul3A_234 : i32
      %add3A_236 = arith.constant 20480 : i32
      %add3A_237 = arith.addi %add3A_236, %mul3A_235 : i32
      %swap3A_238 = arith.index_cast %add3A_237 : i32 to index
      %swap3A_239 = tpu.vector_load %arg5[%swap3A_238] {strides = array<i32>} : memref<32768xi32, #tpu.memory_space<vmem>>, vector<16xi32>,
      tpu.vector_store %arg5[%swap3A_238], %broadcast_in_dim3A_233 {strides = array<i32>} : memref<32768xi32, #tpu.memory_space<vmem>>, vector<16xi32>,
      %broadcast_in_dim3A_240 = arith.constant 0 : i32
      %broadcast_in_dim3A_241 = vector.broadcast %broadcast_in_dim3A_240 : i32 to vector<16xi32>
      %mul3A_242 = arith.constant 16 : i32
      %mul3A_243 = arith.muli %scan3A_151, %mul3A_242 : i32
      %add3A_244 = arith.constant 22528 : i32
      %add3A_245 = arith.addi %add3A_244, %mul3A_243 : i32
      %swap3A_246 = arith.index_cast %add3A_245 : i32 to index
      %swap3A_247 = tpu.vector_load %arg5[%swap3A_246] {strides = array<i32>} : memref<32768xi32, #tpu.memory_space<vmem>>, vector<16xi32>,
      tpu.vector_store %arg5[%swap3A_246], %broadcast_in_dim3A_241 {strides = array<i32>} : memref<32768xi32, #tpu.memory_space<vmem>>, vector<16xi32>,
      %broadcast_in_dim3A_248 = arith.constant 0 : i32
      %broadcast_in_dim3A_249 = vector.broadcast %broadcast_in_dim3A_248 : i32 to vector<16xi32>
      %mul3A_250 = arith.constant 16 : i32
      %mul3A_251 = arith.muli %scan3A_151, %mul3A_250 : i32
      %add3A_252 = arith.constant 24576 : i32
      %add3A_253 = arith.addi %add3A_252, %mul3A_251 : i32
      %swap3A_254 = arith.index_cast %add3A_253 : i32 to index
      %swap3A_255 = tpu.vector_load %arg5[%swap3A_254] {strides = array<i32>} : memref<32768xi32, #tpu.memory_space<vmem>>, vector<16xi32>,
      tpu.vector_store %arg5[%swap3A_254], %broadcast_in_dim3A_249 {strides = array<i32>} : memref<32768xi32, #tpu.memory_space<vmem>>, vector<16xi32>,
      %broadcast_in_dim3A_256 = arith.constant 0 : i32
      %broadcast_in_dim3A_257 = vector.broadcast %broadcast_in_dim3A_256 : i32 to vector<16xi32>
      %mul3A_258 = arith.constant 16 : i32
      %mul3A_259 = arith.muli %scan3A_151, %mul3A_258 : i32
      %add3A_260 = arith.constant 26624 : i32
      %add3A_261 = arith.addi %add3A_260, %mul3A_259 : i32
      %swap3A_262 = arith.index_cast %add3A_261 : i32 to index
      %swap3A_263 = tpu.vector_load %arg5[%swap3A_262] {strides = array<i32>} : memref<32768xi32, #tpu.memory_space<vmem>>, vector<16xi32>,
      tpu.vector_store %arg5[%swap3A_262], %broadcast_in_dim3A_257 {strides = array<i32>} : memref<32768xi32, #tpu.memory_space<vmem>>, vector<16xi32>,
      %broadcast_in_dim3A_264 = arith.constant 0 : i32
      %broadcast_in_dim3A_265 = vector.broadcast %broadcast_in_dim3A_264 : i32 to vector<16xi32>
      %mul3A_266 = arith.constant 16 : i32
      %mul3A_267 = arith.muli %scan3A_151, %mul3A_266 : i32
      %add3A_268 = arith.constant 28672 : i32
      %add3A_269 = arith.addi %add3A_268, %mul3A_267 : i32
      %swap3A_270 = arith.index_cast %add3A_269 : i32 to index
      %swap3A_271 = tpu.vector_load %arg5[%swap3A_270] {strides = array<i32>} : memref<32768xi32, #tpu.memory_space<vmem>>, vector<16xi32>,
      tpu.vector_store %arg5[%swap3A_270], %broadcast_in_dim3A_265 {strides = array<i32>} : memref<32768xi32, #tpu.memory_space<vmem>>, vector<16xi32>,
      %broadcast_in_dim3A_272 = arith.constant 0 : i32
      %broadcast_in_dim3A_273 = vector.broadcast %broadcast_in_dim3A_272 : i32 to vector<16xi32>
      %mul3A_274 = arith.constant 16 : i32
      %mul3A_275 = arith.muli %scan3A_151, %mul3A_274 : i32
      %add3A_276 = arith.constant 30720 : i32
      %add3A_277 = arith.addi %add3A_276, %mul3A_275 : i32
      %swap3A_278 = arith.index_cast %add3A_277 : i32 to index
      %swap3A_279 = tpu.vector_load %arg5[%swap3A_278] {strides = array<i32>} : memref<32768xi32, #tpu.memory_space<vmem>>, vector<16xi32>,
      tpu.vector_store %arg5[%swap3A_278], %broadcast_in_dim3A_273 {strides = array<i32>} : memref<32768xi32, #tpu.memory_space<vmem>>, vector<16xi32>,
      %scan3A_280 = arith.constant 0 : i32
      scf.yield %scan3A_280 : i32
    }
    %scan3A_84 = arith.constant 64 : i32
    %scan3A_85 = arith.constant 0 : i32
    %scan3A_86 = arith.constant 0 : i32
    %scan3A_87 = arith.constant 4096 : i32
    %scan3A_88 = arith.addi %scan3A_86, %scan3A_87 : i32
    %scan3A_89 = arith.constant 1 : i32
    %scan3A_90 = scf.for %scan3A_151 = %scan3A_86 to %scan3A_88 step %scan3A_89 iter_args(%scan3A_152 = %scan3A_85) -> (i32)  : i32 {
      %mul3A_153 = arith.constant 16 : i32
      %mul3A_154 = arith.muli %scan3A_151, %mul3A_153 : i32
      %get3A = arith.index_cast %mul3A_154 : i32 to index
      %get3A_155 = tpu.vector_load %arg4[%get3A] {strides = array<i32>} : memref<65536xf32, #tpu.memory_space<vmem>>, vector<16xf32>,
      %bitcast_convert_type3A = tpu.bitcast %get3A_155 : vector<16xf32> -> vector<16xi32>
      %shift_right_arithmetic3A = arith.constant 0 : i32
      %shift_right_arithmetic3A_156 = vector.broadcast %shift_right_arithmetic3A : i32 to vector<16xi32>
      %shift_right_arithmetic3A_157 = arith.shrsi %bitcast_convert_type3A, %shift_right_arithmetic3A_156 : vector<16xi32>
      %and3A = arith.constant 1023 : i32
      %and3A_158 = vector.broadcast %and3A : i32 to vector<16xi32>
      %and3A_159 = arith.andi %shift_right_arithmetic3A_157, %and3A_158 : vector<16xi32>
      %mul3A_160 = arith.constant 2048 : i32
      %mul3A_161 = vector.broadcast %mul3A_160 : i32 to vector<16xi32>
      %mul3A_162 = arith.muli %iota3A, %mul3A_161 : vector<16xi32>
      %add3A = arith.addi %mul3A_162, %and3A_159 : vector<16xi32>
      %shift_right_arithmetic3A_163 = arith.constant 10 : i32
      %shift_right_arithmetic3A_164 = vector.broadcast %shift_right_arithmetic3A_163 : i32 to vector<16xi32>
      %shift_right_arithmetic3A_165 = arith.shrsi %bitcast_convert_type3A, %shift_right_arithmetic3A_164 : vector<16xi32>
      %eq3A_166 = vector.broadcast %or3A_76 : i32 to vector<16xi32>
      %eq3A_167 = arith.cmpi eq, %shift_right_arithmetic3A_165, %eq3A_166 : vector<16xi32>
      tpu.vector_store_idx %arg5[%add3A], %broadcast_in_dim3A_0 masked %eq3A_167 {add = true} : memref<32768xi32, #tpu.memory_space<vmem>>[vector<16xi32>], vector<16xi32>, vector<16xi1>
      %scan3A_168 = arith.constant 0 : i32
      scf.yield %scan3A_168 : i32
    }
    %scan3A_91 = arith.constant 4096 : i32
    %scan3A_92 = arith.constant 0 : i32
    %scan3A_93 = arith.constant 0 : i32
    %scan3A_94 = arith.constant 64 : i32
    %scan3A_95 = arith.addi %scan3A_93, %scan3A_94 : i32
    %scan3A_96 = arith.constant 1 : i32
    %scan3A_97 = scf.for %scan3A_151 = %scan3A_93 to %scan3A_95 step %scan3A_96 iter_args(%scan3A_152 = %scan3A_92) -> (i32)  : i32 {
      %mul3A_153 = arith.constant 16 : i32
      %mul3A_154 = arith.muli %scan3A_151, %mul3A_153 : i32
      %get3A = arith.index_cast %mul3A_154 : i32 to index
      %get3A_155 = tpu.vector_load %arg5[%get3A] {strides = array<i32>} : memref<32768xi32, #tpu.memory_space<vmem>>, vector<16xi32>,
      %mul3A_156 = arith.constant 16 : i32
      %mul3A_157 = arith.muli %scan3A_151, %mul3A_156 : i32
      %add3A = arith.constant 2048 : i32
      %add3A_158 = arith.addi %add3A, %mul3A_157 : i32
      %get3A_159 = arith.index_cast %add3A_158 : i32 to index
      %get3A_160 = tpu.vector_load %arg5[%get3A_159] {strides = array<i32>} : memref<32768xi32, #tpu.memory_space<vmem>>, vector<16xi32>,
      %add3A_161 = arith.addi %get3A_155, %get3A_160 : vector<16xi32>
      %mul3A_162 = arith.constant 16 : i32
      %mul3A_163 = arith.muli %scan3A_151, %mul3A_162 : i32
      %add3A_164 = arith.constant 4096 : i32
      %add3A_165 = arith.addi %add3A_164, %mul3A_163 : i32
      %get3A_166 = arith.index_cast %add3A_165 : i32 to index
      %get3A_167 = tpu.vector_load %arg5[%get3A_166] {strides = array<i32>} : memref<32768xi32, #tpu.memory_space<vmem>>, vector<16xi32>,
      %add3A_168 = arith.addi %add3A_161, %get3A_167 : vector<16xi32>
      %mul3A_169 = arith.constant 16 : i32
      %mul3A_170 = arith.muli %scan3A_151, %mul3A_169 : i32
      %add3A_171 = arith.constant 6144 : i32
      %add3A_172 = arith.addi %add3A_171, %mul3A_170 : i32
      %get3A_173 = arith.index_cast %add3A_172 : i32 to index
      %get3A_174 = tpu.vector_load %arg5[%get3A_173] {strides = array<i32>} : memref<32768xi32, #tpu.memory_space<vmem>>, vector<16xi32>,
      %add3A_175 = arith.addi %add3A_168, %get3A_174 : vector<16xi32>
      %mul3A_176 = arith.constant 16 : i32
      %mul3A_177 = arith.muli %scan3A_151, %mul3A_176 : i32
      %add3A_178 = arith.constant 8192 : i32
      %add3A_179 = arith.addi %add3A_178, %mul3A_177 : i32
      %get3A_180 = arith.index_cast %add3A_179 : i32 to index
      %get3A_181 = tpu.vector_load %arg5[%get3A_180] {strides = array<i32>} : memref<32768xi32, #tpu.memory_space<vmem>>, vector<16xi32>,
      %add3A_182 = arith.addi %add3A_175, %get3A_181 : vector<16xi32>
      %mul3A_183 = arith.constant 16 : i32
      %mul3A_184 = arith.muli %scan3A_151, %mul3A_183 : i32
      %add3A_185 = arith.constant 10240 : i32
      %add3A_186 = arith.addi %add3A_185, %mul3A_184 : i32
      %get3A_187 = arith.index_cast %add3A_186 : i32 to index
      %get3A_188 = tpu.vector_load %arg5[%get3A_187] {strides = array<i32>} : memref<32768xi32, #tpu.memory_space<vmem>>, vector<16xi32>,
      %add3A_189 = arith.addi %add3A_182, %get3A_188 : vector<16xi32>
      %mul3A_190 = arith.constant 16 : i32
      %mul3A_191 = arith.muli %scan3A_151, %mul3A_190 : i32
      %add3A_192 = arith.constant 12288 : i32
      %add3A_193 = arith.addi %add3A_192, %mul3A_191 : i32
      %get3A_194 = arith.index_cast %add3A_193 : i32 to index
      %get3A_195 = tpu.vector_load %arg5[%get3A_194] {strides = array<i32>} : memref<32768xi32, #tpu.memory_space<vmem>>, vector<16xi32>,
      %add3A_196 = arith.addi %add3A_189, %get3A_195 : vector<16xi32>
      %mul3A_197 = arith.constant 16 : i32
      %mul3A_198 = arith.muli %scan3A_151, %mul3A_197 : i32
      %add3A_199 = arith.constant 14336 : i32
      %add3A_200 = arith.addi %add3A_199, %mul3A_198 : i32
      %get3A_201 = arith.index_cast %add3A_200 : i32 to index
      %get3A_202 = tpu.vector_load %arg5[%get3A_201] {strides = array<i32>} : memref<32768xi32, #tpu.memory_space<vmem>>, vector<16xi32>,
      %add3A_203 = arith.addi %add3A_196, %get3A_202 : vector<16xi32>
      %mul3A_204 = arith.constant 16 : i32
      %mul3A_205 = arith.muli %scan3A_151, %mul3A_204 : i32
      %add3A_206 = arith.constant 16384 : i32
      %add3A_207 = arith.addi %add3A_206, %mul3A_205 : i32
      %get3A_208 = arith.index_cast %add3A_207 : i32 to index
      %get3A_209 = tpu.vector_load %arg5[%get3A_208] {strides = array<i32>} : memref<32768xi32, #tpu.memory_space<vmem>>, vector<16xi32>,
      %add3A_210 = arith.addi %add3A_203, %get3A_209 : vector<16xi32>
      %mul3A_211 = arith.constant 16 : i32
      %mul3A_212 = arith.muli %scan3A_151, %mul3A_211 : i32
      %add3A_213 = arith.constant 18432 : i32
      %add3A_214 = arith.addi %add3A_213, %mul3A_212 : i32
      %get3A_215 = arith.index_cast %add3A_214 : i32 to index
      %get3A_216 = tpu.vector_load %arg5[%get3A_215] {strides = array<i32>} : memref<32768xi32, #tpu.memory_space<vmem>>, vector<16xi32>,
      %add3A_217 = arith.addi %add3A_210, %get3A_216 : vector<16xi32>
      %mul3A_218 = arith.constant 16 : i32
      %mul3A_219 = arith.muli %scan3A_151, %mul3A_218 : i32
      %add3A_220 = arith.constant 20480 : i32
      %add3A_221 = arith.addi %add3A_220, %mul3A_219 : i32
      %get3A_222 = arith.index_cast %add3A_221 : i32 to index
      %get3A_223 = tpu.vector_load %arg5[%get3A_222] {strides = array<i32>} : memref<32768xi32, #tpu.memory_space<vmem>>, vector<16xi32>,
      %add3A_224 = arith.addi %add3A_217, %get3A_223 : vector<16xi32>
      %mul3A_225 = arith.constant 16 : i32
      %mul3A_226 = arith.muli %scan3A_151, %mul3A_225 : i32
      %add3A_227 = arith.constant 22528 : i32
      %add3A_228 = arith.addi %add3A_227, %mul3A_226 : i32
      %get3A_229 = arith.index_cast %add3A_228 : i32 to index
      %get3A_230 = tpu.vector_load %arg5[%get3A_229] {strides = array<i32>} : memref<32768xi32, #tpu.memory_space<vmem>>, vector<16xi32>,
      %add3A_231 = arith.addi %add3A_224, %get3A_230 : vector<16xi32>
      %mul3A_232 = arith.constant 16 : i32
      %mul3A_233 = arith.muli %scan3A_151, %mul3A_232 : i32
      %add3A_234 = arith.constant 24576 : i32
      %add3A_235 = arith.addi %add3A_234, %mul3A_233 : i32
      %get3A_236 = arith.index_cast %add3A_235 : i32 to index
      %get3A_237 = tpu.vector_load %arg5[%get3A_236] {strides = array<i32>} : memref<32768xi32, #tpu.memory_space<vmem>>, vector<16xi32>,
      %add3A_238 = arith.addi %add3A_231, %get3A_237 : vector<16xi32>
      %mul3A_239 = arith.constant 16 : i32
      %mul3A_240 = arith.muli %scan3A_151, %mul3A_239 : i32
      %add3A_241 = arith.constant 26624 : i32
      %add3A_242 = arith.addi %add3A_241, %mul3A_240 : i32
      %get3A_243 = arith.index_cast %add3A_242 : i32 to index
      %get3A_244 = tpu.vector_load %arg5[%get3A_243] {strides = array<i32>} : memref<32768xi32, #tpu.memory_space<vmem>>, vector<16xi32>,
      %add3A_245 = arith.addi %add3A_238, %get3A_244 : vector<16xi32>
      %mul3A_246 = arith.constant 16 : i32
      %mul3A_247 = arith.muli %scan3A_151, %mul3A_246 : i32
      %add3A_248 = arith.constant 28672 : i32
      %add3A_249 = arith.addi %add3A_248, %mul3A_247 : i32
      %get3A_250 = arith.index_cast %add3A_249 : i32 to index
      %get3A_251 = tpu.vector_load %arg5[%get3A_250] {strides = array<i32>} : memref<32768xi32, #tpu.memory_space<vmem>>, vector<16xi32>,
      %add3A_252 = arith.addi %add3A_245, %get3A_251 : vector<16xi32>
      %mul3A_253 = arith.constant 16 : i32
      %mul3A_254 = arith.muli %scan3A_151, %mul3A_253 : i32
      %add3A_255 = arith.constant 30720 : i32
      %add3A_256 = arith.addi %add3A_255, %mul3A_254 : i32
      %get3A_257 = arith.index_cast %add3A_256 : i32 to index
      %get3A_258 = tpu.vector_load %arg5[%get3A_257] {strides = array<i32>} : memref<32768xi32, #tpu.memory_space<vmem>>, vector<16xi32>,
      %add3A_259 = arith.addi %add3A_252, %get3A_258 : vector<16xi32>
      %mul3A_260 = arith.constant 16 : i32
      %mul3A_261 = arith.muli %scan3A_151, %mul3A_260 : i32
      %swap3A_262 = arith.index_cast %mul3A_261 : i32 to index
      %swap3A_263 = tpu.vector_load %arg6[%swap3A_262] {strides = array<i32>} : memref<2048xi32, #tpu.memory_space<vmem>>, vector<16xi32>,
      tpu.vector_store %arg6[%swap3A_262], %add3A_259 {strides = array<i32>} : memref<2048xi32, #tpu.memory_space<vmem>>, vector<16xi32>,
      %scan3A_264 = arith.constant 0 : i32
      scf.yield %scan3A_264 : i32
    }
    %scan3A_98 = arith.constant 64 : i32
    %mul3A_99 = arith.constant 2048 : i32
    %mul3A_100 = arith.muli %arg1, %mul3A_99 : i32
    "tpu.region"() ({
      %run_scoped3A = tpu.sem_alloc : memref<!tpu.dma_semaphore, #tpu.memory_space<semaphore_mem>>
      %dma_start3A = arith.constant 0 : i32
      %dma_start3A_151 = tpu.memref_slice %arg6[%dma_start3A] : memref<2048xi32, #tpu.memory_space<vmem>> -> memref<1024xi32, #tpu.memory_space<vmem>>
      %dma_start3A_152 = tpu.memref_slice %arg10[%mul3A_100] : memref<32768xi32, #tpu.memory_space<vmem_shared>> -> memref<1024xi32, #tpu.memory_space<vmem_shared>>
      %dma_start3A_153 = tpu.memref_slice %arg10[%mul3A_100] : memref<32768xi32, #tpu.memory_space<vmem_shared>> -> memref<1024xi32, #tpu.memory_space<vmem_shared>>
      %dma_start3A_154 = arith.constant 0 : i32
      %dma_start3A_155 = tpu.memref_slice %arg6[%dma_start3A_154] : memref<2048xi32, #tpu.memory_space<vmem>> -> memref<1024xi32, #tpu.memory_space<vmem>>
      tpu.enqueue_dma source(%dma_start3A_155 : memref<1024xi32, #tpu.memory_space<vmem>>) target(%dma_start3A_153 : memref<1024xi32, #tpu.memory_space<vmem_shared>>) target_semaphore(%run_scoped3A : memref<!tpu.dma_semaphore, #tpu.memory_space<semaphore_mem>>)
      %dma_wait3A = arith.constant 0 : i32
      %dma_wait3A_156 = tpu.memref_slice %arg6[%dma_wait3A] : memref<2048xi32, #tpu.memory_space<vmem>> -> memref<1024xi32, #tpu.memory_space<vmem>>
      %dma_wait3A_157 = tpu.memref_slice %arg10[%mul3A_100] : memref<32768xi32, #tpu.memory_space<vmem_shared>> -> memref<1024xi32, #tpu.memory_space<vmem_shared>>
      %dma_wait3A_158 = tpu.memref_slice %arg10[%mul3A_100] : memref<32768xi32, #tpu.memory_space<vmem_shared>> -> memref<1024xi32, #tpu.memory_space<vmem_shared>>
      %dma_wait3A_159 = arith.constant 0 : i32
      %dma_wait3A_160 = tpu.memref_slice %arg6[%dma_wait3A_159] : memref<2048xi32, #tpu.memory_space<vmem>> -> memref<1024xi32, #tpu.memory_space<vmem>>
      tpu.wait_dma2 semaphore(%run_scoped3A : memref<!tpu.dma_semaphore, #tpu.memory_space<semaphore_mem>>) src(%dma_wait3A_160 : memref<1024xi32, #tpu.memory_space<vmem>>) dst(%dma_wait3A_158 : memref<1024xi32, #tpu.memory_space<vmem_shared>>)
      tpu.yield
    }) : () -> ()
    %barrier3A_101 = arith.constant 0 : index
    tpu.barrier barrier_id(%barrier3A_101)
    "tpu.region"() ({
      %run_scoped3A = tpu.sem_alloc : memref<!tpu.dma_semaphore, #tpu.memory_space<semaphore_mem>>
      tpu.enqueue_dma source(%arg10 : memref<32768xi32, #tpu.memory_space<vmem_shared>>) target(%arg5 : memref<32768xi32, #tpu.memory_space<vmem>>) target_semaphore(%run_scoped3A : memref<!tpu.dma_semaphore, #tpu.memory_space<semaphore_mem>>)
      tpu.wait_dma2 semaphore(%run_scoped3A : memref<!tpu.dma_semaphore, #tpu.memory_space<semaphore_mem>>) src(%arg10 : memref<32768xi32, #tpu.memory_space<vmem_shared>>) dst(%arg5 : memref<32768xi32, #tpu.memory_space<vmem>>)
      tpu.yield
    }) : () -> ()
    %barrier3A_102 = arith.constant 0 : index
    tpu.barrier barrier_id(%barrier3A_102)
    %scan3A_103 = arith.constant 0 : i32
    %scan3A_104 = arith.constant 0 : i32
    %scan3A_105 = arith.constant false
    %scan3A_106 = arith.constant 0 : i32
    %scan3A_107 = arith.constant 0 : i32
    %scan3A_108 = arith.constant 64 : i32
    %scan3A_109 = arith.addi %scan3A_107, %scan3A_108 : i32
    %scan3A_110 = arith.constant 1 : i32
    %scan3A_111:4 = scf.for %scan3A_151 = %scan3A_107 to %scan3A_109 step %scan3A_110 iter_args(%scan3A_152 = %scan3A_103, %scan3A_153 = %scan3A_104, %scan3A_154 = %scan3A_105, %scan3A_155 = %scan3A_106) -> (i32, i32, i1, i32)  : i32 {
      %sub3A_156 = arith.constant 63 : i32
      %sub3A_157 = arith.subi %sub3A_156, %scan3A_151 : i32
      %mul3A_158 = arith.constant 16 : i32
      %mul3A_159 = arith.muli %sub3A_157, %mul3A_158 : i32
      %get3A = arith.index_cast %mul3A_159 : i32 to index
      %get3A_160 = tpu.vector_load %arg5[%get3A] {strides = array<i32>} : memref<32768xi32, #tpu.memory_space<vmem>>, vector<16xi32>,
      %mul3A_161 = arith.constant 16 : i32
      %mul3A_162 = arith.muli %sub3A_157, %mul3A_161 : i32
      %add3A = arith.constant 2048 : i32
      %add3A_163 = arith.addi %add3A, %mul3A_162 : i32
      %get3A_164 = arith.index_cast %add3A_163 : i32 to index
      %get3A_165 = tpu.vector_load %arg5[%get3A_164] {strides = array<i32>} : memref<32768xi32, #tpu.memory_space<vmem>>, vector<16xi32>,
      %add3A_166 = arith.addi %get3A_160, %get3A_165 : vector<16xi32>
      %mul3A_167 = arith.constant 16 : i32
      %mul3A_168 = arith.muli %sub3A_157, %mul3A_167 : i32
      %add3A_169 = arith.constant 4096 : i32
      %add3A_170 = arith.addi %add3A_169, %mul3A_168 : i32
      %get3A_171 = arith.index_cast %add3A_170 : i32 to index
      %get3A_172 = tpu.vector_load %arg5[%get3A_171] {strides = array<i32>} : memref<32768xi32, #tpu.memory_space<vmem>>, vector<16xi32>,
      %add3A_173 = arith.addi %add3A_166, %get3A_172 : vector<16xi32>
      %mul3A_174 = arith.constant 16 : i32
      %mul3A_175 = arith.muli %sub3A_157, %mul3A_174 : i32
      %add3A_176 = arith.constant 6144 : i32
      %add3A_177 = arith.addi %add3A_176, %mul3A_175 : i32
      %get3A_178 = arith.index_cast %add3A_177 : i32 to index
      %get3A_179 = tpu.vector_load %arg5[%get3A_178] {strides = array<i32>} : memref<32768xi32, #tpu.memory_space<vmem>>, vector<16xi32>,
      %add3A_180 = arith.addi %add3A_173, %get3A_179 : vector<16xi32>
      %mul3A_181 = arith.constant 16 : i32
      %mul3A_182 = arith.muli %sub3A_157, %mul3A_181 : i32
      %add3A_183 = arith.constant 8192 : i32
      %add3A_184 = arith.addi %add3A_183, %mul3A_182 : i32
      %get3A_185 = arith.index_cast %add3A_184 : i32 to index
      %get3A_186 = tpu.vector_load %arg5[%get3A_185] {strides = array<i32>} : memref<32768xi32, #tpu.memory_space<vmem>>, vector<16xi32>,
      %add3A_187 = arith.addi %add3A_180, %get3A_186 : vector<16xi32>
      %mul3A_188 = arith.constant 16 : i32
      %mul3A_189 = arith.muli %sub3A_157, %mul3A_188 : i32
      %add3A_190 = arith.constant 10240 : i32
      %add3A_191 = arith.addi %add3A_190, %mul3A_189 : i32
      %get3A_192 = arith.index_cast %add3A_191 : i32 to index
      %get3A_193 = tpu.vector_load %arg5[%get3A_192] {strides = array<i32>} : memref<32768xi32, #tpu.memory_space<vmem>>, vector<16xi32>,
      %add3A_194 = arith.addi %add3A_187, %get3A_193 : vector<16xi32>
      %mul3A_195 = arith.constant 16 : i32
      %mul3A_196 = arith.muli %sub3A_157, %mul3A_195 : i32
      %add3A_197 = arith.constant 12288 : i32
      %add3A_198 = arith.addi %add3A_197, %mul3A_196 : i32
      %get3A_199 = arith.index_cast %add3A_198 : i32 to index
      %get3A_200 = tpu.vector_load %arg5[%get3A_199] {strides = array<i32>} : memref<32768xi32, #tpu.memory_space<vmem>>, vector<16xi32>,
      %add3A_201 = arith.addi %add3A_194, %get3A_200 : vector<16xi32>
      %mul3A_202 = arith.constant 16 : i32
      %mul3A_203 = arith.muli %sub3A_157, %mul3A_202 : i32
      %add3A_204 = arith.constant 14336 : i32
      %add3A_205 = arith.addi %add3A_204, %mul3A_203 : i32
      %get3A_206 = arith.index_cast %add3A_205 : i32 to index
      %get3A_207 = tpu.vector_load %arg5[%get3A_206] {strides = array<i32>} : memref<32768xi32, #tpu.memory_space<vmem>>, vector<16xi32>,
      %add3A_208 = arith.addi %add3A_201, %get3A_207 : vector<16xi32>
      %mul3A_209 = arith.constant 16 : i32
      %mul3A_210 = arith.muli %sub3A_157, %mul3A_209 : i32
      %add3A_211 = arith.constant 16384 : i32
      %add3A_212 = arith.addi %add3A_211, %mul3A_210 : i32
      %get3A_213 = arith.index_cast %add3A_212 : i32 to index
      %get3A_214 = tpu.vector_load %arg5[%get3A_213] {strides = array<i32>} : memref<32768xi32, #tpu.memory_space<vmem>>, vector<16xi32>,
      %add3A_215 = arith.addi %add3A_208, %get3A_214 : vector<16xi32>
      %mul3A_216 = arith.constant 16 : i32
      %mul3A_217 = arith.muli %sub3A_157, %mul3A_216 : i32
      %add3A_218 = arith.constant 18432 : i32
      %add3A_219 = arith.addi %add3A_218, %mul3A_217 : i32
      %get3A_220 = arith.index_cast %add3A_219 : i32 to index
      %get3A_221 = tpu.vector_load %arg5[%get3A_220] {strides = array<i32>} : memref<32768xi32, #tpu.memory_space<vmem>>, vector<16xi32>,
      %add3A_222 = arith.addi %add3A_215, %get3A_221 : vector<16xi32>
      %mul3A_223 = arith.constant 16 : i32
      %mul3A_224 = arith.muli %sub3A_157, %mul3A_223 : i32
      %add3A_225 = arith.constant 20480 : i32
      %add3A_226 = arith.addi %add3A_225, %mul3A_224 : i32
      %get3A_227 = arith.index_cast %add3A_226 : i32 to index
      %get3A_228 = tpu.vector_load %arg5[%get3A_227] {strides = array<i32>} : memref<32768xi32, #tpu.memory_space<vmem>>, vector<16xi32>,
      %add3A_229 = arith.addi %add3A_222, %get3A_228 : vector<16xi32>
      %mul3A_230 = arith.constant 16 : i32
      %mul3A_231 = arith.muli %sub3A_157, %mul3A_230 : i32
      %add3A_232 = arith.constant 22528 : i32
      %add3A_233 = arith.addi %add3A_232, %mul3A_231 : i32
      %get3A_234 = arith.index_cast %add3A_233 : i32 to index
      %get3A_235 = tpu.vector_load %arg5[%get3A_234] {strides = array<i32>} : memref<32768xi32, #tpu.memory_space<vmem>>, vector<16xi32>,
      %add3A_236 = arith.addi %add3A_229, %get3A_235 : vector<16xi32>
      %mul3A_237 = arith.constant 16 : i32
      %mul3A_238 = arith.muli %sub3A_157, %mul3A_237 : i32
      %add3A_239 = arith.constant 24576 : i32
      %add3A_240 = arith.addi %add3A_239, %mul3A_238 : i32
      %get3A_241 = arith.index_cast %add3A_240 : i32 to index
      %get3A_242 = tpu.vector_load %arg5[%get3A_241] {strides = array<i32>} : memref<32768xi32, #tpu.memory_space<vmem>>, vector<16xi32>,
      %add3A_243 = arith.addi %add3A_236, %get3A_242 : vector<16xi32>
      %mul3A_244 = arith.constant 16 : i32
      %mul3A_245 = arith.muli %sub3A_157, %mul3A_244 : i32
      %add3A_246 = arith.constant 26624 : i32
      %add3A_247 = arith.addi %add3A_246, %mul3A_245 : i32
      %get3A_248 = arith.index_cast %add3A_247 : i32 to index
      %get3A_249 = tpu.vector_load %arg5[%get3A_248] {strides = array<i32>} : memref<32768xi32, #tpu.memory_space<vmem>>, vector<16xi32>,
      %add3A_250 = arith.addi %add3A_243, %get3A_249 : vector<16xi32>
      %mul3A_251 = arith.constant 16 : i32
      %mul3A_252 = arith.muli %sub3A_157, %mul3A_251 : i32
      %add3A_253 = arith.constant 28672 : i32
      %add3A_254 = arith.addi %add3A_253, %mul3A_252 : i32
      %get3A_255 = arith.index_cast %add3A_254 : i32 to index
      %get3A_256 = tpu.vector_load %arg5[%get3A_255] {strides = array<i32>} : memref<32768xi32, #tpu.memory_space<vmem>>, vector<16xi32>,
      %add3A_257 = arith.addi %add3A_250, %get3A_256 : vector<16xi32>
      %mul3A_258 = arith.constant 16 : i32
      %mul3A_259 = arith.muli %sub3A_157, %mul3A_258 : i32
      %add3A_260 = arith.constant 30720 : i32
      %add3A_261 = arith.addi %add3A_260, %mul3A_259 : i32
      %get3A_262 = arith.index_cast %add3A_261 : i32 to index
      %get3A_263 = tpu.vector_load %arg5[%get3A_262] {strides = array<i32>} : memref<32768xi32, #tpu.memory_space<vmem>>, vector<16xi32>,
      %add3A_264 = arith.addi %add3A_257, %get3A_263 : vector<16xi32>
      %rev3A = arith.constant 15 : i32
      %rev3A_265 = vector.broadcast %rev3A : i32 to vector<16xi32>
      %rev3A_266 = tpu.iota {dimensions = array<i32: 0>} : vector<16xi32>
      %rev3A_267 = arith.subi %rev3A_265, %rev3A_266 : vector<16xi32>
      %rev3A_268 = tpu.dynamic_gather %add3A_264[%rev3A_267] in [0] : vector<16xi32>, vector<16xi32> -> vector<16xi32>
      %cumsum3A = arith.constant true
      %cumsum3A_269 = vector.broadcast %cumsum3A : i1 to vector<16xi1>
      %cumsum3A_270 = tpu.scan <sum>, %rev3A_268 masked %cumsum3A_269 : vector<16xi32>, vector<16xi1> -> vector<16xi32>
      %rev3A_271 = arith.constant 15 : i32
      %rev3A_272 = vector.broadcast %rev3A_271 : i32 to vector<16xi32>
      %rev3A_273 = tpu.iota {dimensions = array<i32: 0>} : vector<16xi32>
      %rev3A_274 = arith.subi %rev3A_272, %rev3A_273 : vector<16xi32>
      %rev3A_275 = tpu.dynamic_gather %cumsum3A_270[%rev3A_274] in [0] : vector<16xi32>, vector<16xi32> -> vector<16xi32>
      %add3A_276 = vector.broadcast %scan3A_152 : i32 to vector<16xi32>
      %add3A_277 = arith.addi %rev3A_275, %add3A_276 : vector<16xi32>
      %ge3A = vector.broadcast %sub3A_77 : i32 to vector<16xi32>
      %ge3A_278 = arith.cmpi sge, %add3A_277, %ge3A : vector<16xi32>
      %convert_element_type3A_279 = arith.extui %ge3A_278 : vector<16xi1> to vector<16xi32>
      %reduce_sum3A_280 = arith.constant true
      %reduce_sum3A_281 = vector.broadcast %reduce_sum3A_280 : i1 to vector<16xi1>
      %reduce_sum3A_282 = tpu.scan <sum>, %convert_element_type3A_279 masked %reduce_sum3A_281 : vector<16xi32>, vector<16xi1> -> vector<16xi32>
      %reduce_sum3A_283 = vector.extract %reduce_sum3A_282[15] : i32 from vector<16xi32>
      %sub3A_284 = arith.constant 1 : i32
      %sub3A_285 = arith.subi %reduce_sum3A_283, %sub3A_284 : i32
      %ge3A_286 = arith.constant 0 : i32
      %ge3A_287 = arith.cmpi sge, %sub3A_285, %ge3A_286 : i32
      %not3A = arith.constant true
      %not3A_288 = arith.xori %scan3A_154, %not3A : i1
      %and3A = arith.andi %ge3A_287, %not3A_288 : i1
      %eq3A_289 = vector.broadcast %sub3A_285 : i32 to vector<16xi32>
      %eq3A_290 = arith.cmpi eq, %iota3A, %eq3A_289 : vector<16xi32>
      %jit3A_291 = arith.constant 0 : i32
      %broadcast_in_dim3A_292 = vector.broadcast %jit3A_291 : i32 to vector<16xi32>
      %select_n3A_293 = arith.select %eq3A_290, %add3A_277, %broadcast_in_dim3A_292 : vector<16xi1>, vector<16xi32>
      %reduce_sum3A_294 = arith.constant true
      %reduce_sum3A_295 = vector.broadcast %reduce_sum3A_294 : i1 to vector<16xi1>
      %reduce_sum3A_296 = tpu.scan <sum>, %select_n3A_293 masked %reduce_sum3A_295 : vector<16xi32>, vector<16xi1> -> vector<16xi32>
      %reduce_sum3A_297 = vector.extract %reduce_sum3A_296[15] : i32 from vector<16xi32>
      %jit3A_298 = arith.constant 0 : i32
      %broadcast_in_dim3A_299 = vector.broadcast %jit3A_298 : i32 to vector<16xi32>
      %select_n3A_300 = arith.select %eq3A_290, %add3A_264, %broadcast_in_dim3A_299 : vector<16xi1>, vector<16xi32>
      %reduce_sum3A_301 = arith.constant true
      %reduce_sum3A_302 = vector.broadcast %reduce_sum3A_301 : i1 to vector<16xi1>
      %reduce_sum3A_303 = tpu.scan <sum>, %select_n3A_300 masked %reduce_sum3A_302 : vector<16xi32>, vector<16xi1> -> vector<16xi32>
      %reduce_sum3A_304 = vector.extract %reduce_sum3A_303[15] : i32 from vector<16xi32>
      %mul3A_305 = arith.constant 16 : i32
      %mul3A_306 = arith.muli %sub3A_157, %mul3A_305 : i32
      %add3A_307 = arith.addi %mul3A_306, %sub3A_285 : i32
      %select_n3A_308 = arith.select %and3A, %add3A_307, %scan3A_153 : i32
      %sub3A_309 = arith.subi %reduce_sum3A_297, %reduce_sum3A_304 : i32
      %select_n3A_310 = arith.select %and3A, %sub3A_309, %scan3A_155 : i32
      %or3A_311 = arith.ori %scan3A_154, %ge3A_287 : i1
      %reduce_sum3A_312 = arith.constant true
      %reduce_sum3A_313 = vector.broadcast %reduce_sum3A_312 : i1 to vector<16xi1>
      %reduce_sum3A_314 = tpu.scan <sum>, %add3A_264 masked %reduce_sum3A_313 : vector<16xi32>, vector<16xi1> -> vector<16xi32>
      %reduce_sum3A_315 = vector.extract %reduce_sum3A_314[15] : i32 from vector<16xi32>
      %add3A_316 = arith.addi %scan3A_152, %reduce_sum3A_315 : i32
      scf.yield %add3A_316, %select_n3A_308, %or3A_311, %select_n3A_310 : i32, i32, i1, i32
    }
    %scan3A_112 = arith.constant 64 : i32
    %shift_left3A_113 = arith.constant 10 : i32
    %shift_left3A_114 = arith.shli %or3A_76, %shift_left3A_113 : i32
    %or3A_115 = arith.ori %shift_left3A_114, %scan3A_111#1 : i32
    %sub3A_116 = arith.subi %sub3A_77, %scan3A_111#3 : i32
    %broadcast_in_dim3A_117 = arith.constant 0.000000e+00 : f32
    %broadcast_in_dim3A_118 = vector.broadcast %broadcast_in_dim3A_117 : f32 to vector<16xf32>
    %broadcast_in_dim3A_119 = arith.constant 0 : i32
    %broadcast_in_dim3A_120 = vector.broadcast %broadcast_in_dim3A_119 : i32 to vector<16xi32>
    %scan3A_121 = arith.constant 0 : i32
    %scan3A_122 = arith.constant 4096 : i32
    %scan3A_123 = arith.addi %scan3A_121, %scan3A_122 : i32
    %scan3A_124 = arith.constant 1 : i32
    %scan3A_125:2 = scf.for %scan3A_151 = %scan3A_121 to %scan3A_123 step %scan3A_124 iter_args(%scan3A_152 = %broadcast_in_dim3A_118, %scan3A_153 = %broadcast_in_dim3A_120) -> (vector<16xf32>, vector<16xi32>)  : i32 {
      %mul3A_154 = arith.constant 16 : i32
      %mul3A_155 = arith.muli %scan3A_151, %mul3A_154 : i32
      %get3A = arith.index_cast %mul3A_155 : i32 to index
      %get3A_156 = tpu.vector_load %arg4[%get3A] {strides = array<i32>} : memref<65536xf32, #tpu.memory_space<vmem>>, vector<16xf32>,
      %bitcast_convert_type3A = tpu.bitcast %get3A_156 : vector<16xf32> -> vector<16xi32>
      %ge3A = vector.broadcast %or3A_115 : i32 to vector<16xi32>
      %ge3A_157 = arith.cmpi sge, %bitcast_convert_type3A, %ge3A : vector<16xi32>
      %jit3A_158 = arith.constant 0.000000e+00 : f32
      %broadcast_in_dim3A_159 = vector.broadcast %jit3A_158 : f32 to vector<16xf32>
      %select_n3A_160 = arith.select %ge3A_157, %get3A_156, %broadcast_in_dim3A_159 : vector<16xi1>, vector<16xf32>
      %add3A = arith.addf %scan3A_152, %select_n3A_160 : vector<16xf32>
      %jit3A_161 = arith.constant 1 : i32
      %jit3A_162 = arith.constant 0 : i32
      %broadcast_in_dim3A_163 = vector.broadcast %jit3A_161 : i32 to vector<16xi32>
      %broadcast_in_dim3A_164 = vector.broadcast %jit3A_162 : i32 to vector<16xi32>
      %select_n3A_165 = arith.select %ge3A_157, %broadcast_in_dim3A_163, %broadcast_in_dim3A_164 : vector<16xi1>, vector<16xi32>
      %add3A_166 = arith.addi %scan3A_153, %select_n3A_165 : vector<16xi32>
      scf.yield %add3A, %add3A_166 : vector<16xf32>, vector<16xi32>
    }
    %scan3A_126 = arith.constant 4096 : i32
    %reduce_sum3A = arith.constant true
    %reduce_sum3A_127 = vector.broadcast %reduce_sum3A : i1 to vector<16xi1>
    %reduce_sum3A_128 = tpu.scan <sum>, %scan3A_125#0 masked %reduce_sum3A_127 : vector<16xf32>, vector<16xi1> -> vector<16xf32>
    %reduce_sum3A_129 = vector.extract %reduce_sum3A_128[15] : f32 from vector<16xf32>
    %reduce_sum3A_130 = arith.constant true
    %reduce_sum3A_131 = vector.broadcast %reduce_sum3A_130 : i1 to vector<16xi1>
    %reduce_sum3A_132 = tpu.scan <sum>, %scan3A_125#1 masked %reduce_sum3A_131 : vector<16xi32>, vector<16xi1> -> vector<16xi32>
    %reduce_sum3A_133 = vector.extract %reduce_sum3A_132[15] : i32 from vector<16xi32>
    %convert_element_type3A = arith.sitofp %reduce_sum3A_133 : i32 to f32
    %eq3A = arith.constant 0 : i32
    %eq3A_134 = vector.broadcast %eq3A : i32 to vector<16xi32>
    %eq3A_135 = arith.cmpi eq, %iota3A, %eq3A_134 : vector<16xi32>
    %eq3A_136 = arith.constant 1 : i32
    %eq3A_137 = vector.broadcast %eq3A_136 : i32 to vector<16xi32>
    %eq3A_138 = arith.cmpi eq, %iota3A, %eq3A_137 : vector<16xi32>
    %jit3A = arith.constant 0.000000e+00 : f32
    %broadcast_in_dim3A_139 = vector.broadcast %convert_element_type3A : f32 to vector<16xf32>
    %broadcast_in_dim3A_140 = vector.broadcast %jit3A : f32 to vector<16xf32>
    %select_n3A = arith.select %eq3A_138, %broadcast_in_dim3A_139, %broadcast_in_dim3A_140 : vector<16xi1>, vector<16xf32>
    %broadcast_in_dim3A_141 = vector.broadcast %reduce_sum3A_129 : f32 to vector<16xf32>
    %select_n3A_142 = arith.select %eq3A_135, %broadcast_in_dim3A_141, %select_n3A : vector<16xi1>, vector<16xf32>
    %swap3A = arith.constant 0 : index
    %swap3A_143 = tpu.vector_load %arg7[%swap3A] {strides = array<i32>} : memref<16xf32, #tpu.memory_space<vmem>>, vector<16xf32>,
    tpu.vector_store %arg7[%swap3A], %select_n3A_142 {strides = array<i32>} : memref<16xf32, #tpu.memory_space<vmem>>, vector<16xf32>,
    %mul3A_144 = arith.constant 16 : i32
    %mul3A_145 = arith.muli %arg1, %mul3A_144 : i32
    "tpu.region"() ({
      %run_scoped3A = tpu.sem_alloc : memref<!tpu.dma_semaphore, #tpu.memory_space<semaphore_mem>>
      %dma_start3A = tpu.memref_slice %arg11[%mul3A_145] : memref<256xf32, #tpu.memory_space<vmem_shared>> -> memref<16xf32, #tpu.memory_space<vmem_shared>>
      %dma_start3A_151 = tpu.memref_slice %arg11[%mul3A_145] : memref<256xf32, #tpu.memory_space<vmem_shared>> -> memref<16xf32, #tpu.memory_space<vmem_shared>>
      tpu.enqueue_dma source(%arg7 : memref<16xf32, #tpu.memory_space<vmem>>) target(%dma_start3A_151 : memref<16xf32, #tpu.memory_space<vmem_shared>>) target_semaphore(%run_scoped3A : memref<!tpu.dma_semaphore, #tpu.memory_space<semaphore_mem>>)
      %dma_wait3A = tpu.memref_slice %arg11[%mul3A_145] : memref<256xf32, #tpu.memory_space<vmem_shared>> -> memref<16xf32, #tpu.memory_space<vmem_shared>>
      %dma_wait3A_152 = tpu.memref_slice %arg11[%mul3A_145] : memref<256xf32, #tpu.memory_space<vmem_shared>> -> memref<16xf32, #tpu.memory_space<vmem_shared>>
      tpu.wait_dma2 semaphore(%run_scoped3A : memref<!tpu.dma_semaphore, #tpu.memory_space<semaphore_mem>>) src(%arg7 : memref<16xf32, #tpu.memory_space<vmem>>) dst(%dma_wait3A_152 : memref<16xf32, #tpu.memory_space<vmem_shared>>)
      tpu.yield
    }) : () -> ()
    %barrier3A_146 = arith.constant 0 : index
    tpu.barrier barrier_id(%barrier3A_146)
    %eq3A_147 = arith.constant 0 : i32
    %eq3A_148 = arith.cmpi eq, %arg1, %eq3A_147 : i32
    %convert_element_type3A_149 = arith.extui %eq3A_148 : i1 to i32
    %cond3A = arith.constant 0 : i32
    %cond3A_150 = arith.cmpi ne, %convert_element_type3A_149, %cond3A : i32
    scf.if %cond3A_150 {
      "tpu.region"() ({
        %run_scoped3A = tpu.sem_alloc : memref<!tpu.dma_semaphore, #tpu.memory_space<semaphore_mem>>
        tpu.enqueue_dma source(%arg11 : memref<256xf32, #tpu.memory_space<vmem_shared>>) target(%arg8 : memref<256xf32, #tpu.memory_space<vmem>>) target_semaphore(%run_scoped3A : memref<!tpu.dma_semaphore, #tpu.memory_space<semaphore_mem>>)
        tpu.wait_dma2 semaphore(%run_scoped3A : memref<!tpu.dma_semaphore, #tpu.memory_space<semaphore_mem>>) src(%arg11 : memref<256xf32, #tpu.memory_space<vmem_shared>>) dst(%arg8 : memref<256xf32, #tpu.memory_space<vmem>>)
        tpu.yield
      }) : () -> ()
      %get3A = arith.constant 0 : index
      %get3A_151 = tpu.vector_load %arg8[%get3A] {strides = array<i32>} : memref<256xf32, #tpu.memory_space<vmem>>, vector<16xf32>,
      %get3A_152 = arith.constant 16 : index
      %get3A_153 = tpu.vector_load %arg8[%get3A_152] {strides = array<i32>} : memref<256xf32, #tpu.memory_space<vmem>>, vector<16xf32>,
      %add3A = arith.addf %get3A_151, %get3A_153 : vector<16xf32>
      %get3A_154 = arith.constant 32 : index
      %get3A_155 = tpu.vector_load %arg8[%get3A_154] {strides = array<i32>} : memref<256xf32, #tpu.memory_space<vmem>>, vector<16xf32>,
      %add3A_156 = arith.addf %add3A, %get3A_155 : vector<16xf32>
      %get3A_157 = arith.constant 48 : index
      %get3A_158 = tpu.vector_load %arg8[%get3A_157] {strides = array<i32>} : memref<256xf32, #tpu.memory_space<vmem>>, vector<16xf32>,
      %add3A_159 = arith.addf %add3A_156, %get3A_158 : vector<16xf32>
      %get3A_160 = arith.constant 64 : index
      %get3A_161 = tpu.vector_load %arg8[%get3A_160] {strides = array<i32>} : memref<256xf32, #tpu.memory_space<vmem>>, vector<16xf32>,
      %add3A_162 = arith.addf %add3A_159, %get3A_161 : vector<16xf32>
      %get3A_163 = arith.constant 80 : index
      %get3A_164 = tpu.vector_load %arg8[%get3A_163] {strides = array<i32>} : memref<256xf32, #tpu.memory_space<vmem>>, vector<16xf32>,
      %add3A_165 = arith.addf %add3A_162, %get3A_164 : vector<16xf32>
      %get3A_166 = arith.constant 96 : index
      %get3A_167 = tpu.vector_load %arg8[%get3A_166] {strides = array<i32>} : memref<256xf32, #tpu.memory_space<vmem>>, vector<16xf32>,
      %add3A_168 = arith.addf %add3A_165, %get3A_167 : vector<16xf32>
      %get3A_169 = arith.constant 112 : index
      %get3A_170 = tpu.vector_load %arg8[%get3A_169] {strides = array<i32>} : memref<256xf32, #tpu.memory_space<vmem>>, vector<16xf32>,
      %add3A_171 = arith.addf %add3A_168, %get3A_170 : vector<16xf32>
      %get3A_172 = arith.constant 128 : index
      %get3A_173 = tpu.vector_load %arg8[%get3A_172] {strides = array<i32>} : memref<256xf32, #tpu.memory_space<vmem>>, vector<16xf32>,
      %add3A_174 = arith.addf %add3A_171, %get3A_173 : vector<16xf32>
      %get3A_175 = arith.constant 144 : index
      %get3A_176 = tpu.vector_load %arg8[%get3A_175] {strides = array<i32>} : memref<256xf32, #tpu.memory_space<vmem>>, vector<16xf32>,
      %add3A_177 = arith.addf %add3A_174, %get3A_176 : vector<16xf32>
      %get3A_178 = arith.constant 160 : index
      %get3A_179 = tpu.vector_load %arg8[%get3A_178] {strides = array<i32>} : memref<256xf32, #tpu.memory_space<vmem>>, vector<16xf32>,
      %add3A_180 = arith.addf %add3A_177, %get3A_179 : vector<16xf32>
      %get3A_181 = arith.constant 176 : index
      %get3A_182 = tpu.vector_load %arg8[%get3A_181] {strides = array<i32>} : memref<256xf32, #tpu.memory_space<vmem>>, vector<16xf32>,
      %add3A_183 = arith.addf %add3A_180, %get3A_182 : vector<16xf32>
      %get3A_184 = arith.constant 192 : index
      %get3A_185 = tpu.vector_load %arg8[%get3A_184] {strides = array<i32>} : memref<256xf32, #tpu.memory_space<vmem>>, vector<16xf32>,
      %add3A_186 = arith.addf %add3A_183, %get3A_185 : vector<16xf32>
      %get3A_187 = arith.constant 208 : index
      %get3A_188 = tpu.vector_load %arg8[%get3A_187] {strides = array<i32>} : memref<256xf32, #tpu.memory_space<vmem>>, vector<16xf32>,
      %add3A_189 = arith.addf %add3A_186, %get3A_188 : vector<16xf32>
      %get3A_190 = arith.constant 224 : index
      %get3A_191 = tpu.vector_load %arg8[%get3A_190] {strides = array<i32>} : memref<256xf32, #tpu.memory_space<vmem>>, vector<16xf32>,
      %add3A_192 = arith.addf %add3A_189, %get3A_191 : vector<16xf32>
      %get3A_193 = arith.constant 240 : index
      %get3A_194 = tpu.vector_load %arg8[%get3A_193] {strides = array<i32>} : memref<256xf32, #tpu.memory_space<vmem>>, vector<16xf32>,
      %add3A_195 = arith.addf %add3A_192, %get3A_194 : vector<16xf32>
      %eq3A_196 = arith.constant 0 : i32
      %eq3A_197 = vector.broadcast %eq3A_196 : i32 to vector<16xi32>
      %eq3A_198 = arith.cmpi eq, %iota3A, %eq3A_197 : vector<16xi32>
      %jit3A_199 = arith.constant 0.000000e+00 : f32
      %broadcast_in_dim3A_200 = vector.broadcast %jit3A_199 : f32 to vector<16xf32>
      %select_n3A_201 = arith.select %eq3A_198, %add3A_195, %broadcast_in_dim3A_200 : vector<16xi1>, vector<16xf32>
      %reduce_sum3A_202 = arith.constant true
      %reduce_sum3A_203 = vector.broadcast %reduce_sum3A_202 : i1 to vector<16xi1>
      %reduce_sum3A_204 = tpu.scan <sum>, %select_n3A_201 masked %reduce_sum3A_203 : vector<16xf32>, vector<16xi1> -> vector<16xf32>
      %reduce_sum3A_205 = vector.extract %reduce_sum3A_204[15] : f32 from vector<16xf32>
      %eq3A_206 = arith.constant 1 : i32
      %eq3A_207 = vector.broadcast %eq3A_206 : i32 to vector<16xi32>
      %eq3A_208 = arith.cmpi eq, %iota3A, %eq3A_207 : vector<16xi32>
      %jit3A_209 = arith.constant 0.000000e+00 : f32
      %broadcast_in_dim3A_210 = vector.broadcast %jit3A_209 : f32 to vector<16xf32>
      %select_n3A_211 = arith.select %eq3A_208, %add3A_195, %broadcast_in_dim3A_210 : vector<16xi1>, vector<16xf32>
      %reduce_sum3A_212 = arith.constant true
      %reduce_sum3A_213 = vector.broadcast %reduce_sum3A_212 : i1 to vector<16xi1>
      %reduce_sum3A_214 = tpu.scan <sum>, %select_n3A_211 masked %reduce_sum3A_213 : vector<16xf32>, vector<16xi1> -> vector<16xf32>
      %reduce_sum3A_215 = vector.extract %reduce_sum3A_214[15] : f32 from vector<16xf32>
      %broadcast_in_dim3A_216 = arith.constant 0.000000e+00 : f32
      %broadcast_in_dim3A_217 = vector.broadcast %broadcast_in_dim3A_216 : f32 to vector<16xf32>
      %add3A_218 = vector.broadcast %reduce_sum3A_205 : f32 to vector<16xf32>
      %add3A_219 = arith.addf %broadcast_in_dim3A_217, %add3A_218 : vector<16xf32>
      %broadcast_in_dim3A_220 = arith.constant 0.000000e+00 : f32
      %broadcast_in_dim3A_221 = vector.broadcast %broadcast_in_dim3A_220 : f32 to vector<16xf32>
      %add3A_222 = vector.broadcast %reduce_sum3A_215 : f32 to vector<16xf32>
      %add3A_223 = arith.addf %broadcast_in_dim3A_221, %add3A_222 : vector<16xf32>
      %div3A = arith.divf %add3A_219, %add3A_223 : vector<16xf32>
      %swap3A_224 = arith.constant 0 : index
      %swap3A_225 = tpu.vector_load %arg9[%swap3A_224] {strides = array<i32>} : memref<16xf32, #tpu.memory_space<vmem>>, vector<16xf32>,
      tpu.vector_store %arg9[%swap3A_224], %div3A {strides = array<i32>} : memref<16xf32, #tpu.memory_space<vmem>>, vector<16xf32>,
      "tpu.region"() ({
        %run_scoped3A = tpu.sem_alloc : memref<!tpu.dma_semaphore, #tpu.memory_space<semaphore_mem>>
        tpu.enqueue_dma source(%arg9 : memref<16xf32, #tpu.memory_space<vmem>>) target(%arg3 : memref<16xf32, #tpu.memory_space<hbm>>) target_semaphore(%run_scoped3A : memref<!tpu.dma_semaphore, #tpu.memory_space<semaphore_mem>>)
        tpu.wait_dma2 semaphore(%run_scoped3A : memref<!tpu.dma_semaphore, #tpu.memory_space<semaphore_mem>>) src(%arg9 : memref<16xf32, #tpu.memory_space<vmem>>) dst(%arg3 : memref<16xf32, #tpu.memory_space<hbm>>)
        tpu.yield
      }) : () -> ()
    } else {
    }
    return
  }
}

module attributes {stable_mosaic.version = 14 : i64} {
  func.func @_loss_kernel(%arg0: i32, %arg1: i32, %arg2: memref<1x96x16x512xf32, #tpu.memory_space<vmem>>, %arg3: memref<1x16x512xi32, #tpu.memory_space<vmem>>, %arg4: memref<16x512xf32, #tpu.memory_space<vmem>>) attributes {dimension_semantics = [#tpu.dimension_semantics<arbitrary>, #tpu.dimension_semantics<arbitrary>], iteration_bounds = array<i64: 4, 32>, scalar_prefetch = 0 : i64, scratch_operands = 0 : i64, tpu.core_type = #tpu.core_type<tc>, window_params = [{transform_indices = @transform_0, window_bounds = array<i64: 1, 96, 16, 512>}, {transform_indices = @transform_1, window_bounds = array<i64: 1, 16, 512>}, {transform_indices = @transform_2, window_bounds = array<i64: 16, 512>}]} {
    %get3A = arith.constant 0 : index
    %get3A_0 = arith.constant 0 : index
    %get3A_1 = arith.constant 0 : index
    %get3A_2 = arith.constant 0 : index
    %get3A_3 = vector.load %arg2[%get3A, %get3A_0, %get3A_1, %get3A_2] : memref<1x96x16x512xf32, #tpu.memory_space<vmem>>, vector<1x96x16x512xf32>
    %get3A_4 = vector.shape_cast %get3A_3 : vector<1x96x16x512xf32> to vector<96x16x512xf32>
    %get3A_5 = arith.constant 0 : index
    %get3A_6 = arith.constant 0 : index
    %get3A_7 = arith.constant 0 : index
    %get3A_8 = vector.load %arg3[%get3A_5, %get3A_6, %get3A_7] : memref<1x16x512xi32, #tpu.memory_space<vmem>>, vector<1x16x512xi32>
    %get3A_9 = vector.shape_cast %get3A_8 : vector<1x16x512xi32> to vector<16x512xi32>
    %reduce_max3A = arith.constant dense<0xFF800000> : vector<16x512xf32>
    %reduce_max3A_10 = vector.multi_reduction <maximumf>, %get3A_4, %reduce_max3A [0] : vector<96x16x512xf32> to vector<16x512xf32>
    %broadcast_in_dim3A = vector.shape_cast %reduce_max3A_10 : vector<16x512xf32> to vector<1x16x512xf32>
    %sub3A = vector.broadcast %broadcast_in_dim3A : vector<1x16x512xf32> to vector<96x16x512xf32>
    %sub3A_11 = arith.subf %get3A_4, %sub3A : vector<96x16x512xf32>
    %exp3A = math.exp %sub3A_11 : vector<96x16x512xf32>
    %reduce_sum3A = arith.constant dense<0.000000e+00> : vector<16x512xf32>
    %reduce_sum3A_12 = vector.multi_reduction <add>, %exp3A, %reduce_sum3A [0] : vector<96x16x512xf32> to vector<16x512xf32>
    %log3A = math.log %reduce_sum3A_12 : vector<16x512xf32>
    %add3A = arith.addf %reduce_max3A_10, %log3A : vector<16x512xf32>
    %iota3A = tpu.iota {dimensions = array<i32: 0>} : vector<96x16x512xi32>
    %broadcast_in_dim3A_13 = vector.shape_cast %get3A_9 : vector<16x512xi32> to vector<1x16x512xi32>
    %eq3A = vector.broadcast %broadcast_in_dim3A_13 : vector<1x16x512xi32> to vector<96x16x512xi32>
    %eq3A_14 = arith.cmpi eq, %iota3A, %eq3A : vector<96x16x512xi32>
    %jit3A = arith.constant 0.000000e+00 : f32
    %broadcast_in_dim3A_15 = vector.broadcast %jit3A : f32 to vector<96x16x512xf32>
    %select_n3A = arith.select %eq3A_14, %get3A_4, %broadcast_in_dim3A_15 : vector<96x16x512xi1>, vector<96x16x512xf32>
    %reduce_sum3A_16 = arith.constant dense<0.000000e+00> : vector<16x512xf32>
    %reduce_sum3A_17 = vector.multi_reduction <add>, %select_n3A, %reduce_sum3A_16 [0] : vector<96x16x512xf32> to vector<16x512xf32>
    %sub3A_18 = arith.subf %add3A, %reduce_sum3A_17 : vector<16x512xf32>
    %eq3A_19 = arith.constant 0.000000e+00 : f32
    %eq3A_20 = vector.broadcast %eq3A_19 : f32 to vector<16x512xf32>
    %eq3A_21 = arith.cmpf oeq, %sub3A_18, %eq3A_20 : vector<16x512xf32>
    %jit3A_22 = arith.constant 0.000000e+00 : f32
    %broadcast_in_dim3A_23 = vector.broadcast %jit3A_22 : f32 to vector<16x512xf32>
    %select_n3A_24 = arith.select %eq3A_21, %broadcast_in_dim3A_23, %sub3A_18 : vector<16x512xi1>, vector<16x512xf32>
    %swap3A = arith.constant 0 : index
    %swap3A_25 = arith.constant 0 : index
    %swap3A_26 = vector.load %arg4[%swap3A, %swap3A_25] : memref<16x512xf32, #tpu.memory_space<vmem>>, vector<16x512xf32>
    tpu.vector_store %arg4[%swap3A, %swap3A_25], %select_n3A_24 {strides = array<i32>} : memref<16x512xf32, #tpu.memory_space<vmem>>, vector<16x512xf32>,
    return
  }
  func.func @transform_0(%arg0: i32, %arg1: i32) -> (i32, i32, i32, i32) {
    %c0_i32 = arith.constant 0 : i32
    %c0_i32_0 = arith.constant 0 : i32
    %c0_i32_1 = arith.constant 0 : i32
    return %arg0, %c0_i32, %arg1, %c0_i32_0 : i32, i32, i32, i32
  }
  func.func @transform_1(%arg0: i32, %arg1: i32) -> (i32, i32, i32) {
    %c0_i32 = arith.constant 0 : i32
    %c0_i32_0 = arith.constant 0 : i32
    return %arg0, %arg1, %c0_i32 : i32, i32, i32
  }
  func.func @transform_2(%arg0: i32, %arg1: i32) -> (i32, i32) {
    %mul3A = arith.constant 32 : i32
    %mul3A_0 = arith.muli %arg0, %mul3A : i32
    %add3A = arith.addi %mul3A_0, %arg1 : i32
    %c0_i32 = arith.constant 0 : i32
    %c0_i32_1 = arith.constant 0 : i32
    return %add3A, %c0_i32 : i32, i32
  }
}

</mosaic_0001>

<sc_bundles>
// kernel: kernel.4.cloned.1.call-start
scs
__scs_entry_jumppad:
0x0: {  	(pc) =	sbr.rel $0x88, $3  }
0x1: {  	(tag) =	ssettag $0x0;
	lr =	simm.s32 $0x1  }
0x2: {  	[smem:$0x3F9F] =	sst lr;
	_ =	strace $0xD0000000  }
0x3: {  	_ = 	snop  }
0x4: {  	_ = 	snop  }
0x5: {  	_ = 	snop  }
0x6: {  	_ = 	snop  }
0x7: {  	_ = 	snop  }
__scs_overlays_trampoline_lowered:
0x8: {  	[smem:$0x3FAE] =	sst s0  }
0x9: {  	[smem:$0x3FAF] =	sst s1  }
0xa: {  	[smem:$0x3FB0] =	sst s2  }
0xb: {  	[smem:$0x3FB1] =	sst s3  }
0xc: {  	[smem:$0x3FB2] =	sst s4  }
0xd: {  	[smem:$0x3FB3] =	sst s5  }
0xe: {  	[smem:$0x3FB4] =	sst s6  }
0xf: {  	[smem:$0x3FB5] =	sst s7  }
0x10: {  	[smem:$0x3FB6] =	sst s8  }
0x11: {  	[smem:$0x3FB7] =	sst s9;
	s0 =	simm.s32 @!p0 $0x0  }
0x12: {  	s1 =	sld [smem:$0x3F9D];
	s0 =	simm.s32 @p0 $0x1  }
0x13: {  	[smem:$0x3FB8] =	sst s0;
	s0 =	simm.s32 @!p1 $0x0  }
0x14: {  	s2 =	sld [smem:$0x3F9C];
	s0 =	simm.s32 @p1 $0x1  }
0x15: {  	[smem:$0x3FB9] =	sst s0;
	s0 =	simm.s32 @!p2 $0x0  }
0x16: {  	s3 =	sld [smem:$0x3FDB];
	s0 =	simm.s32 @p2 $0x1  }
0x17: {  	s4 =	simm.s32 $0x1BF5;
	[smem:$0x3FBB] =	sst s0  }
0x18: {  	s0 =	sld [smem:$0x3F9E];
	_ =	swait.ge [sflag:s4], $0x0  }
0x19: {  	s7 =	sld [smem:$0x3F9F]  }
0x1a: {  	s8 =	sadd.s32 $0xFFFFE003, lr  }
0x1b: {  	s9 =	sadd.s32 $0xFFFFFEF7, lr;
	s5 =	simm.s32 $0xFFFFFFFF;
	p2 =	slt.u32 s8, $0xFFFFF086  }
0x1c: {  	p1 =	slt.u32 s9, $0xF7A;
	s5 =	simm.s32 @!p2 $0x0  }
0x1d: {  	s5 =	simm.s32 @p1 $0x1;
	p0 =	seq.s32 s7, s2  }
0x1e: {  	s7 =	smul.u32 @!p0 $0xF7A, s2;
	p2 =	seq.s32 @!p0 s5, $0x0  }
0x1f: {  	s9 =	smul.u32 $0xF7A, s1;
	s8 =	simm.s32 @!p0 $0x1BF5;
	p2 =	por !p2, p0  }
0x20: {  	[sflag:s8] =	ssyncset.s32 @!p0 $0xFFFFF086;
	s6 =	sadd.s32 @!p0 s3, s7;
	s7 =	simm.s32 @!p0 $0x108  }
0x21: {  	s3 =	sadd.s32 s3, s9;
	s6 =	sadd.s32 @!p0 $0x88, s6;
	s7 =	simm.s32 @p2 $0x1082  }
0x22: {  	[simem:s7], [sflag:s8] =	dma.local @!p0 [hbm:s6], $0xF7A  }
0x23: {  	s9 =	sor.u32 $0xD0000000, s2;
	s6 =	simm.s32 $0x108;
	_ =	swait.ge @!p0 [sflag:s8], $0x0  }
0x24: {  	s3 =	sadd.s32 $0x88, s3;
	s6 =	simm.s32 @!p1 $0x1082;
	[sflag:s4] =	ssyncset.s32 $0xFFFFF086  }
0x25: {  	[simem:s6], [sflag:s4] =	dma.local [hbm:s3], $0xF7A  }
0x26: {  	[smem:$0x3F9F] =	sst s1;
	(tag) =	ssettag s2;
	_ =	strace s9  }
0x27: {  	s1 =	sld [smem:$0x3FAF]  }
0x28: {  	s2 =	sld [smem:$0x3FB0]  }
0x29: {  	s4 =	sld [smem:$0x3FB2]  }
0x2a: {  	p0 =	seq.s32 s5, $0x0;
	s5 =	sld [smem:$0x3FB3]  }
0x2b: {  	s6 =	sld [smem:$0x3FB4]  }
0x2c: {  	s7 =	sld [smem:$0x3FB5]  }
0x2d: {  	s3 =	simm.s32 $0x108;
	s8 =	sld [smem:$0x3FB6]  }
0x2e: {  	s3 =	simm.s32 @!p0 $0x1082;
	s9 =	sld [smem:$0x3FB7]  }
0x2f: {  	lr =	sadd.s32 s0, s3;
	s0 =	sld [smem:$0x3FAE]  }
0x30: {  	s3 =	sld [smem:$0x3FB1]  }
0x31: {  	[smem:$0x3FBA] =	sst s10  }
0x32: {  	s10 =	sld [smem:$0x3FB8];
	_ =	sdelay $0x3  }
0x33: {  	p0 =	seq.s32 s10, $0x1;
	s10 =	sld [smem:$0x3FBA];
	_ =	sdelay $0x3  }
0x34: {  	[smem:$0x3FBA] =	sst s10  }
0x35: {  	s10 =	sld [smem:$0x3FB9];
	_ =	sdelay $0x3  }
0x36: {  	p1 =	seq.s32 s10, $0x1;
	s10 =	sld [smem:$0x3FBA];
	_ =	sdelay $0x3  }
0x37: {  	[smem:$0x3FBA] =	sst s10  }
0x38: {  	s10 =	sld [smem:$0x3FBB]  }
0x39: {  	_ = 	snop;
	(pc) =	sbr.ind lr, $3  }
0x3a: {  	_ = 	snop  }
0x3b: {  	_ = 	snop  }
0x3c: {  	p2 =	seq.s32 s10, $0x1;
	s10 =	sld [smem:$0x3FBA]  }
0x3d: {  	_ =	shalt  }
0x3e: {  	_ =	shalt  }
0x3f: {  	_ =	shalt  }
0x40: {  	_ =	shalt  }
0x41: {  	_ =	shalt  }
0x42: {  	_ =	shalt  }
0x43: {  	_ =	shalt  }
0x44: {  	_ =	shalt  }
0x45: {  	_ =	shalt  }
0x46: {  	_ =	shalt  }
0x47: {  	_ =	shalt  }
0x48: {  	_ =	shalt  }
0x49: {  	_ =	shalt  }
0x4a: {  	_ =	shalt  }
0x4b: {  	_ =	shalt  }
0x4c: {  	_ =	shalt  }
0x4d: {  	_ =	shalt  }
0x4e: {  	_ =	shalt  }
0x4f: {  	_ =	shalt  }
0x50: {  	_ =	shalt  }
0x51: {  	_ =	shalt  }
0x52: {  	_ =	shalt  }
0x53: {  	_ =	shalt  }
0x54: {  	_ =	shalt  }
0x55: {  	_ =	shalt  }
0x56: {  	_ =	shalt  }
0x57: {  	_ =	shalt  }
0x58: {  	_ =	shalt  }
0x59: {  	_ =	shalt  }
0x5a: {  	_ =	shalt  }
0x5b: {  	_ =	shalt  }
0x5c: {  	_ =	shalt  }
0x5d: {  	_ =	shalt  }
0x5e: {  	_ =	shalt  }
0x5f: {  	_ =	shalt  }
0x60: {  	_ =	shalt  }
0x61: {  	_ =	shalt  }
0x62: {  	_ =	shalt  }
0x63: {  	_ =	shalt  }
0x64: {  	_ =	shalt  }
0x65: {  	_ =	shalt  }
0x66: {  	_ =	shalt  }
0x67: {  	_ =	shalt  }
0x68: {  	_ =	shalt  }
0x69: {  	_ =	shalt  }
0x6a: {  	_ =	shalt  }
0x6b: {  	_ =	shalt  }
0x6c: {  	_ =	shalt  }
0x6d: {  	_ =	shalt  }
0x6e: {  	_ =	shalt  }
0x6f: {  	_ =	shalt  }
0x70: {  	_ =	shalt  }
0x71: {  	_ =	shalt  }
0x72: {  	_ =	shalt  }
0x73: {  	_ =	shalt  }
0x74: {  	_ =	shalt  }
0x75: {  	_ =	shalt  }
0x76: {  	_ =	shalt  }
0x77: {  	_ =	shalt  }
0x78: {  	_ =	shalt  }
0x79: {  	_ =	shalt  }
0x7a: {  	_ =	shalt  }
0x7b: {  	_ =	shalt  }
0x7c: {  	_ =	shalt  }
0x7d: {  	_ =	shalt  }
0x7e: {  	_ =	shalt  }
0x7f: {  	_ =	shalt  }
0x80: {  	_ =	shalt  }
0x81: {  	_ =	shalt  }
0x82: {  	_ =	shalt  }
0x83: {  	_ =	shalt  }
0x84: {  	_ =	shalt  }
0x85: {  	_ =	shalt  }
0x86: {  	_ =	shalt  }
0x87: {  	_ =	shalt  }
.Lfunc_end0:
.L_simem_size_0:
called_computation_lowered:
.L_overlay_start_0:
0x88: {  	s0 =	sld [smem:$0x3FD9]  }
0x89: {  	s1 =	sld [smem:$0x3FFE];
	_ =	sdelay $0x3  }
0x8a: {  	s0 =	sadd.s32 s1, s0  }
0x8b: {  	[smem:$0x3FC6] =	sst s0  }
0x8c: {  	_ = 	snop  }
0x8d: {  	s0 =	sld [smem:$0x3FD0];
	(tm) =	ssettm $0x1  }
0x8e: {  	s16 =	sld [smem:$0x3FFB];
	_ =	sdelay $0x3  }
0x8f: {  	_ =	strace s16  }
0x90: {  	s1 =	sld [smem:$0x3FFC];
	_ =	sdelay $0x3  }
0x91: {  	_ =	strace s1  }
0x92: {  	s1 =	sld [smem:$0x3FFD];
	_ =	sdelay $0x3  }
0x93: {  	_ =	strace s1  }
0x94: {  	_ =	strace $0x8FFFFFFF  }
0x95: {  	s17 =	sld [smem:$0x3FDB];
	_ =	sdelay $0x1  }
0x96: {  	s2 =	simm.s32 $_scs_section_size  }
0x97: {  	s3 =	simm.s32 $_size__tile_overlayer_lowered;
	s4 =	simm.s32 $_tile_overlayer_lowered  }
0x98: {  	s20 =	simm.s32 $0x1BFF;
	s19 =	sshll.u32 s4, $0x1;
	s1 =	sadd.s32 s2, s17  }
0x99: {  	s5 =	simm.s32 $0x0;
	s18 =	sshll.u32 s3, $0x1;
	s3 =	sadd.s32 s19, s1  }
0x9a: {  	[timem:s5], [sflag:s20] =	dma.local [hbm:s3], s18  }
0x9b: {  	_ =	swait.ge [sflag:s20], s18  }
0x9c: {  	s2 =	ssub.s32 $0x0, s18;
	[sflag:s20] =	ssyncset.done $0x0  }
0x9d: {  	[sflag:s20] =	ssyncadd.s32 s2;
	_ =	sdelay $0x1  }
0x9e: {  	s21 =	simm.s32 $0x1B8B  }
0x9f: {  	_ =	swait.ge [sflag:s21], $0x1  }
0xa0: {  	[sflag:s21] =	ssyncset.done $0x0  }
0xa1: {  	s23 =	simm.s32 $0x1B8E;
	s22 =	sld [smem:$0x3FFE];
	[sflag:s21] =	ssyncadd.s32 $0xFFFFFFFF  }
0xa2: {  	s24 =	simm.s32 $execute0_lowered;
	[smem:$0x3FD2] =	sst s23  }
0xa3: {  	s3 =	sshll.u32 s24, $0x1;
	_ =	strace $0x80000046;
	[dreg:$0x1] =	wrdreg $0xFFFFFFFF  }
0xa4: {  	s25 =	simm.s32 $_size_execute0_lowered;
	s1 =	sadd.s32 s1, s3;
	[dreg:$0x0] =	wrdreg $0x0  }
0xa5: {  	s3 =	sshll.u32 s25, $0x1;
	[dreg:$0x2] =	wrdreg s1  }
0xa6: {  	[dreg:$0x3] =	wrdreg s3  }
0xa7: {  	[dreg:$0x4] =	wrdreg $0xC0  }
0xa8: {  	_ =	task [dreg:s5], $0x5FFFF  }
0xa9: {  	[dreg:$0x1] =	wrdreg $0xFFFFFFFF  }
0xaa: {  	[dreg:$0x0] =	wrdreg $0x60  }
0xab: {  	[dreg:$0x2] =	wrdreg s22  }
0xac: {  	[dreg:$0x3] =	wrdreg s0  }
0xad: {  	[dreg:$0x4] =	wrdreg $0x18A000  }
0xae: {  	[dreg:$0x5] =	wrdreg $0x192000  }
0xaf: {  	[dreg:$0x6] =	wrdreg $0x9  }
0xb0: {  	_ =	task.clear_ibuf [dreg:s5], $0x7FFFF;
	_ =	strace $0x90000046  }
0xb1: {  	s26 =	simm.s32 $0x9;
	_ =	strace $0x80000048  }
0xb2: {  	_ =	swait.ge [sflag:s26], $0x1  }
0xb3: {  	[sflag:s26] =	ssyncadd.s32 $0xFFFFFFFF  }
0xb4: {  	_ =	strace $0x90000048  }
0xb5: {  	_ =	sfence  }
0xb6: {  	s28 =	sld [smem:$0x0];
	_ =	sdelay $0x1  }
0xb7: {  	s29 =	srdreg.scid  }
0xb8: {  	s30 =	sshll.u32 s29, $0xD;
	s31 =	sshrl.u32 s29, $0x2  }
0xb9: {  	s2 =	sand.u32 $0x4000, s30;
	s1 =	sand.u32 $0x1, s29;
	s0 =	sadd.s32 s31, s28  }
0xba: {  	s1 =	sor.u32 s2, s1;
	s0 =	sshll.u32 s0, $0x11  }
0xbb: {  	s0 =	sor.u32 s0, s1  }
0xbc: {  	s0 =	sadd.s32 $0x8F2B, s0  }
0xbd: {  	[sflag:s0] =	ssyncadd.remote.s32 $0x1  }
0xbe: {  	_ =	sfence.sel $0xFFFF  }
0xbf: {  	[dreg:$0x0] =	wrdreg $0xFFFFFFFF;
	(pc) =	sbr.abs _section_cstart, $3  }
0xc0: {  	[dreg:$0x1] =	wrdreg $0xFFFFFFFF  }
0xc1: {  	_ =	task.clear_ibuf [dreg:s5], $0x2FFFF;
	_ =	strace $0x9FFFFFFF  }
0xc2: {  	(tm) =	ssettm $0x7FFFFFFF  }
0xc3: {  	_ =	shalt  }
tec
execute0_lowered:
.L_overlay_start_1:
0x0: {  	(tag) =	ssettag $0x1  }
0x1: {  	s7 =	rddreg [dreg:$0x0]  }
0x2: {  	s3 =	rddreg [dreg:$0x1]  }
0x3: {  	s4 =	rddreg [dreg:$0x2]  }
0x4: {  	s31 =	rddreg [dreg:$0x3];
	s2 =	stileid.u32  }
0x5: {  	s0 =	rddreg [dreg:$0x4];
	s6 =	simm.s32 $0x0;
	s5 =	sshll.u32 s2, $0xD  }
0x6: {  	[smem:$0x7FF] =	sst s6;
	s7 =	sadd.s32 s5, s7  }
0x7: {  	s30 =	simm.s32 $0x1;
	_ =	strace $0x80000047;
	s7 =	sadd.s32 $0x600, s7  }
0x8: {  	[tilespmem:s6], [sflag:$0x1] =	stream.linear.gather [hbm4b:s7+s6], $0x10000, $0x38;
	[tilespmem:$0x19210] =	vst v63  }
0x9: {  	_ =	swait.ge [sflag:s30], $0x10000  }
0xa: {  	[sflag:s30] =	ssyncset.done $0x0  }
0xb: {  	s8 =	simm.s32 $0x10000;
	v0 =	vimm.s32 $0x0;
	[sflag:s30] =	ssyncadd.s32 $0xFFFF0000  }
0xc: {  	s9 =	simm.s32 $0x10;
	s7 =	sand.u32 $0x7F0, s6;
	[tilespmem:s8+$0x0] =	vst v0  }
.LBB2_1:
0xd: {  	p0 =	sne.s32 s9, $0x7F0;
	[tilespmem:s7+$0x10800] =	vst v0  }
0xe: {  	[tilespmem:s7+$0x11000] =	vst v0  }
0xf: {  	[tilespmem:s7+$0x11800] =	vst v0  }
0x10: {  	[tilespmem:s7+$0x12000] =	vst v0  }
0x11: {  	[tilespmem:s7+$0x12800] =	vst v0  }
0x12: {  	[tilespmem:s7+$0x13000] =	vst v0  }
0x13: {  	[tilespmem:s7+$0x13800] =	vst v0  }
0x14: {  	[tilespmem:s7+$0x14000] =	vst v0  }
0x15: {  	[tilespmem:s7+$0x14800] =	vst v0  }
0x16: {  	[tilespmem:s7+$0x15000] =	vst v0  }
0x17: {  	[tilespmem:s7+$0x15800] =	vst v0  }
.Ltmp0:
0x18: {  	[tilespmem:s7+$0x16000] =	vst v0;
	(pc) =	sbr.rel @p0 .LBB2_1-.Ltmp0, $4  }
0x19: {  	[tilespmem:s7+$0x16800] =	vst v0  }
0x1a: {  	[tilespmem:s7+$0x17000] =	vst v0  }
0x1b: {  	s8 =	sadd.s32 $0x10, s8;
	[tilespmem:s7+$0x17800] =	vst v0  }
0x1c: {  	s7 =	sand.u32 $0x7F0, s9;
	s9 =	sadd.s32 $0x10, s9;
	[tilespmem:s8+$0x0] =	vst v0  }
0x1d: {  	[tilespmem:s7+$0x10800] =	vst v0  }
0x1e: {  	[tilespmem:s7+$0x11000] =	vst v0  }
0x1f: {  	[tilespmem:s7+$0x11800] =	vst v0  }
0x20: {  	[tilespmem:s7+$0x12000] =	vst v0  }
0x21: {  	[tilespmem:s7+$0x12800] =	vst v0  }
0x22: {  	[tilespmem:s7+$0x13000] =	vst v0  }
0x23: {  	[tilespmem:s7+$0x13800] =	vst v0  }
0x24: {  	[tilespmem:s7+$0x14000] =	vst v0  }
0x25: {  	[tilespmem:s7+$0x14800] =	vst v0  }
0x26: {  	[tilespmem:s7+$0x15000] =	vst v0  }
0x27: {  	[tilespmem:s7+$0x15800] =	vst v0  }
0x28: {  	[tilespmem:s7+$0x16000] =	vst v0  }
0x29: {  	[tilespmem:s7+$0x16800] =	vst v0  }
0x2a: {  	[tilespmem:s7+$0x17000] =	vst v0;
	v1 =	vlaneseq.u32  }
0x2b: {  	[tilespmem:s7+$0x17800] =	vst v0;
	v0 =	vmul.u32 $0x800, v1;
	v1 =	vimm.s32 $0x1  }
.LBB2_3:
0x2c: {  	s7 =	sshra.s32 s6, $0x2  }
0x2d: {  	v2 =	vld [tilespmem:s7+$0x0];
	_ =	sdelay $0x4  }
0x2e: {  	v2 =	vshrl.u32 v2, $0x14  }
0x2f: {  	v2 =	vand.u32 $0x7FF, v2  }
0x30: {  	p0 =	sne.s32 s6, $0x3FFC0;
	v2 =	vor.u32 v0, v2  }
.Ltmp1:
0x31: {  	_ = 	snop;
	(pc) =	sbr.rel @p0 .LBB2_3-.Ltmp1, $3  }
0x32: {  	_ =	sdelay $0x1  }
0x33: {  	s7 =	simm.s32 $0x10000  }
0x34: {  	s6 =	sadd.s32 $0x40, s6;
	[tilespmem:v2+s7+$0x0] =	vst.idx.add.s32.msk $0xffff, v1  }
0x35: {  	s6 =	simm.s32 $0x0  }
0x36: {  	v1 =	vld [tilespmem:s7+$0x0];
	s6 =	sand.u32 $0x7F0, s6  }
0x37: {  	v0 =	vld [tilespmem:s6+$0x10800]  }
0x38: {  	v2 =	vld [tilespmem:s6+$0x11000]  }
0x39: {  	v3 =	vld [tilespmem:s6+$0x11800]  }
0x3a: {  	v4 =	vld [tilespmem:s6+$0x12000]  }
0x3b: {  	v5 =	vld [tilespmem:s6+$0x12800]  }
0x3c: {  	v0 =	vadd.s32 v1, v0;
	v1 =	vld [tilespmem:s6+$0x13000]  }
0x3d: {  	v0 =	vadd.s32 v2, v0;
	v2 =	vld [tilespmem:s6+$0x13800]  }
0x3e: {  	v0 =	vadd.s32 v3, v0;
	v3 =	vld [tilespmem:s6+$0x14000]  }
0x3f: {  	v60 =	vld [tilespmem:s6+$0x14800];
	v0 =	vadd.s32 v4, v0  }
0x40: {  	v61 =	vld [tilespmem:s6+$0x15000];
	v0 =	vadd.s32 v5, v0  }
0x41: {  	v0 =	vadd.s32 v1, v0;
	v1 =	vld [tilespmem:s6+$0x15800]  }
0x42: {  	v0 =	vadd.s32 v2, v0;
	v2 =	vld [tilespmem:s6+$0x16000]  }
0x43: {  	v0 =	vadd.s32 v3, v0;
	v3 =	vld [tilespmem:s6+$0x16800]  }
0x44: {  	v62 =	vld [tilespmem:s6+$0x17000];
	v0 =	vadd.s32 v60, v0  }
0x45: {  	v63 =	vld [tilespmem:s6+$0x17800];
	v0 =	vadd.s32 v61, v0  }
0x46: {  	v0 =	vadd.s32 v1, v0  }
0x47: {  	v0 =	vadd.s32 v2, v0  }
0x48: {  	v0 =	vadd.s32 v3, v0  }
0x49: {  	v0 =	vadd.s32 v62, v0  }
0x4a: {  	s30 =	simm.s32 $0x10;
	s6 =	simm.s32 $0x18000;
	v0 =	vadd.s32 v63, v0  }
0x4b: {  	s7 =	sand.u32 $0x7F0, s30;
	[tilespmem:s6+$0x0] =	vst v0  }
0x4c: {  	s9 =	simm.s32 $0x20;
	s8 =	simm.s32 $0x10010;
	v0 =	vld [tilespmem:s7+$0x10800]  }
.LBB2_5:
0x4d: {  	p0 =	sne.s32 s9, $0x7F0;
	v1 =	vld [tilespmem:s8+$0x0]  }
0x4e: {  	v2 =	vld [tilespmem:s7+$0x11000]  }
0x4f: {  	v3 =	vld [tilespmem:s7+$0x11800]  }
0x50: {  	v4 =	vld [tilespmem:s7+$0x12000]  }
0x51: {  	v5 =	vld [tilespmem:s7+$0x12800]  }
0x52: {  	v0 =	vadd.s32 v1, v0;
	v1 =	vld [tilespmem:s7+$0x13000]  }
0x53: {  	v0 =	vadd.s32 v2, v0;
	v2 =	vld [tilespmem:s7+$0x13800]  }
0x54: {  	v0 =	vadd.s32 v3, v0;
	v3 =	vld [tilespmem:s7+$0x14000]  }
0x55: {  	v0 =	vadd.s32 v4, v0;
	v4 =	vld [tilespmem:s7+$0x14800]  }
0x56: {  	v0 =	vadd.s32 v5, v0;
	v5 =	vld [tilespmem:s7+$0x15000]  }
0x57: {  	v0 =	vadd.s32 v1, v0;
	v1 =	vld [tilespmem:s7+$0x15800]  }
0x58: {  	v0 =	vadd.s32 v2, v0;
	v2 =	vld [tilespmem:s7+$0x16000]  }
0x59: {  	v0 =	vadd.s32 v3, v0;
	v3 =	vld [tilespmem:s7+$0x16800]  }
0x5a: {  	v0 =	vadd.s32 v4, v0;
	v4 =	vld [tilespmem:s7+$0x17000]  }
0x5b: {  	v0 =	vadd.s32 v5, v0;
	v5 =	vld [tilespmem:s7+$0x17800]  }
0x5c: {  	v0 =	vadd.s32 v1, v0  }
0x5d: {  	v0 =	vadd.s32 v2, v0  }
.Ltmp2:
0x5e: {  	v0 =	vadd.s32 v3, v0;
	(pc) =	sbr.rel @p0 .LBB2_5-.Ltmp2, $4  }
0x5f: {  	v0 =	vadd.s32 v4, v0  }
0x60: {  	s6 =	sadd.s32 $0x10, s6;
	v0 =	vadd.s32 v5, v0  }
0x61: {  	s7 =	sand.u32 $0x7F0, s9;
	[tilespmem:s6+$0x0] =	vst v0  }
0x62: {  	s8 =	sadd.s32 $0x10, s8;
	s9 =	sadd.s32 $0x10, s9;
	v0 =	vld [tilespmem:s7+$0x10800]  }
0x63: {  	v1 =	vld [tilespmem:s8+$0x0]  }
0x64: {  	v2 =	vld [tilespmem:s7+$0x11000]  }
0x65: {  	v3 =	vld [tilespmem:s7+$0x11800]  }
0x66: {  	v4 =	vld [tilespmem:s7+$0x12000]  }
0x67: {  	v5 =	vld [tilespmem:s7+$0x12800]  }
0x68: {  	v0 =	vadd.s32 v1, v0;
	v1 =	vld [tilespmem:s7+$0x13000]  }
0x69: {  	v0 =	vadd.s32 v2, v0;
	v2 =	vld [tilespmem:s7+$0x13800]  }
0x6a: {  	v0 =	vadd.s32 v3, v0;
	v3 =	vld [tilespmem:s7+$0x14000]  }
0x6b: {  	v60 =	vld [tilespmem:s7+$0x14800];
	v0 =	vadd.s32 v4, v0  }
0x6c: {  	v61 =	vld [tilespmem:s7+$0x15000];
	v0 =	vadd.s32 v5, v0  }
0x6d: {  	v0 =	vadd.s32 v1, v0;
	v1 =	vld [tilespmem:s7+$0x15800]  }
0x6e: {  	v0 =	vadd.s32 v2, v0;
	v2 =	vld [tilespmem:s7+$0x16000]  }
0x6f: {  	v0 =	vadd.s32 v3, v0;
	v3 =	vld [tilespmem:s7+$0x16800]  }
0x70: {  	v62 =	vld [tilespmem:s7+$0x17000];
	v0 =	vadd.s32 v60, v0  }
0x71: {  	v63 =	vld [tilespmem:s7+$0x17800];
	v0 =	vadd.s32 v61, v0  }
0x72: {  	v0 =	vadd.s32 v1, v0  }
0x73: {  	v0 =	vadd.s32 v2, v0  }
0x74: {  	v0 =	vadd.s32 v3, v0  }
0x75: {  	v0 =	vadd.s32 v62, v0  }
0x76: {  	s6 =	sadd.s32 $0x10, s6;
	s5 =	sshrl.u32 s5, $0x2;
	v0 =	vadd.s32 v63, v0  }
0x77: {  	s29 =	simm.s32 $0x18000;
	s30 =	simm.s32 $0x1;
	s5 =	sadd.s32 s5, s4;
	[tilespmem:s6+$0x0] =	vst v0  }
0x78: {  	[spmem:s5] =	stream.linear.scatter [tilespmem:s29], [sflag:$0x1], $0x800, $0x38;
	[tilespmem:$0x19210] =	vst v63  }
0x79: {  	_ =	swait.ge [sflag:s30], $0x800  }
0x7a: {  	[sflag:s30] =	ssyncset.done $0x0  }
0x7b: {  	[sflag:s30] =	ssyncadd.s32 $0xFFFFF800  }
0x7c: {  	s7 =	simm.s32 $0x10000;
	[bflag:$0x0] =	sbarrier.arrive $0xFFFF  }
0x7d: {  	[tilespmem:s7], [sflag:$0x1] =	stream.linear.gather [spmem:s4], $0x8000, $0x38;
	[tilespmem:$0x19210] =	vst v63  }
0x7e: {  	p0 =	por $0x0, $0x0;
	_ =	swait.ge [sflag:s30], $0x8000  }
.Ltmp3:
0x7f: {  	[sflag:s30] =	ssyncset.done $0x0;
	(pc) =	sbr.rel @p0 .LBB2_7-.Ltmp3, $4  }
0x80: {  	v1 =	vlaneseq.u32;
	[sflag:s30] =	ssyncadd.s32 $0xFFFF8000  }
0x81: {  	s11 =	simm.s32 $0x0;
	v0 =	vmul.u32 $0xFFFFFFFF, v1;
	[bflag:$0x0] =	sbarrier.arrive $0xFFFF  }
0x82: {  	p4 =	por $0x0, $0x0;
	s8 =	simm.s32 $0x0;
	v12 =	vld [tilespmem:s11+$0x107F0]  }
0x83: {  	s9 =	simm.s32 $0x7EF;
	p1 =	por $0x0, $0x0;
	p2 =	por $0x0, $0x0;
	v2 =	vadd.s32 $0xF, v0;
	v0 =	vimm.s32 $0x0;
	v15 =	vld [tilespmem:s11+$0x10FF0]  }
0x84: {  	v3 =	vld [tilespmem:s11+$0x117F0]  }
0x85: {  	v4 =	vld [tilespmem:s11+$0x11FF0]  }
0x86: {  	v5 =	vld [tilespmem:s11+$0x127F0]  }
0x87: {  	v6 =	vld [tilespmem:s11+$0x12FF0]  }
0x88: {  	v8 =	vld [tilespmem:s11+$0x137F0];
	v7 =	vadd.s32 v12, v15  }
0x89: {  	v59 =	vld [tilespmem:s11+$0x13FF0];
	v3 =	vadd.s32 v3, v7  }
0x8a: {  	v60 =	vld [tilespmem:s11+$0x147F0];
	v3 =	vadd.s32 v4, v3  }
0x8b: {  	v61 =	vld [tilespmem:s11+$0x14FF0];
	v3 =	vadd.s32 v5, v3  }
0x8c: {  	v62 =	vld [tilespmem:s11+$0x157F0];
	v3 =	vadd.s32 v6, v3  }
0x8d: {  	v3 =	vadd.s32 v8, v3;
	v8 =	vld [tilespmem:s11+$0x15FF0]  }
0x8e: {  	v63 =	vld [tilespmem:s11+$0x167F0];
	p0 =	por $0x0, $0x0;
	v3 =	vadd.s32 v59, v3  }
.Ltmp4:
0x8f: {  	v11 =	vld [tilespmem:s11+$0x16FF0];
	v3 =	vadd.s32 v60, v3;
	(pc) =	sbr.rel @p0 .LBB2_9-.Ltmp4, $4  }
0x90: {  	v13 =	vld [tilespmem:s11+$0x177F0];
	v3 =	vadd.s32 v61, v3  }
0x91: {  	s6 =	simm.s32 $0xFFFFFFF0;
	v14 =	vld [tilespmem:s11+$0x17FF0];
	v3 =	vadd.s32 v62, v3  }
0x92: {  	v12 =	vld [tilespmem:s6+$0x107F0];
	v3 =	vadd.s32 v8, v3  }
0x93: {  	p1 =	por $0x1, $0x1;
	v15 =	vld [tilespmem:s6+$0x10FF0];
	v18 =	vadd.s32 v63, v3  }
0x94: {  	v3 =	vld [tilespmem:s6+$0x117F0];
	v4 =	vadd.s32 v11, v18  }
0x95: {  	v6 =	vld [tilespmem:s6+$0x11FF0];
	v4 =	vadd.s32 v13, v4  }
0x96: {  	v7 =	vld [tilespmem:s6+$0x127F0];
	v5 =	vadd.s32 v14, v4  }
0x97: {  	v4 =	vld [tilespmem:s6+$0x12FF0];
	v8 =	vperm.xlane v5, v2  }
0x98: {  	v10 =	vld [tilespmem:s6+$0x137F0];
	v9 =	vadd.s32 v12, v15  }
0x99: {  	v3 =	vadd.s32 v3, v9;
	v9 =	vld [tilespmem:s6+$0x13FF0];
	(xrf0) =	vadd.scan.msk.s32 $0xffff, v8  }
0x9a: {  	v3 =	vadd.s32 v6, v3;
	v6 =	vld [tilespmem:s6+$0x147F0]  }
0x9b: {  	v3 =	vadd.s32 v7, v3;
	v7 =	vld [tilespmem:s6+$0x14FF0]  }
0x9c: {  	(xrf0) =	vadd.scan.msk.s32 $0xffff, v5;
	v3 =	vadd.s32 v4, v3;
	v4 =	vld [tilespmem:s6+$0x157F0]  }
0x9d: {  	v8 =	vld [tilespmem:s6+$0x15FF0];
	v3 =	vadd.s32 v10, v3  }
0x9e: {  	p0 =	por $0x0, $0x0;
	v10 =	vld [tilespmem:s6+$0x167F0];
	v3 =	vadd.s32 v9, v3  }
.Ltmp5:
0x9f: {  	v11 =	vld [tilespmem:s6+$0x16FF0];
	v3 =	vadd.s32 v6, v3;
	v6, _, _ =	vpop (xrf0);
	(pc) =	sbr.rel @p0 .LBB2_11-.Ltmp5, $4  }
0xa0: {  	v13 =	vld [tilespmem:s6+$0x177F0];
	v3 =	vadd.s32 v7, v3;
	v6 =	vperm.xlane v6, v2  }
0xa1: {  	s11 =	simm.s32 $0xFFFFFFE0;
	v14 =	vld [tilespmem:s6+$0x17FF0];
	v3 =	vadd.s32 v4, v3  }
0xa2: {  	v12 =	vld [tilespmem:s11+$0x107F0];
	v4, _, _ =	vpop (xrf0);
	v3 =	vadd.s32 v8, v3;
	v9 =	vadd.s32 s8, v6  }
0xa3: {  	p2 =	por $0x1, $0x1;
	v15 =	vld [tilespmem:s11+$0x10FF0];
	(v2sf) =	vpush v4, $0xF;
	v18 =	vadd.s32 v10, v3;
	vm1 =	vgt.s32 v9, $0x25A3A  }
0xa4: {  	_ =	sdelay $0x1  }
0xa5: {  	v4 =	vld [tilespmem:s11+$0x117F0];
	v3 =	vadd.s32 v11, v18  }
0xa6: {  	v6 =	vld [tilespmem:s11+$0x11FF0];
	v3 =	vadd.s32 v13, v3  }
0xa7: {  	v7 =	vld [tilespmem:s11+$0x127F0];
	v3 =	vadd.s32 v14, v3  }
0xa8: {  	v8 =	vsel vm1, $0x1, v0;
	v10 =	vld [tilespmem:s11+$0x12FF0];
	v11 =	vperm.xlane v3, v2  }
0xa9: {  	(xrf0) =	vadd.scan.msk.s32 $0xffff, v8;
	v8 =	vadd.s32 v12, v15;
	v12 =	vld [tilespmem:s11+$0x137F0]  }
0xaa: {  	v4 =	vadd.s32 v4, v8;
	v8 =	vld [tilespmem:s11+$0x13FF0];
	(xrf0) =	vadd.scan.msk.s32 $0xffff, v11  }
0xab: {  	v4 =	vadd.s32 v6, v4;
	v6 =	vld [tilespmem:s11+$0x147F0]  }
0xac: {  	v4 =	vadd.s32 v7, v4;
	v7 =	vld [tilespmem:s11+$0x14FF0]  }
0xad: {  	(xrf0) =	vadd.scan.msk.s32 $0xffff, v3;
	v4 =	vadd.s32 v10, v4;
	v10 =	vld [tilespmem:s11+$0x157F0]  }
0xae: {  	v4 =	vadd.s32 v12, v4;
	v12 =	vld [tilespmem:s11+$0x15FF0]  }
0xaf: {  	p0 =	por $0x0, $0x0;
	v15, _, _ =	vpop (xrf0);
	v4 =	vadd.s32 v8, v4;
	v8 =	vld [tilespmem:s11+$0x167F0]  }
.Ltmp6:
0xb0: {  	v13 =	vld [tilespmem:s11+$0x177F0];
	v4 =	vadd.s32 v6, v4;
	v6, _, _ =	vpop (xrf0);
	(pc) =	sbr.rel @p0 .LBB2_13-.Ltmp6, $4  }
0xb1: {  	v14 =	vld [tilespmem:s11+$0x17FF0];
	v4 =	vadd.s32 v7, v4;
	v6 =	vperm.xlane v6, v2;
	s6 =	spop (v2sf)  }
0xb2: {  	s10 =	simm.s32 $0xFFFFFFD0;
	v11 =	vld [tilespmem:s11+$0x16FF0];
	v4 =	vadd.s32 v10, v4;
	s12 =	sadd.s32 $0x0, s6  }
0xb3: {  	(v2sf) =	vpush v15, $0xF;
	v15 =	vld [tilespmem:s10+$0x10FF0];
	v7, _, _ =	vpop (xrf0);
	v10 =	vadd.s32 v12, v4;
	v4 =	vadd.s32 s12, v6  }
0xb4: {  	v12 =	vld [tilespmem:s10+$0x107F0];
	(v2sf) =	vpush v7, $0xF;
	v18 =	vadd.s32 v8, v10;
	vm1 =	vgt.s32 v4, $0x25A3A  }
0xb5: {  	_ =	sdelay $0x2  }
0xb6: {  	v7 =	vld [tilespmem:s10+$0x117F0]  }
0xb7: {  	v8 =	vld [tilespmem:s10+$0x11FF0];
	v6 =	vadd.s32 v11, v18  }
0xb8: {  	v10 =	vld [tilespmem:s10+$0x127F0];
	v6 =	vadd.s32 v13, v6  }
0xb9: {  	v11 =	vsel vm1, $0x1, v0;
	v13 =	vld [tilespmem:s10+$0x12FF0];
	v6 =	vadd.s32 v14, v6  }
0xba: {  	(xrf0) =	vadd.scan.msk.s32 $0xffff, v11;
	v11 =	vadd.s32 v12, v15;
	v12 =	vld [tilespmem:s10+$0x137F0];
	v14 =	vperm.xlane v6, v2  }
0xbb: {  	v7 =	vadd.s32 v7, v11;
	v11 =	vld [tilespmem:s10+$0x13FF0]  }
0xbc: {  	v7 =	vadd.s32 v8, v7;
	v8 =	vld [tilespmem:s10+$0x147F0];
	(xrf0) =	vadd.scan.msk.s32 $0xffff, v14  }
0xbd: {  	v7 =	vadd.s32 v10, v7;
	v10 =	vld [tilespmem:s10+$0x14FF0]  }
0xbe: {  	v14 =	vld [tilespmem:s10+$0x157F0];
	v7 =	vadd.s32 v13, v7  }
0xbf: {  	(xrf0) =	vadd.scan.msk.s32 $0xffff, v6;
	v7 =	vadd.s32 v12, v7  }
0xc0: {  	v15 =	vld [tilespmem:s10+$0x15FF0];
	v7 =	vadd.s32 v11, v7;
	s13 =	spop (v2sf)  }
0xc1: {  	v16 =	vld [tilespmem:s10+$0x167F0];
	p0 =	por $0x0, $0x0;
	v12, _, _ =	vpop (xrf0);
	v7 =	vadd.s32 v8, v7;
	s6 =	sadd.s32 $0xFFFFFFFF, s13  }
.Ltmp7:
0xc2: {  	v11 =	vld [tilespmem:s10+$0x16FF0];
	v7 =	vadd.s32 v10, v7;
	v8, _, _ =	vpop (xrf0);
	v13 =	vmov s6;
	(pc) =	sbr.rel @p0 .LBB2_15-.Ltmp7, $4  }
0xc3: {  	s11 =	simm.s32 $0xFFFFFFC0;
	v7 =	vadd.s32 v14, v7;
	v14 =	vld [tilespmem:s10+$0x17FF0];
	v8 =	vperm.xlane v8, v2;
	s14 =	spop (v2sf);
	vm0 =	veq.s32 v13, v1  }
0xc4: {  	(v2sf) =	vpush v12, $0xF;
	v12 =	vld [tilespmem:s11+$0x107F0];
	s12 =	sadd.s32 s12, s14;
	v9 =	vnsel vm0, $0x0, v9  }
0xc5: {  	v10, _, _ =	vpop (xrf0);
	v7 =	vadd.s32 v15, v7;
	v15 =	vld [tilespmem:s11+$0x10FF0];
	v8 =	vadd.s32 s12, v8;
	v5 =	vnsel vm0, $0x0, v5;
	(xrf0) =	vadd.scan.msk.s32 $0xffff, v9  }
0xc6: {  	(v2sf) =	vpush v10, $0xF;
	v18 =	vadd.s32 v16, v7;
	v13 =	vld [tilespmem:s10+$0x177F0];
	s10 =	sadd.s32 $0x7EF, s13;
	vm1 =	vgt.s32 v8, $0x25A3A;
	(xrf0) =	vadd.scan.msk.s32 $0xffff, v5  }
0xc7: {  	_ =	sdelay $0x2  }
0xc8: {  	v5 =	vld [tilespmem:s11+$0x117F0];
	v7 =	vadd.s32 v11, v18  }
0xc9: {  	v9 =	vld [tilespmem:s11+$0x11FF0];
	v7 =	vadd.s32 v13, v7  }
0xca: {  	v10 =	vld [tilespmem:s11+$0x127F0];
	v7 =	vadd.s32 v14, v7  }
0xcb: {  	v11 =	vsel vm1, $0x1, v0;
	v13 =	vld [tilespmem:s11+$0x12FF0];
	v14 =	vperm.xlane v7, v2  }
0xcc: {  	(xrf0) =	vadd.scan.msk.s32 $0xffff, v11;
	v11 =	vadd.s32 v12, v15;
	v12 =	vld [tilespmem:s11+$0x137F0]  }
0xcd: {  	v5 =	vadd.s32 v5, v11;
	v11 =	vld [tilespmem:s11+$0x13FF0];
	(xrf0) =	vadd.scan.msk.s32 $0xffff, v14  }
0xce: {  	v5 =	vadd.s32 v9, v5;
	v9 =	vld [tilespmem:s11+$0x147F0]  }
0xcf: {  	v5 =	vadd.s32 v10, v5;
	v10 =	vld [tilespmem:s11+$0x14FF0]  }
0xd0: {  	p0 =	por $0x1, $0x1;
	v15 =	vld [tilespmem:s11+$0x157F0];
	v5 =	vadd.s32 v13, v5;
	v14, _, _ =	vpop (xrf0);
	(xrf0) =	vadd.scan.msk.s32 $0xffff, v7  }
0xd1: {  	v16 =	vld [tilespmem:s11+$0x15FF0];
	s1 =	simm.s32 @!p0 $0x0;
	v5 =	vadd.s32 v12, v5;
	v13, _, _ =	vpop (xrf0);
	s14 =	spop (v2sf)  }
0xd2: {  	v17 =	vld [tilespmem:s11+$0x167F0];
	s1 =	simm.s32 @p0 $0x1;
	p0 =	por $0x0, $0x0;
	(v2sf) =	vpush v14, $0xF;
	v5 =	vadd.s32 v11, v5;
	v12, _, _ =	vpop (xrf0);
	s13 =	sadd.s32 $0xFFFFFFFF, s14  }
.Ltmp8:
0xd3: {  	v11 =	vld [tilespmem:s11+$0x16FF0];
	(v2sf) =	vpush v13, $0xF;
	v5 =	vadd.s32 v9, v5;
	v13 =	vmov s13;
	v9, _, _ =	vpop (xrf0);
	(pc) =	sbr.rel @p0 .LBB2_17-.Ltmp8, $4  }
0xd4: {  	s19 =	simm.s32 $0xFFFFFFB0;
	v14 =	vld [tilespmem:s11+$0x17FF0];
	v5 =	vadd.s32 v10, v5;
	s15 =	spop (v2sf);
	vm0 =	veq.s32 v13, v1;
	v9 =	vperm.xlane v9, v2  }
0xd5: {  	(v2sf) =	vpush v12, $0xF;
	v12 =	vld [tilespmem:s19+$0x107F0];
	v5 =	vadd.s32 v15, v5;
	s12 =	sadd.s32 s12, s15;
	v10 =	vnsel vm0, $0x0, v4  }
0xd6: {  	v13 =	vld [tilespmem:s11+$0x177F0];
	v5 =	vadd.s32 v16, v5;
	v15, _, _ =	vpop (xrf0);
	v18 =	vnsel vm0, $0x0, v3;
	(xrf0) =	vadd.scan.msk.s32 $0xffff, v10;
	v10 =	vadd.s32 s12, v9  }
0xd7: {  	s16 =	simm.s32 $0x7DF;
	[smem:$0x7FC] =	sst s1;
	s14 =	sadd.s32 $0x7DF, s14;
	(v2sf) =	vpush v15, $0xF;
	v15 =	vld [tilespmem:s19+$0x10FF0];
	(xrf0) =	vadd.scan.msk.s32 $0xffff, v18;
	v18 =	vadd.s32 v17, v5;
	vm0 =	vgt.s32 v10, $0x25A3A  }
0xd8: {  	_ =	sdelay $0x1  }
0xd9: {  	v5 =	vadd.s32 v11, v18  }
0xda: {  	v5 =	vadd.s32 v13, v5  }
0xdb: {  	v9 =	vld [tilespmem:s19+$0x117F0];
	v5 =	vadd.s32 v14, v5  }
0xdc: {  	v11 =	vld [tilespmem:s19+$0x11FF0];
	v17 =	vperm.xlane v5, v2  }
0xdd: {  	v13 =	vld [tilespmem:s19+$0x127F0];
	v14 =	vsel vm0, $0x1, v0  }
0xde: {  	v16 =	vld [tilespmem:s19+$0x12FF0];
	(xrf0) =	vadd.scan.msk.s32 $0xffff, v14  }
0xdf: {  	v12 =	vadd.s32 v12, v15;
	v15, _, _ =	vpop (xrf0);
	v14 =	vld [tilespmem:s19+$0x137F0]  }
0xe0: {  	v9 =	vadd.s32 v9, v12;
	(xrf0) =	vadd.scan.msk.s32 $0xffff, v17;
	s11 =	spop (v2sf);
	v17, _, _ =	vpop (xrf0);
	(v2sf) =	vpush v15, $0xF  }
0xe1: {  	v12 =	vld [tilespmem:s19+$0x13FF0];
	v9 =	vadd.s32 v11, v9;
	s16 =	spop (v2sf);
	(v2sf) =	vpush v17, $0xF  }
0xe2: {  	v11 =	vld [tilespmem:s19+$0x147F0];
	v9 =	vadd.s32 v13, v9  }
0xe3: {  	v13 =	vld [tilespmem:s19+$0x14FF0];
	(xrf0) =	vadd.scan.msk.s32 $0xffff, v5;
	v9 =	vadd.s32 v16, v9  }
0xe4: {  	p0 =	por $0x1, $0x1;
	v16 =	vld [tilespmem:s19+$0x157F0];
	v9 =	vadd.s32 v14, v9;
	v14, _, _ =	vpop (xrf0);
	s20 =	spop (v2sf)  }
0xe5: {  	s1 =	simm.s32 @!p0 $0x0;
	(v2sf) =	vpush v14, $0xF;
	s17 =	sadd.s32 $0xFFFFFFFF, s20  }
0xe6: {  	p5 =	por !p4, !p4;
	v18 =	vld [tilespmem:s19+$0x15FF0];
	s1 =	simm.s32 @p0 $0x1;
	p0 =	sgt.s32 s6, $0xFFFFFFFF;
	v9 =	vadd.s32 v12, v9;
	v12 =	vmov s17  }
0xe7: {  	v19 =	vld [tilespmem:s19+$0x167F0];
	p6 =	por !p0, !p5;
	p5 =	por $0x0, $0x0;
	v9 =	vadd.s32 v11, v9;
	vm1 =	veq.s32 v12, v1  }
.Ltmp9:
0xe8: {  	s15 =	simm.s32 $0x0;
	s18 =	simm.s32 $0x0;
	v11 =	vld [tilespmem:s19+$0x16FF0];
	v15, _, _ =	vpop (xrf0);
	v9 =	vadd.s32 v13, v9;
	v12 =	vnsel vm1, $0x0, v8;
	(pc) =	sbr.rel @p5 .LBB2_55-.Ltmp9, $4  }
0xe9: {  	s22 =	simm.s32 $0xFFFFFE40;
	p6 =	por !p6, !p6;
	v13 =	vld [tilespmem:s19+$0x177F0];
	v15 =	vperm.xlane v15, v2;
	s21 =	spop (v2sf);
	v9 =	vadd.s32 v16, v9;
	v16, _, _ =	vpop (xrf0);
	v17 =	vnsel vm1, $0x0, v6;
	(xrf0) =	vadd.scan.msk.s32 $0xffff, v12  }
0xea: {  	s16 =	ssub.s32 s11, s16;
	s11 =	simm.s32 $0xFFFFFFA0;
	v14 =	vld [tilespmem:s19+$0x17FF0];
	s12 =	sadd.s32 s12, s21;
	(v2sf) =	vpush v16, $0xF;
	(xrf0) =	vadd.scan.msk.s32 $0xffff, v17  }
0xeb: {  	[smem:$0x7FB] =	sst s1;
	s15 =	smov.u32 @p6 s10;
	s18 =	smov.u32 @p6 s16;
	v18 =	vadd.s32 v18, v9;
	v9 =	vadd.s32 s12, v15;
	v15 =	vld [tilespmem:s11+$0x10FF0]  }
0xec: {  	s16 =	simm.s32 $0x7CF;
	p6 =	por $0x0, $0x0;
	s21 =	sadd.s32 $0x7CF, s20;
	v18 =	vadd.s32 v19, v18;
	v12 =	vld [tilespmem:s11+$0x107F0];
	vm1 =	vgt.s32 v9, $0x25A3A  }
0xed: {  	s20 =	smov.u32 s13;
	s19 =	smov.u32 s14;
	v16 =	vmov v10;
	v17 =	vmov v7  }
.LBB2_20:
0xee: {  	p5 =	seq.s32 s22, $0xFFFFE040;
	v19 =	vld [tilespmem:s11+$0x117F0];
	v22 =	vadd.s32 v11, v18;
	v18 =	vsel vm1, $0x1, v0  }
0xef: {  	p6 =	por p6, p0;
	v20 =	vld [tilespmem:s11+$0x11FF0];
	v21 =	vadd.s32 v13, v22;
	(xrf0) =	vadd.scan.msk.s32 $0xffff, v18  }
0xf0: {  	p0 =	sgt.s32 s20, $0xFFFFFFFF;
	p4 =	por !p6, !p6;
	v13 =	vld [tilespmem:s11+$0x127F0];
	v18 =	vadd.s32 v14, v21;
	v11, _, _ =	vpop (xrf0);
	s23 =	spop (v2sf)  }
0xf1: {  	s20 =	smov.u32 s17;
	p4 =	por !p0, !p4;
	v14 =	vld [tilespmem:s11+$0x12FF0];
	v21 =	vperm.xlane v18, v2;
	(v2sf) =	vpush v11, $0xF;
	v11, _, _ =	vpop (xrf0);
	s24 =	spop (v2sf)  }
0xf2: {  	p4 =	por !p4, !p4;
	v12 =	vadd.s32 v12, v15;
	v15 =	vld [tilespmem:s11+$0x137F0];
	(v2sf) =	vpush v11, $0xF;
	s17 =	ssub.s32 s23, s24  }
0xf3: {  	s15 =	smov.u32 @p4 s19;
	s19 =	smov.u32 s21;
	v11 =	vadd.s32 v19, v12;
	v12 =	vld [tilespmem:s11+$0x13FF0];
	(xrf0) =	vadd.scan.msk.s32 $0xffff, v21;
	s18 =	smov.u32 @p4 s17  }
0xf4: {  	v11 =	vadd.s32 v20, v11;
	v19 =	vld [tilespmem:s11+$0x147F0];
	(xrf0) =	vadd.scan.msk.s32 $0xffff, v18  }
0xf5: {  	s16 =	sadd.s32 $0xFFFFFFF0, s16;
	v11 =	vadd.s32 v13, v11;
	v13 =	vld [tilespmem:s11+$0x14FF0];
	v20, _, _ =	vpop (xrf0);
	s21 =	spop (v2sf)  }
0xf6: {  	v11 =	vadd.s32 v14, v11;
	v14 =	vld [tilespmem:s11+$0x157F0];
	(v2sf) =	vpush v20, $0xF;
	s17 =	sadd.s32 $0xFFFFFFFF, s21;
	s21 =	sadd.s32 s16, s21  }
0xf7: {  	v11 =	vadd.s32 v15, v11;
	v15 =	vld [tilespmem:s11+$0x15FF0];
	v20 =	vmov s17  }
0xf8: {  	v11 =	vadd.s32 v12, v11;
	v21 =	vld [tilespmem:s11+$0x167F0];
	vm1 =	veq.s32 v20, v1  }
.Ltmp10:
0xf9: {  	v22 =	vadd.s32 v19, v11;
	v11 =	vld [tilespmem:s11+$0x16FF0];
	v19, _, _ =	vpop (xrf0);
	v20 =	vnsel vm1, $0x0, v16;
	v16 =	vmov v9;
	(pc) =	sbr.rel @!p5 .LBB2_20-.Ltmp10, $4  }
0xfa: {  	v9 =	vadd.s32 v13, v22;
	v13 =	vld [tilespmem:s11+$0x177F0];
	v19 =	vperm.xlane v19, v2;
	v12, _, _ =	vpop (xrf0);
	s23 =	spop (v2sf);
	v22 =	vnsel vm1, $0x0, v17;
	(xrf0) =	vadd.scan.msk.s32 $0xffff, v20  }
0xfb: {  	v17 =	vmovc v5;
	v5 =	vmov v18;
	v9 =	vadd.s32 v14, v9;
	v14 =	vld [tilespmem:s11+$0x17FF0];
	s11 =	sshra.s32 s22, $0x2;
	(v2sf) =	vpush v12, $0xF;
	s12 =	sadd.s32 s12, s23;
	(xrf0) =	vadd.scan.msk.s32 $0xffff, v22  }
0xfc: {  	v12 =	vld [tilespmem:s11+$0x107F0];
	v18 =	vadd.s32 v15, v9;
	v9 =	vadd.s32 s12, v19  }
0xfd: {  	s22 =	sadd.s32 $0xFFFFFFC0, s22;
	v15 =	vld [tilespmem:s11+$0x10FF0];
	v18 =	vadd.s32 v21, v18;
	vm1 =	vgt.s32 v9, $0x25A3A  }
0xfe: {  	p3 =	por $0x1, $0x1  }
0xff: {  	s1 =	simm.s32 @!p3 $0x0  }
0x100: {  	s1 =	simm.s32 @p3 $0x1  }
0x101: {  	p4 =	por $0x1, $0x1;
	[smem:$0x7FD] =	sst s1  }
.LBB2_22:
0x102: {  	v11 =	vadd.s32 @p1 v11, v18  }
0x103: {  	v46 =	vld [tilespmem:s11+$0x117F0];
	v11 =	vadd.s32 @p1 v13, v11  }
0x104: {  	v47 =	vld [tilespmem:s11+$0x11FF0];
	v11 =	vadd.s32 @p1 v14, v11  }
0x105: {  	v19 =	vld [tilespmem:s11+$0x127F0];
	v14 =	vsel @p2 vm1, $0x1, v0;
	v20 =	vperm.xlane @p1 v11, v2  }
0x106: {  	v48 =	vld [tilespmem:s11+$0x12FF0];
	s1 =	sld [smem:$0x7FC];
	(xrf0) =	vadd.scan.msk.s32 @p2 $0xffff, v14  }
0x107: {  	v12 =	vadd.s32 v12, v15;
	v49 =	vld [tilespmem:s11+$0x137F0];
	(xrf0) =	vadd.scan.msk.s32 @p1 $0xffff, v20  }
0x108: {  	v50 =	vld [tilespmem:s11+$0x13FF0];
	v12 =	vadd.s32 v46, v12;
	(xrf0) =	vadd.scan.msk.s32 @p1 $0xffff, v11  }
0x109: {  	v51 =	vld [tilespmem:s11+$0x147F0];
	s29 =	sld [smem:$0x7FB];
	p3 =	seq.s32 s1, $0x1;
	v12 =	vadd.s32 v47, v12  }
0x10a: {  	v52 =	vld [tilespmem:s11+$0x14FF0];
	v20, _, _ =	vpop @p3 (xrf0);
	v12 =	vadd.s32 v19, v12  }
0x10b: {  	v53 =	vld [tilespmem:s11+$0x157F0];
	v21, _, _ =	vpop @p3 (xrf0);
	v12 =	vadd.s32 v48, v12  }
0x10c: {  	v54 =	vld [tilespmem:s11+$0x15FF0];
	p5 =	seq.s32 s29, $0x1;
	(v2sf) =	vpush @p3 v20, $0xF;
	v20, _, _ =	vpop @p2 (xrf0);
	v12 =	vadd.s32 v49, v12  }
0x10d: {  	v55 =	vld [tilespmem:s11+$0x167F0];
	s24 =	spop @p5 (v2sf);
	(v2sf) =	vpush @p3 v21, $0xF;
	v12 =	vadd.s32 v50, v12;
	v21, _, _ =	vpop @p1 (xrf0)  }
0x10e: {  	v56 =	vld [tilespmem:s11+$0x16FF0];
	s25 =	spop @p5 (v2sf);
	(v2sf) =	vpush @p2 v20, $0xF;
	v12 =	vadd.s32 v51, v12;
	v20, _, _ =	vpop @p1 (xrf0)  }
0x10f: {  	v57 =	vld [tilespmem:s11+$0x177F0];
	s22 =	spop @p4 (v2sf);
	v12 =	vadd.s32 v52, v12;
	(v2sf) =	vpush @p1 v20, $0xF  }
0x110: {  	v58 =	vld [tilespmem:s11+$0x17FF0];
	s26 =	spop @p2 (v2sf);
	v12 =	vadd.s32 v53, v12  }
0x111: {  	s29 =	simm.s32 $0x0;
	s23 =	sadd.s32 @p4 $0xFFFFFFFF, s22;
	s11 =	sadd.s32 @p2 s12, s26;
	v20 =	vperm.xlane @p1 v21, v2;
	v12 =	vadd.s32 v54, v12  }
0x112: {  	v15 =	vmov @p4 s23;
	s29 =	smov.u32 @p2 s11;
	v12 =	vadd.s32 v55, v12  }
0x113: {  	vm1 =	veq.s32 @p4 v15, v1;
	v15 =	vadd.s32 @p1 s29, v20;
	v12 =	vadd.s32 v56, v12  }
0x114: {  	v13 =	vnsel @p4 vm1, $0x0, v16;
	vm2 =	vgt.s32 @p1 v15, $0x25A3A;
	v12 =	vadd.s32 v57, v12  }
0x115: {  	v16 =	vnsel @p4 vm1, $0x0, v17;
	(xrf0) =	vadd.scan.msk.s32 @p4 $0xffff, v13;
	vm0 =	vmmov @p1 vm2;
	v12 =	vadd.s32 v58, v12  }
0x116: {  	(xrf0) =	vadd.scan.msk.s32 @p4 $0xffff, v16;
	v13 =	vsel @p1 vm0, $0x1, v0;
	v14 =	vperm.xlane v12, v2  }
0x117: {  	(xrf0) =	vadd.scan.msk.s32 @p1 $0xffff, v13  }
0x118: {  	(xrf0) =	vadd.scan.msk.s32 $0xffff, v14;
	_ =	sdelay $0x2  }
0x119: {  	v13, _, _ =	vpop @p4 (xrf0);
	s26 =	spop @p3 (v2sf)  }
0x11a: {  	v14, _, _ =	vpop @p4 (xrf0);
	s28 =	spop @p3 (v2sf)  }
0x11b: {  	v16, _, _ =	vpop @p1 (xrf0);
	s12 =	spop @p2 (v2sf)  }
0x11c: {  	v59, _, _ =	vpop (xrf0);
	s30 =	spop @p1 (v2sf)  }
0x11d: {  	v2 =	vperm.xlane v59, v2;
	s29 =	sadd.s32 @p1 s29, s30;
	s30 =	simm.s32 $0x0  }
0x11e: {  	s30 =	smov.u32 @p1 s29  }
0x11f: {  	v2 =	vadd.s32 s30, v2;
	s30 =	sld [smem:$0x7FD]  }
0x120: {  	s11 =	sadd.s32 @p2 $0xFFFFFFFF, s12  }
0x121: {  	s1 =	simm.s32 @!p5 $0x0;
	(v2sf) =	vpush @p4 v13, $0xF;
	v13 =	vmov @p2 s11  }
0x122: {  	v8 =	vpsel p2, v9, v8;
	s1 =	simm.s32 @p5 $0x1;
	vm0 =	veq.s32 @p2 v13, v1;
	p5 =	seq.s32 s30, $0x1  }
0x123: {  	v5 =	vpsel p2, v5, v6;
	[smem:$0x7FB] =	sst s1;
	(xrf0) =	vadd.scan.msk.s32 $0xffff, v12;
	v6 =	vnsel @p2 vm0, $0x0, v8;
	p6 =	por @p5 p6, p0;
	p0 =	por $0x0, $0x0  }
0x124: {  	s2 =	sld [smem:$0x7FB];
	v5 =	vnsel @p2 vm0, $0x0, v5;
	(xrf0) =	vadd.scan.msk.s32 @p2 $0xffff, v6;
	vm14 =	vgt.s32 v2, $0x25A3A;
	p6 =	por @!p5 p0, p0  }
0x125: {  	(v2sf) =	vpush @p4 v14, $0xF;
	(xrf0) =	vadd.scan.msk.s32 @p2 $0xffff, v5;
	v60 =	vsel vm14, $0x1, v0;
	s1 =	simm.s32 @!p6 $0x0  }
0x126: {  	(xrf0) =	vadd.scan.msk.s32 $0xffff, v60;
	s1 =	simm.s32 @p6 $0x1  }
0x127: {  	p0 =	seq.s32 s2, $0x1;
	[smem:$0x7F9] =	sst s1  }
0x128: {  	(v2sf) =	vpush @p1 v16, $0xF;
	p6 =	sgt.s32 @p0 s20, $0xFFFFFFFF;
	s20 =	sld [smem:$0x7F9]  }
0x129: {  	v61, _, _ =	vpop (xrf0)  }
0x12a: {  	(v2sf) =	vpush v61, $0xF;
	v5, _, _ =	vpop @p2 (xrf0)  }
0x12b: {  	(v2sf) =	vpush @p2 v5, $0xF;
	v5, _, _ =	vpop @p2 (xrf0);
	p5 =	seq.s32 s20, $0x1  }
0x12c: {  	(v2sf) =	vpush @p2 v5, $0xF;
	v62, _, _ =	vpop (xrf0);
	p5 =	por @p0 !p5, !p5  }
0x12d: {  	s8 =	sand.u32 $0x3F0, s8;
	(v2sf) =	vpush v62, $0xF;
	p5 =	por @p0 !p6, !p5  }
0x12e: {  	s13 =	smov.u32 @p4 s23;
	s29 =	sld [smem:$0x7F9];
	p5 =	por @p0 !p5, !p5  }
0x12f: {  	s26 =	ssub.s32 @p3 s26, s28;
	s30 =	sld [smem:$0x7FB];
	p5 =	por !p5, !p0  }
0x130: {  	s24 =	ssub.s32 @p0 s24, s25;
	p6 =	por @!p0 p0, p0;
	s19 =	smov.u32 @p5 s15  }
0x131: {  	s24 =	smov.u32 @p5 s18;
	p5 =	seq.s32 s29, $0x1;
	s18 =	spop @p4 (v2sf)  }
0x132: {  	s15 =	smov.u32 @p3 s17;
	s17 =	smov.u32 s6;
	p6 =	por @p0 p5, p6  }
0x133: {  	s17 =	smov.u32 @p3 s15;
	s15 =	simm.s32 $0x0;
	p5 =	por $0x0, $0x0  }
0x134: {  	s20 =	spop @p4 (v2sf);
	s15 =	smov.u32 @p0 s19;
	p6 =	por @!p0 p5, p5  }
0x135: {  	s19 =	simm.s32 $0x0;
	p5 =	sgt.s32 @p3 s17, $0xFFFFFFFF;
	s1 =	simm.s32 @!p6 $0x0  }
0x136: {  	p0 =	por @p3 !p6, !p6;
	s1 =	simm.s32 @p6 $0x1;
	p6 =	seq.s32 s30, $0x1  }
0x137: {  	s17 =	spop @p1 (v2sf);
	s19 =	smov.u32 @p6 s24;
	p6 =	por @p3 !p5, !p0  }
0x138: {  	v5 =	vmov @p1 v11;
	s24 =	sadd.s32 @p3 $0xFFFFFFF0, s16;
	s16 =	sadd.s32 @p1 $0xFFFFFFFF, s17;
	p6 =	por @p3 !p6, !p6  }
0x139: {  	v63 =	vpsel p1, v15, v10;
	v5 =	vpsel p1, v5, v7;
	[smem:$0x7FA] =	sst s1;
	s1 =	spop (v2sf);
	v7 =	vmov @p1 s16;
	p6 =	por !p6, !p3  }
0x13a: {  	v4 =	vpsel p1, v63, v4;
	s25 =	smov.u32 s10;
	vm0 =	veq.s32 @p1 v7, v1;
	s26 =	smov.u32 @p6 s19;
	s19 =	spop @p2 (v2sf)  }
0x13b: {  	s23 =	simm.s32 $0x0;
	s25 =	smov.u32 @p3 s21;
	v3 =	vpsel p1, v5, v3;
	v4 =	vnsel @p1 vm0, $0x0, v4;
	s21 =	spop @p2 (v2sf)  }
0x13c: {  	s29 =	simm.s32 $0x7EF;
	s6 =	smov.u32 @p2 s11;
	v3 =	vnsel @p1 vm0, $0x0, v3;
	(xrf0) =	vadd.scan.msk.s32 @p1 $0xffff, v4;
	s2 =	spop (v2sf)  }
0x13d: {  	s29 =	smov.u32 @p3 s24;
	s24 =	sld [smem:$0x7FA];
	(xrf0) =	vadd.scan.msk.s32 @p1 $0xffff, v3;
	s28 =	sadd.s32 $0xFFFFFFFF, s2  }
0x13e: {  	s6 =	smov.u32 @p2 s6;
	s18 =	ssub.s32 @p4 s18, s20;
	s20 =	simm.s32 $0x7EF;
	v3 =	vmov s28  }
0x13f: {  	p5 =	por @!p3 p0, p0;
	s25 =	smov.u32 @p6 s15;
	s15 =	sadd.s32 @p4 s29, s22;
	vm15 =	veq.s32 v3, v1  }
0x140: {  	s22 =	smov.u32 @p4 s13;
	s14 =	smov.u32 @p4 s15;
	p0 =	seq.s32 s24, $0x1;
	v1 =	vnsel vm15, $0x0, v2  }
0x141: {  	s23 =	smov.u32 @p3 s25;
	s24 =	simm.s32 $0x0;
	s25 =	simm.s32 $0x7EF  }
0x142: {  	p0 =	por @p3 p0, p5;
	p5 =	por $0x0, $0x0;
	s24 =	smov.u32 @p3 s26;
	v3 =	vnsel vm15, $0x0, v12;
	v2, _, _ =	vpop @p1 (xrf0);
	(xrf0) =	vadd.scan.msk.s32 $0xffff, v1  }
0x143: {  	p0 =	por @!p3 p5, p5;
	p3 =	sgt.s32 @p4 s22, $0xFFFFFFFF;
	s22 =	sadd.s32 @p4 $0xFFFFFFF0, s29;
	v1, _, _ =	vpop @p1 (xrf0);
	(xrf0) =	vadd.scan.msk.s32 $0xffff, v3  }
0x144: {  	s14 =	smov.u32 @p4 s14;
	p5 =	por @p4 !p0, !p0;
	s25 =	smov.u32 @p4 s22  }
0x145: {  	p6 =	sgt.s32 s28, $0xFFFFFFFF;
	p5 =	por @p4 !p3, !p5;
	s12 =	sadd.s32 @p2 s25, s12  }
0x146: {  	s11 =	sadd.s32 @p2 $0xFFFFFFF0, s25;
	p3 =	por @!p4 p0, p0;
	p5 =	por @p4 !p5, !p5  }
0x147: {  	s10 =	smov.u32 @p2 s12;
	s20 =	smov.u32 @p2 s11;
	s12 =	simm.s32 $0x0;
	(v2sf) =	vpush @p1 v2, $0xF  }
0x148: {  	p0 =	por @p4 p0, p3;
	p3 =	sgt.s32 @p2 s6, $0xFFFFFFFF;
	s6 =	smov.u32 @p1 s16;
	(v2sf) =	vpush @p1 v1, $0xF;
	v1, _, _ =	vpop (xrf0)  }
0x149: {  	s16 =	ssub.s32 @p2 s19, s21;
	p5 =	por !p5, !p4;
	s11 =	sadd.s32 @p1 s20, s17;
	(v2sf) =	vpush v1, $0xF;
	v1, _, _ =	vpop (xrf0)  }
0x14a: {  	s14 =	smov.u32 @p5 s23;
	s18 =	smov.u32 @p5 s24;
	p5 =	por $0x0, $0x0;
	(v2sf) =	vpush v1, $0xF  }
0x14b: {  	s12 =	smov.u32 @p4 s14;
	s14 =	simm.s32 $0x0;
	p0 =	por @!p4 p5, p5  }
0x14c: {  	s10 =	smov.u32 @p2 s10;
	s14 =	smov.u32 @p4 s18;
	p4 =	por @p2 !p0, !p0  }
0x14d: {  	s6 =	smov.u32 @p1 s6;
	s11 =	smov.u32 @p1 s11;
	p4 =	por @p2 !p3, !p4  }
0x14e: {  	s11 =	smov.u32 @p1 s11;
	p3 =	por @!p2 p0, p0;
	p4 =	por @p2 !p4, !p4  }
0x14f: {  	p0 =	por @p2 p0, p3;
	p3 =	sgt.s32 @p1 s6, $0xFFFFFFFF;
	s6 =	simm.s32 $0x0  }
0x150: {  	p4 =	por !p4, !p2;
	p0 =	por @!p2 p5, p5;
	p5 =	por $0x0, $0x0  }
0x151: {  	s10 =	smov.u32 @p4 s12;
	s16 =	smov.u32 @p4 s14;
	p4 =	por @p1 !p0, !p0  }
0x152: {  	s12 =	simm.s32 $0x0;
	p4 =	por @p1 !p3, !p4;
	p3 =	por @!p1 p0, p0  }
0x153: {  	s6 =	smov.u32 @p2 s10;
	p4 =	por @p1 !p4, !p4;
	p0 =	por @p1 p0, p3  }
0x154: {  	s12 =	smov.u32 @p2 s16;
	p4 =	por !p4, !p1;
	p0 =	por @!p1 p5, p5  }
0x155: {  	s11 =	smov.u32 @p4 s6;
	s6 =	sadd.s32 @p1 $0xFFFFFFF0, s20;
	p0 =	por !p0, !p0  }
0x156: {  	s9 =	smov.u32 @p1 s6;
	s6 =	simm.s32 $0x0;
	s10 =	spop @p1 (v2sf)  }
0x157: {  	p0 =	por !p6, !p0;
	s6 =	smov.u32 @p1 s11;
	s14 =	spop @p1 (v2sf)  }
0x158: {  	s9 =	sadd.s32 s9, s2;
	s14 =	ssub.s32 @p1 s10, s14;
	s29 =	spop (v2sf)  }
0x159: {  	s10 =	simm.s32 $0x0;
	s14 =	smov.u32 @p4 s12;
	s30 =	spop (v2sf)  }
0x15a: {  	p0 =	por !p0, !p0;
	s10 =	smov.u32 @p1 s14;
	s11 =	ssub.s32 s29, s30  }
0x15b: {  	[tilespmem:s7+$0x0] =	vst v0;
	s6 =	smov.u32 @p0 s9;
	s9 =	simm.s32 $0x10;
	s10 =	smov.u32 @p0 s11  }
.LBB2_23:
0x15c: {  	p0 =	seq.s32 s9, $0x3F0;
	[tilespmem:s8+$0x10800] =	vst v0  }
0x15d: {  	[tilespmem:s8+$0x11000] =	vst v0  }
0x15e: {  	[tilespmem:s8+$0x11800] =	vst v0  }
0x15f: {  	[tilespmem:s8+$0x12000] =	vst v0  }
0x160: {  	[tilespmem:s8+$0x12800] =	vst v0  }
0x161: {  	[tilespmem:s8+$0x13000] =	vst v0  }
0x162: {  	[tilespmem:s8+$0x13800] =	vst v0  }
0x163: {  	[tilespmem:s8+$0x14000] =	vst v0  }
0x164: {  	[tilespmem:s8+$0x14800] =	vst v0  }
0x165: {  	[tilespmem:s8+$0x15000] =	vst v0  }
0x166: {  	[tilespmem:s8+$0x15800] =	vst v0  }
.Ltmp11:
0x167: {  	[tilespmem:s8+$0x16000] =	vst v0;
	(pc) =	sbr.rel @!p0 .LBB2_23-.Ltmp11, $4  }
0x168: {  	[tilespmem:s8+$0x16800] =	vst v0  }
0x169: {  	[tilespmem:s8+$0x17000] =	vst v0  }
0x16a: {  	s7 =	sadd.s32 $0x10, s7;
	[tilespmem:s8+$0x17800] =	vst v0  }
0x16b: {  	s8 =	sand.u32 $0x3F0, s9;
	s9 =	sadd.s32 $0x10, s9;
	[tilespmem:s7+$0x0] =	vst v0  }
0x16c: {  	[tilespmem:s8+$0x10800] =	vst v0  }
0x16d: {  	[tilespmem:s8+$0x11000] =	vst v0  }
0x16e: {  	[tilespmem:s8+$0x11800] =	vst v0  }
0x16f: {  	[tilespmem:s8+$0x12000] =	vst v0  }
0x170: {  	[tilespmem:s8+$0x12800] =	vst v0  }
0x171: {  	[tilespmem:s8+$0x13000] =	vst v0  }
0x172: {  	[tilespmem:s8+$0x13800] =	vst v0  }
0x173: {  	[tilespmem:s8+$0x14000] =	vst v0  }
0x174: {  	[tilespmem:s8+$0x14800] =	vst v0  }
0x175: {  	[tilespmem:s8+$0x15000] =	vst v0  }
0x176: {  	[tilespmem:s8+$0x15800] =	vst v0  }
0x177: {  	[tilespmem:s8+$0x16000] =	vst v0  }
0x178: {  	[tilespmem:s8+$0x16800] =	vst v0  }
0x179: {  	[tilespmem:s8+$0x17000] =	vst v0;
	v1 =	vlaneseq.u32  }
0x17a: {  	[tilespmem:s8+$0x17800] =	vst v0;
	v0 =	vmov s6;
	s7 =	simm.s32 $0x0;
	v2 =	vimm.s32 $0x1;
	s8 =	simm.s32 $0x0;
	v1 =	vmul.u32 $0x800, v1  }
.LBB2_25:
0x17b: {  	s9 =	sshra.s32 s8, $0x2  }
0x17c: {  	v3 =	vld [tilespmem:s9+$0x0];
	_ =	sdelay $0x4  }
0x17d: {  	v4 =	vshrl.u32 v3, $0xA;
	v3 =	vshra.s32 v3, $0x14  }
0x17e: {  	vm0 =	veq.s32 v3, v0;
	v3 =	vand.u32 $0x3FF, v4  }
0x17f: {  	p0 =	sne.s32 s8, $0x3FFC0;
	v3 =	vor.u32 v1, v3  }
.Ltmp12:
0x180: {  	_ = 	snop;
	(pc) =	sbr.rel @p0 .LBB2_25-.Ltmp12, $3  }
0x181: {  	_ =	sdelay $0x1  }
0x182: {  	s9 =	simm.s32 $0x10000  }
0x183: {  	s8 =	sadd.s32 $0x40, s8;
	[tilespmem:v3+s9+$0x0] =	vst.idx.add.s32.msk vm0, v2  }
0x184: {  	s7 =	sand.u32 $0x3F0, s7;
	v1 =	vld [tilespmem:s9+$0x0]  }
0x185: {  	v0 =	vld [tilespmem:s7+$0x10800]  }
0x186: {  	v2 =	vld [tilespmem:s7+$0x11000]  }
0x187: {  	v3 =	vld [tilespmem:s7+$0x11800]  }
0x188: {  	v4 =	vld [tilespmem:s7+$0x12000]  }
0x189: {  	v5 =	vld [tilespmem:s7+$0x12800]  }
0x18a: {  	v0 =	vadd.s32 v1, v0;
	v1 =	vld [tilespmem:s7+$0x13000]  }
0x18b: {  	v0 =	vadd.s32 v2, v0;
	v2 =	vld [tilespmem:s7+$0x13800]  }
0x18c: {  	v0 =	vadd.s32 v3, v0;
	v3 =	vld [tilespmem:s7+$0x14000]  }
0x18d: {  	v60 =	vld [tilespmem:s7+$0x14800];
	v0 =	vadd.s32 v4, v0  }
0x18e: {  	v61 =	vld [tilespmem:s7+$0x15000];
	v0 =	vadd.s32 v5, v0  }
0x18f: {  	v0 =	vadd.s32 v1, v0;
	v1 =	vld [tilespmem:s7+$0x15800]  }
0x190: {  	v0 =	vadd.s32 v2, v0;
	v2 =	vld [tilespmem:s7+$0x16000]  }
0x191: {  	v0 =	vadd.s32 v3, v0;
	v3 =	vld [tilespmem:s7+$0x16800]  }
0x192: {  	v62 =	vld [tilespmem:s7+$0x17000];
	v0 =	vadd.s32 v60, v0  }
0x193: {  	v63 =	vld [tilespmem:s7+$0x17800];
	v0 =	vadd.s32 v61, v0  }
0x194: {  	v0 =	vadd.s32 v1, v0  }
0x195: {  	v0 =	vadd.s32 v2, v0  }
0x196: {  	v0 =	vadd.s32 v3, v0  }
0x197: {  	v0 =	vadd.s32 v62, v0  }
0x198: {  	s8 =	simm.s32 $0x10;
	s7 =	simm.s32 $0x18000;
	v0 =	vadd.s32 v63, v0  }
0x199: {  	s8 =	sand.u32 $0x3F0, s8;
	[tilespmem:s7+$0x0] =	vst v0  }
0x19a: {  	s11 =	simm.s32 $0x20;
	s9 =	simm.s32 $0x10010;
	v0 =	vld [tilespmem:s8+$0x10800]  }
.LBB2_27:
0x19b: {  	p0 =	sne.s32 s11, $0x3F0;
	v1 =	vld [tilespmem:s9+$0x0]  }
0x19c: {  	v2 =	vld [tilespmem:s8+$0x11000]  }
0x19d: {  	v3 =	vld [tilespmem:s8+$0x11800]  }
0x19e: {  	v4 =	vld [tilespmem:s8+$0x12000]  }
0x19f: {  	v5 =	vld [tilespmem:s8+$0x12800]  }
0x1a0: {  	v0 =	vadd.s32 v1, v0;
	v1 =	vld [tilespmem:s8+$0x13000]  }
0x1a1: {  	v0 =	vadd.s32 v2, v0;
	v2 =	vld [tilespmem:s8+$0x13800]  }
0x1a2: {  	v0 =	vadd.s32 v3, v0;
	v3 =	vld [tilespmem:s8+$0x14000]  }
0x1a3: {  	v0 =	vadd.s32 v4, v0;
	v4 =	vld [tilespmem:s8+$0x14800]  }
0x1a4: {  	v0 =	vadd.s32 v5, v0;
	v5 =	vld [tilespmem:s8+$0x15000]  }
0x1a5: {  	v0 =	vadd.s32 v1, v0;
	v1 =	vld [tilespmem:s8+$0x15800]  }
0x1a6: {  	v0 =	vadd.s32 v2, v0;
	v2 =	vld [tilespmem:s8+$0x16000]  }
0x1a7: {  	v0 =	vadd.s32 v3, v0;
	v3 =	vld [tilespmem:s8+$0x16800]  }
0x1a8: {  	v0 =	vadd.s32 v4, v0;
	v4 =	vld [tilespmem:s8+$0x17000]  }
0x1a9: {  	v0 =	vadd.s32 v5, v0;
	v5 =	vld [tilespmem:s8+$0x17800]  }
0x1aa: {  	v0 =	vadd.s32 v1, v0  }
0x1ab: {  	v0 =	vadd.s32 v2, v0  }
.Ltmp13:
0x1ac: {  	v0 =	vadd.s32 v3, v0;
	(pc) =	sbr.rel @p0 .LBB2_27-.Ltmp13, $4  }
0x1ad: {  	v0 =	vadd.s32 v4, v0  }
0x1ae: {  	s7 =	sadd.s32 $0x10, s7;
	v0 =	vadd.s32 v5, v0  }
0x1af: {  	s8 =	sand.u32 $0x3F0, s11;
	[tilespmem:s7+$0x0] =	vst v0  }
0x1b0: {  	s9 =	sadd.s32 $0x10, s9;
	s11 =	sadd.s32 $0x10, s11;
	v0 =	vld [tilespmem:s8+$0x10800]  }
0x1b1: {  	v1 =	vld [tilespmem:s9+$0x0]  }
0x1b2: {  	v2 =	vld [tilespmem:s8+$0x11000]  }
0x1b3: {  	v3 =	vld [tilespmem:s8+$0x11800]  }
0x1b4: {  	v4 =	vld [tilespmem:s8+$0x12000]  }
0x1b5: {  	v5 =	vld [tilespmem:s8+$0x12800]  }
0x1b6: {  	v0 =	vadd.s32 v1, v0;
	v1 =	vld [tilespmem:s8+$0x13000]  }
0x1b7: {  	v0 =	vadd.s32 v2, v0;
	v2 =	vld [tilespmem:s8+$0x13800]  }
0x1b8: {  	v0 =	vadd.s32 v3, v0;
	v3 =	vld [tilespmem:s8+$0x14000]  }
0x1b9: {  	v0 =	vadd.s32 v4, v0;
	v4 =	vld [tilespmem:s8+$0x14800]  }
0x1ba: {  	v0 =	vadd.s32 v5, v0;
	v5 =	vld [tilespmem:s8+$0x15000]  }
0x1bb: {  	v0 =	vadd.s32 v1, v0;
	v1 =	vld [tilespmem:s8+$0x15800]  }
0x1bc: {  	v0 =	vadd.s32 v2, v0;
	v2 =	vld [tilespmem:s8+$0x16000]  }
0x1bd: {  	v0 =	vadd.s32 v3, v0;
	v3 =	vld [tilespmem:s8+$0x16800]  }
0x1be: {  	v0 =	vadd.s32 v4, v0;
	v4 =	vld [tilespmem:s8+$0x17000]  }
0x1bf: {  	v0 =	vadd.s32 v5, v0;
	v5 =	vld [tilespmem:s8+$0x17800]  }
0x1c0: {  	v0 =	vadd.s32 v1, v0  }
0x1c1: {  	v0 =	vadd.s32 v2, v0  }
0x1c2: {  	v0 =	vadd.s32 v3, v0  }
0x1c3: {  	v0 =	vadd.s32 v4, v0  }
0x1c4: {  	s7 =	sadd.s32 $0x10, s7;
	v0 =	vadd.s32 v5, v0  }
0x1c5: {  	s29 =	simm.s32 $0x18000;
	s30 =	simm.s32 $0x1;
	[tilespmem:s7+$0x0] =	vst v0  }
0x1c6: {  	[spmem:s5] =	stream.linear.scatter [tilespmem:s29], [sflag:$0x1], $0x400, $0x38;
	[tilespmem:$0x19210] =	vst v63  }
0x1c7: {  	_ =	swait.ge [sflag:s30], $0x400  }
0x1c8: {  	[sflag:s30] =	ssyncset.done $0x0  }
0x1c9: {  	[sflag:s30] =	ssyncadd.s32 $0xFFFFFC00  }
0x1ca: {  	s8 =	simm.s32 $0x10000;
	[bflag:$0x0] =	sbarrier.arrive $0xFFFF  }
0x1cb: {  	[tilespmem:s8], [sflag:$0x1] =	stream.linear.gather [spmem:s4], $0x8000, $0x38;
	[tilespmem:$0x19210] =	vst v63  }
0x1cc: {  	p0 =	por $0x0, $0x0;
	_ =	swait.ge [sflag:s30], $0x8000  }
.Ltmp14:
0x1cd: {  	[sflag:s30] =	ssyncset.done $0x0;
	(pc) =	sbr.rel @p0 .LBB2_29-.Ltmp14, $4  }
0x1ce: {  	v1 =	vlaneseq.u32;
	[sflag:s30] =	ssyncadd.s32 $0xFFFF8000  }
0x1cf: {  	s13 =	simm.s32 $0x0;
	v0 =	vmul.u32 $0xFFFFFFFF, v1;
	[bflag:$0x0] =	sbarrier.arrive $0xFFFF  }
0x1d0: {  	p4 =	por $0x0, $0x0;
	s9 =	simm.s32 $0x0;
	s7 =	ssub.s32 $0x25A3B, s10;
	v13 =	vld [tilespmem:s13+$0x103F0]  }
0x1d1: {  	p1 =	por $0x0, $0x0;
	p2 =	por $0x0, $0x0;
	s10 =	simm.s32 $0x3EF;
	v2 =	vmov s7;
	v3 =	vadd.s32 $0xF, v0;
	v0 =	vimm.s32 $0x0;
	v16 =	vld [tilespmem:s13+$0x10BF0]  }
0x1d2: {  	v4 =	vld [tilespmem:s13+$0x113F0]  }
0x1d3: {  	v5 =	vld [tilespmem:s13+$0x11BF0]  }
0x1d4: {  	v6 =	vld [tilespmem:s13+$0x123F0]  }
0x1d5: {  	v7 =	vld [tilespmem:s13+$0x12BF0]  }
0x1d6: {  	v9 =	vld [tilespmem:s13+$0x133F0];
	v8 =	vadd.s32 v13, v16  }
0x1d7: {  	v59 =	vld [tilespmem:s13+$0x13BF0];
	v4 =	vadd.s32 v4, v8  }
0x1d8: {  	v4 =	vadd.s32 v5, v4;
	v5 =	vld [tilespmem:s13+$0x143F0]  }
0x1d9: {  	v60 =	vld [tilespmem:s13+$0x14BF0];
	v4 =	vadd.s32 v6, v4  }
0x1da: {  	v61 =	vld [tilespmem:s13+$0x153F0];
	v4 =	vadd.s32 v7, v4  }
0x1db: {  	v62 =	vld [tilespmem:s13+$0x15BF0];
	v4 =	vadd.s32 v9, v4  }
0x1dc: {  	v63 =	vld [tilespmem:s13+$0x163F0];
	p0 =	por $0x0, $0x0;
	v4 =	vadd.s32 v59, v4  }
.Ltmp15:
0x1dd: {  	v12 =	vld [tilespmem:s13+$0x16BF0];
	v4 =	vadd.s32 v5, v4;
	(pc) =	sbr.rel @p0 .LBB2_31-.Ltmp15, $4  }
0x1de: {  	v14 =	vld [tilespmem:s13+$0x173F0];
	v4 =	vadd.s32 v60, v4  }
0x1df: {  	s11 =	simm.s32 $0xFFFFFFF0;
	v15 =	vld [tilespmem:s13+$0x17BF0];
	v4 =	vadd.s32 v61, v4  }
0x1e0: {  	v13 =	vld [tilespmem:s11+$0x103F0];
	v4 =	vadd.s32 v62, v4  }
0x1e1: {  	p1 =	por $0x1, $0x1;
	v16 =	vld [tilespmem:s11+$0x10BF0];
	v19 =	vadd.s32 v63, v4  }
0x1e2: {  	v4 =	vld [tilespmem:s11+$0x113F0];
	v5 =	vadd.s32 v12, v19  }
0x1e3: {  	v7 =	vld [tilespmem:s11+$0x11BF0];
	v5 =	vadd.s32 v14, v5  }
0x1e4: {  	v8 =	vld [tilespmem:s11+$0x123F0];
	v6 =	vadd.s32 v15, v5  }
0x1e5: {  	v5 =	vld [tilespmem:s11+$0x12BF0];
	v9 =	vperm.xlane v6, v3  }
0x1e6: {  	v11 =	vld [tilespmem:s11+$0x133F0];
	v10 =	vadd.s32 v13, v16  }
0x1e7: {  	v4 =	vadd.s32 v4, v10;
	v10 =	vld [tilespmem:s11+$0x13BF0];
	(xrf0) =	vadd.scan.msk.s32 $0xffff, v9  }
0x1e8: {  	v4 =	vadd.s32 v7, v4;
	v7 =	vld [tilespmem:s11+$0x143F0]  }
0x1e9: {  	v4 =	vadd.s32 v8, v4;
	v8 =	vld [tilespmem:s11+$0x14BF0]  }
0x1ea: {  	(xrf0) =	vadd.scan.msk.s32 $0xffff, v6;
	v4 =	vadd.s32 v5, v4;
	v5 =	vld [tilespmem:s11+$0x153F0]  }
0x1eb: {  	v9 =	vld [tilespmem:s11+$0x15BF0];
	v4 =	vadd.s32 v11, v4  }
0x1ec: {  	p0 =	por $0x0, $0x0;
	v11 =	vld [tilespmem:s11+$0x163F0];
	v4 =	vadd.s32 v10, v4  }
.Ltmp16:
0x1ed: {  	v12 =	vld [tilespmem:s11+$0x16BF0];
	v4 =	vadd.s32 v7, v4;
	v7, _, _ =	vpop (xrf0);
	(pc) =	sbr.rel @p0 .LBB2_33-.Ltmp16, $4  }
0x1ee: {  	v14 =	vld [tilespmem:s11+$0x173F0];
	v4 =	vadd.s32 v8, v4;
	v7 =	vperm.xlane v7, v3  }
0x1ef: {  	s13 =	simm.s32 $0xFFFFFFE0;
	v15 =	vld [tilespmem:s11+$0x17BF0];
	v4 =	vadd.s32 v5, v4  }
0x1f0: {  	v13 =	vld [tilespmem:s13+$0x103F0];
	v5, _, _ =	vpop (xrf0);
	v4 =	vadd.s32 v9, v4;
	v10 =	vadd.s32 s9, v7  }
0x1f1: {  	p2 =	por $0x1, $0x1;
	v16 =	vld [tilespmem:s13+$0x10BF0];
	(v2sf) =	vpush v5, $0xF;
	v19 =	vadd.s32 v11, v4;
	vm1 =	vge.s32 v10, v2  }
0x1f2: {  	_ =	sdelay $0x1  }
0x1f3: {  	v5 =	vld [tilespmem:s13+$0x113F0];
	v4 =	vadd.s32 v12, v19  }
0x1f4: {  	v7 =	vld [tilespmem:s13+$0x11BF0];
	v4 =	vadd.s32 v14, v4  }
0x1f5: {  	v8 =	vld [tilespmem:s13+$0x123F0];
	v4 =	vadd.s32 v15, v4  }
0x1f6: {  	v9 =	vsel vm1, $0x1, v0;
	v11 =	vld [tilespmem:s13+$0x12BF0];
	v12 =	vperm.xlane v4, v3  }
0x1f7: {  	(xrf0) =	vadd.scan.msk.s32 $0xffff, v9;
	v9 =	vadd.s32 v13, v16;
	v13 =	vld [tilespmem:s13+$0x133F0]  }
0x1f8: {  	v5 =	vadd.s32 v5, v9;
	v9 =	vld [tilespmem:s13+$0x13BF0];
	(xrf0) =	vadd.scan.msk.s32 $0xffff, v12  }
0x1f9: {  	v5 =	vadd.s32 v7, v5;
	v7 =	vld [tilespmem:s13+$0x143F0]  }
0x1fa: {  	v5 =	vadd.s32 v8, v5;
	v8 =	vld [tilespmem:s13+$0x14BF0]  }
0x1fb: {  	(xrf0) =	vadd.scan.msk.s32 $0xffff, v4;
	v5 =	vadd.s32 v11, v5;
	v11 =	vld [tilespmem:s13+$0x153F0]  }
0x1fc: {  	v5 =	vadd.s32 v13, v5;
	v13 =	vld [tilespmem:s13+$0x15BF0]  }
0x1fd: {  	p0 =	por $0x0, $0x0;
	v16, _, _ =	vpop (xrf0);
	v5 =	vadd.s32 v9, v5;
	v9 =	vld [tilespmem:s13+$0x163F0]  }
.Ltmp17:
0x1fe: {  	v14 =	vld [tilespmem:s13+$0x173F0];
	v5 =	vadd.s32 v7, v5;
	v7, _, _ =	vpop (xrf0);
	(pc) =	sbr.rel @p0 .LBB2_35-.Ltmp17, $4  }
0x1ff: {  	v15 =	vld [tilespmem:s13+$0x17BF0];
	v5 =	vadd.s32 v8, v5;
	v7 =	vperm.xlane v7, v3;
	s11 =	spop (v2sf)  }
0x200: {  	s12 =	simm.s32 $0xFFFFFFD0;
	v12 =	vld [tilespmem:s13+$0x16BF0];
	v5 =	vadd.s32 v11, v5;
	s14 =	sadd.s32 $0x0, s11  }
0x201: {  	(v2sf) =	vpush v16, $0xF;
	v16 =	vld [tilespmem:s12+$0x10BF0];
	v8, _, _ =	vpop (xrf0);
	v11 =	vadd.s32 v13, v5;
	v5 =	vadd.s32 s14, v7  }
0x202: {  	v13 =	vld [tilespmem:s12+$0x103F0];
	(v2sf) =	vpush v8, $0xF;
	v19 =	vadd.s32 v9, v11;
	vm1 =	vge.s32 v5, v2  }
0x203: {  	_ =	sdelay $0x2  }
0x204: {  	v8 =	vld [tilespmem:s12+$0x113F0]  }
0x205: {  	v9 =	vld [tilespmem:s12+$0x11BF0];
	v7 =	vadd.s32 v12, v19  }
0x206: {  	v11 =	vld [tilespmem:s12+$0x123F0];
	v7 =	vadd.s32 v14, v7  }
0x207: {  	v12 =	vsel vm1, $0x1, v0;
	v14 =	vld [tilespmem:s12+$0x12BF0];
	v7 =	vadd.s32 v15, v7  }
0x208: {  	(xrf0) =	vadd.scan.msk.s32 $0xffff, v12;
	v12 =	vadd.s32 v13, v16;
	v13 =	vld [tilespmem:s12+$0x133F0];
	v15 =	vperm.xlane v7, v3  }
0x209: {  	v8 =	vadd.s32 v8, v12;
	v12 =	vld [tilespmem:s12+$0x13BF0]  }
0x20a: {  	v8 =	vadd.s32 v9, v8;
	v9 =	vld [tilespmem:s12+$0x143F0];
	(xrf0) =	vadd.scan.msk.s32 $0xffff, v15  }
0x20b: {  	v8 =	vadd.s32 v11, v8;
	v11 =	vld [tilespmem:s12+$0x14BF0]  }
0x20c: {  	v15 =	vld [tilespmem:s12+$0x153F0];
	v8 =	vadd.s32 v14, v8  }
0x20d: {  	(xrf0) =	vadd.scan.msk.s32 $0xffff, v7;
	v8 =	vadd.s32 v13, v8  }
0x20e: {  	v16 =	vld [tilespmem:s12+$0x15BF0];
	v8 =	vadd.s32 v12, v8;
	s15 =	spop (v2sf)  }
0x20f: {  	v17 =	vld [tilespmem:s12+$0x163F0];
	p0 =	por $0x0, $0x0;
	v13, _, _ =	vpop (xrf0);
	v8 =	vadd.s32 v9, v8;
	s11 =	sadd.s32 $0xFFFFFFFF, s15  }
.Ltmp18:
0x210: {  	v12 =	vld [tilespmem:s12+$0x16BF0];
	v8 =	vadd.s32 v11, v8;
	v9, _, _ =	vpop (xrf0);
	v14 =	vmov s11;
	(pc) =	sbr.rel @p0 .LBB2_37-.Ltmp18, $4  }
0x211: {  	s13 =	simm.s32 $0xFFFFFFC0;
	v8 =	vadd.s32 v15, v8;
	v15 =	vld [tilespmem:s12+$0x17BF0];
	v9 =	vperm.xlane v9, v3;
	s16 =	spop (v2sf);
	vm0 =	veq.s32 v14, v1  }
0x212: {  	(v2sf) =	vpush v13, $0xF;
	v13 =	vld [tilespmem:s13+$0x103F0];
	s14 =	sadd.s32 s14, s16;
	v10 =	vnsel vm0, $0x0, v10  }
0x213: {  	v11, _, _ =	vpop (xrf0);
	v8 =	vadd.s32 v16, v8;
	v16 =	vld [tilespmem:s13+$0x10BF0];
	v9 =	vadd.s32 s14, v9;
	v6 =	vnsel vm0, $0x0, v6;
	(xrf0) =	vadd.scan.msk.s32 $0xffff, v10  }
0x214: {  	(v2sf) =	vpush v11, $0xF;
	v19 =	vadd.s32 v17, v8;
	v14 =	vld [tilespmem:s12+$0x173F0];
	s12 =	sadd.s32 $0x3EF, s15;
	vm1 =	vge.s32 v9, v2;
	(xrf0) =	vadd.scan.msk.s32 $0xffff, v6  }
0x215: {  	_ =	sdelay $0x2  }
0x216: {  	v6 =	vld [tilespmem:s13+$0x113F0];
	v8 =	vadd.s32 v12, v19  }
0x217: {  	v10 =	vld [tilespmem:s13+$0x11BF0];
	v8 =	vadd.s32 v14, v8  }
0x218: {  	v11 =	vld [tilespmem:s13+$0x123F0];
	v8 =	vadd.s32 v15, v8  }
0x219: {  	v12 =	vsel vm1, $0x1, v0;
	v14 =	vld [tilespmem:s13+$0x12BF0];
	v15 =	vperm.xlane v8, v3  }
0x21a: {  	(xrf0) =	vadd.scan.msk.s32 $0xffff, v12;
	v12 =	vadd.s32 v13, v16;
	v13 =	vld [tilespmem:s13+$0x133F0]  }
0x21b: {  	v6 =	vadd.s32 v6, v12;
	v12 =	vld [tilespmem:s13+$0x13BF0];
	(xrf0) =	vadd.scan.msk.s32 $0xffff, v15  }
0x21c: {  	v6 =	vadd.s32 v10, v6;
	v10 =	vld [tilespmem:s13+$0x143F0]  }
0x21d: {  	v6 =	vadd.s32 v11, v6;
	v11 =	vld [tilespmem:s13+$0x14BF0]  }
0x21e: {  	p0 =	por $0x1, $0x1;
	v16 =	vld [tilespmem:s13+$0x153F0];
	v6 =	vadd.s32 v14, v6;
	v15, _, _ =	vpop (xrf0);
	(xrf0) =	vadd.scan.msk.s32 $0xffff, v8  }
0x21f: {  	v17 =	vld [tilespmem:s13+$0x15BF0];
	s1 =	simm.s32 @!p0 $0x0;
	v6 =	vadd.s32 v13, v6;
	v14, _, _ =	vpop (xrf0);
	s16 =	spop (v2sf)  }
0x220: {  	v18 =	vld [tilespmem:s13+$0x163F0];
	s1 =	simm.s32 @p0 $0x1;
	p0 =	por $0x0, $0x0;
	(v2sf) =	vpush v15, $0xF;
	v6 =	vadd.s32 v12, v6;
	v13, _, _ =	vpop (xrf0);
	s15 =	sadd.s32 $0xFFFFFFFF, s16  }
.Ltmp19:
0x221: {  	v12 =	vld [tilespmem:s13+$0x16BF0];
	(v2sf) =	vpush v14, $0xF;
	v6 =	vadd.s32 v10, v6;
	v14 =	vmov s15;
	v10, _, _ =	vpop (xrf0);
	(pc) =	sbr.rel @p0 .LBB2_39-.Ltmp19, $4  }
0x222: {  	s21 =	simm.s32 $0xFFFFFFB0;
	v15 =	vld [tilespmem:s13+$0x17BF0];
	v6 =	vadd.s32 v11, v6;
	s17 =	spop (v2sf);
	vm0 =	veq.s32 v14, v1;
	v10 =	vperm.xlane v10, v3  }
0x223: {  	(v2sf) =	vpush v13, $0xF;
	v13 =	vld [tilespmem:s21+$0x103F0];
	v6 =	vadd.s32 v16, v6;
	s14 =	sadd.s32 s14, s17;
	v11 =	vnsel vm0, $0x0, v5  }
0x224: {  	s18 =	simm.s32 $0x3DF;
	v14 =	vld [tilespmem:s13+$0x173F0];
	v6 =	vadd.s32 v17, v6;
	v16, _, _ =	vpop (xrf0);
	v19 =	vnsel vm0, $0x0, v4;
	(xrf0) =	vadd.scan.msk.s32 $0xffff, v11;
	v11 =	vadd.s32 s14, v10  }
0x225: {  	[smem:$0x7F7] =	sst s1;
	s1 =	smov.u32 s0;
	s16 =	sadd.s32 $0x3DF, s16;
	(v2sf) =	vpush v16, $0xF;
	v16 =	vld [tilespmem:s21+$0x10BF0];
	(xrf0) =	vadd.scan.msk.s32 $0xffff, v19;
	v19 =	vadd.s32 v18, v6;
	vm0 =	vge.s32 v11, v2  }
0x226: {  	_ =	sdelay $0x1  }
0x227: {  	v6 =	vadd.s32 v12, v19  }
0x228: {  	v6 =	vadd.s32 v14, v6  }
0x229: {  	v10 =	vld [tilespmem:s21+$0x113F0];
	v6 =	vadd.s32 v15, v6  }
0x22a: {  	v12 =	vld [tilespmem:s21+$0x11BF0];
	v18 =	vperm.xlane v6, v3  }
0x22b: {  	v14 =	vld [tilespmem:s21+$0x123F0];
	v15 =	vsel vm0, $0x1, v0  }
0x22c: {  	v17 =	vld [tilespmem:s21+$0x12BF0];
	(xrf0) =	vadd.scan.msk.s32 $0xffff, v15  }
0x22d: {  	v13 =	vadd.s32 v13, v16;
	v16, _, _ =	vpop (xrf0);
	v15 =	vld [tilespmem:s21+$0x133F0]  }
0x22e: {  	v10 =	vadd.s32 v10, v13;
	(xrf0) =	vadd.scan.msk.s32 $0xffff, v18;
	s13 =	spop (v2sf);
	v18, _, _ =	vpop (xrf0);
	(v2sf) =	vpush v16, $0xF  }
0x22f: {  	v13 =	vld [tilespmem:s21+$0x13BF0];
	v10 =	vadd.s32 v12, v10;
	s18 =	spop (v2sf);
	(v2sf) =	vpush v18, $0xF  }
0x230: {  	v12 =	vld [tilespmem:s21+$0x143F0];
	v10 =	vadd.s32 v14, v10  }
0x231: {  	v14 =	vld [tilespmem:s21+$0x14BF0];
	(xrf0) =	vadd.scan.msk.s32 $0xffff, v6;
	v10 =	vadd.s32 v17, v10  }
0x232: {  	p0 =	por $0x1, $0x1;
	v17 =	vld [tilespmem:s21+$0x153F0];
	v10 =	vadd.s32 v15, v10;
	v15, _, _ =	vpop (xrf0);
	s22 =	spop (v2sf)  }
0x233: {  	s0 =	simm.s32 @!p0 $0x0;
	(v2sf) =	vpush v15, $0xF;
	s19 =	sadd.s32 $0xFFFFFFFF, s22  }
0x234: {  	p5 =	por !p4, !p4;
	v19 =	vld [tilespmem:s21+$0x15BF0];
	s0 =	simm.s32 @p0 $0x1;
	p0 =	sgt.s32 s11, $0xFFFFFFFF;
	v10 =	vadd.s32 v13, v10;
	v13 =	vmov s19  }
0x235: {  	v20 =	vld [tilespmem:s21+$0x163F0];
	p6 =	por !p0, !p5;
	p5 =	por $0x0, $0x0;
	v10 =	vadd.s32 v12, v10;
	vm1 =	veq.s32 v13, v1  }
.Ltmp20:
0x236: {  	s17 =	simm.s32 $0x0;
	s20 =	simm.s32 $0x0;
	v12 =	vld [tilespmem:s21+$0x16BF0];
	v16, _, _ =	vpop (xrf0);
	v10 =	vadd.s32 v14, v10;
	v13 =	vnsel vm1, $0x0, v9;
	(pc) =	sbr.rel @p5 .LBB2_56-.Ltmp20, $4  }
0x237: {  	s24 =	simm.s32 $0xFFFFFE40;
	p6 =	por !p6, !p6;
	v14 =	vld [tilespmem:s21+$0x173F0];
	v16 =	vperm.xlane v16, v3;
	s23 =	spop (v2sf);
	v10 =	vadd.s32 v17, v10;
	v17, _, _ =	vpop (xrf0);
	v18 =	vnsel vm1, $0x0, v7;
	(xrf0) =	vadd.scan.msk.s32 $0xffff, v13  }
0x238: {  	s18 =	ssub.s32 s13, s18;
	s13 =	simm.s32 $0xFFFFFFA0;
	v15 =	vld [tilespmem:s21+$0x17BF0];
	s14 =	sadd.s32 s14, s23;
	(v2sf) =	vpush v17, $0xF;
	(xrf0) =	vadd.scan.msk.s32 $0xffff, v18  }
0x239: {  	[smem:$0x7F6] =	sst s0;
	s17 =	smov.u32 @p6 s12;
	s20 =	smov.u32 @p6 s18;
	v19 =	vadd.s32 v19, v10;
	v10 =	vadd.s32 s14, v16;
	v16 =	vld [tilespmem:s13+$0x10BF0]  }
0x23a: {  	s18 =	simm.s32 $0x3CF;
	p6 =	por $0x0, $0x0;
	s23 =	sadd.s32 $0x3CF, s22;
	v19 =	vadd.s32 v20, v19;
	v13 =	vld [tilespmem:s13+$0x103F0];
	vm1 =	vge.s32 v10, v2  }
0x23b: {  	s22 =	smov.u32 s15;
	s21 =	smov.u32 s16;
	v17 =	vmov v11;
	v18 =	vmov v8  }
.LBB2_42:
0x23c: {  	p5 =	seq.s32 s24, $0xFFFFF040;
	v20 =	vld [tilespmem:s13+$0x113F0];
	v23 =	vadd.s32 v12, v19;
	v19 =	vsel vm1, $0x1, v0  }
0x23d: {  	p6 =	por p6, p0;
	v21 =	vld [tilespmem:s13+$0x11BF0];
	v22 =	vadd.s32 v14, v23;
	(xrf0) =	vadd.scan.msk.s32 $0xffff, v19  }
0x23e: {  	p0 =	sgt.s32 s22, $0xFFFFFFFF;
	p4 =	por !p6, !p6;
	v14 =	vld [tilespmem:s13+$0x123F0];
	v19 =	vadd.s32 v15, v22;
	v12, _, _ =	vpop (xrf0);
	s25 =	spop (v2sf)  }
0x23f: {  	s22 =	smov.u32 s19;
	p4 =	por !p0, !p4;
	v15 =	vld [tilespmem:s13+$0x12BF0];
	v22 =	vperm.xlane v19, v3;
	(v2sf) =	vpush v12, $0xF;
	v12, _, _ =	vpop (xrf0);
	s26 =	spop (v2sf)  }
0x240: {  	p4 =	por !p4, !p4;
	v13 =	vadd.s32 v13, v16;
	v16 =	vld [tilespmem:s13+$0x133F0];
	(v2sf) =	vpush v12, $0xF;
	s19 =	ssub.s32 s25, s26  }
0x241: {  	s17 =	smov.u32 @p4 s21;
	s21 =	smov.u32 s23;
	v12 =	vadd.s32 v20, v13;
	v13 =	vld [tilespmem:s13+$0x13BF0];
	(xrf0) =	vadd.scan.msk.s32 $0xffff, v22;
	s20 =	smov.u32 @p4 s19  }
0x242: {  	v12 =	vadd.s32 v21, v12;
	v20 =	vld [tilespmem:s13+$0x143F0];
	(xrf0) =	vadd.scan.msk.s32 $0xffff, v19  }
0x243: {  	s18 =	sadd.s32 $0xFFFFFFF0, s18;
	v12 =	vadd.s32 v14, v12;
	v14 =	vld [tilespmem:s13+$0x14BF0];
	v21, _, _ =	vpop (xrf0);
	s23 =	spop (v2sf)  }
0x244: {  	v12 =	vadd.s32 v15, v12;
	v15 =	vld [tilespmem:s13+$0x153F0];
	(v2sf) =	vpush v21, $0xF;
	s19 =	sadd.s32 $0xFFFFFFFF, s23;
	s23 =	sadd.s32 s18, s23  }
0x245: {  	v12 =	vadd.s32 v16, v12;
	v16 =	vld [tilespmem:s13+$0x15BF0];
	v21 =	vmov s19  }
0x246: {  	v12 =	vadd.s32 v13, v12;
	v22 =	vld [tilespmem:s13+$0x163F0];
	vm1 =	veq.s32 v21, v1  }
.Ltmp21:
0x247: {  	v23 =	vadd.s32 v20, v12;
	v12 =	vld [tilespmem:s13+$0x16BF0];
	v20, _, _ =	vpop (xrf0);
	v21 =	vnsel vm1, $0x0, v17;
	v17 =	vmov v10;
	(pc) =	sbr.rel @!p5 .LBB2_42-.Ltmp21, $4  }
0x248: {  	v10 =	vadd.s32 v14, v23;
	v14 =	vld [tilespmem:s13+$0x173F0];
	v20 =	vperm.xlane v20, v3;
	v13, _, _ =	vpop (xrf0);
	s25 =	spop (v2sf);
	v23 =	vnsel vm1, $0x0, v18;
	(xrf0) =	vadd.scan.msk.s32 $0xffff, v21  }
0x249: {  	v18 =	vmovc v6;
	v6 =	vmov v19;
	v10 =	vadd.s32 v15, v10;
	v15 =	vld [tilespmem:s13+$0x17BF0];
	s13 =	sshra.s32 s24, $0x2;
	(v2sf) =	vpush v13, $0xF;
	s14 =	sadd.s32 s14, s25;
	(xrf0) =	vadd.scan.msk.s32 $0xffff, v23  }
0x24a: {  	v13 =	vld [tilespmem:s13+$0x103F0];
	v19 =	vadd.s32 v16, v10;
	v10 =	vadd.s32 s14, v20  }
0x24b: {  	s24 =	sadd.s32 $0xFFFFFFC0, s24;
	v16 =	vld [tilespmem:s13+$0x10BF0];
	v19 =	vadd.s32 v22, v19;
	vm1 =	vge.s32 v10, v2  }
0x24c: {  	p3 =	por $0x1, $0x1  }
0x24d: {  	s0 =	simm.s32 @!p3 $0x0  }
0x24e: {  	s0 =	simm.s32 @p3 $0x1  }
0x24f: {  	p4 =	por $0x1, $0x1;
	s2 =	smov.u32 s31;
	[smem:$0x7F8] =	sst s0  }
.LBB2_44:
0x250: {  	v12 =	vadd.s32 @p1 v12, v19  }
0x251: {  	v49 =	vld [tilespmem:s13+$0x113F0];
	v12 =	vadd.s32 @p1 v14, v12  }
0x252: {  	v50 =	vld [tilespmem:s13+$0x11BF0];
	v12 =	vadd.s32 @p1 v15, v12  }
0x253: {  	v20 =	vld [tilespmem:s13+$0x123F0];
	v15 =	vsel @p2 vm1, $0x1, v0;
	v21 =	vperm.xlane @p1 v12, v3  }
0x254: {  	v51 =	vld [tilespmem:s13+$0x12BF0];
	s0 =	sld [smem:$0x7F7];
	(xrf0) =	vadd.scan.msk.s32 @p2 $0xffff, v15  }
0x255: {  	v13 =	vadd.s32 v13, v16;
	v52 =	vld [tilespmem:s13+$0x133F0];
	(xrf0) =	vadd.scan.msk.s32 @p1 $0xffff, v21  }
0x256: {  	v53 =	vld [tilespmem:s13+$0x13BF0];
	v13 =	vadd.s32 v49, v13;
	(xrf0) =	vadd.scan.msk.s32 @p1 $0xffff, v12  }
0x257: {  	v54 =	vld [tilespmem:s13+$0x143F0];
	s30 =	sld [smem:$0x7F6];
	p3 =	seq.s32 s0, $0x1;
	v13 =	vadd.s32 v50, v13  }
0x258: {  	v55 =	vld [tilespmem:s13+$0x14BF0];
	v21, _, _ =	vpop @p3 (xrf0);
	v13 =	vadd.s32 v20, v13  }
0x259: {  	v56 =	vld [tilespmem:s13+$0x153F0];
	v22, _, _ =	vpop @p3 (xrf0);
	v13 =	vadd.s32 v51, v13  }
0x25a: {  	v57 =	vld [tilespmem:s13+$0x15BF0];
	p5 =	seq.s32 s30, $0x1;
	(v2sf) =	vpush @p3 v21, $0xF;
	v21, _, _ =	vpop @p2 (xrf0);
	v13 =	vadd.s32 v52, v13  }
0x25b: {  	v58 =	vld [tilespmem:s13+$0x163F0];
	s26 =	spop @p5 (v2sf);
	(v2sf) =	vpush @p3 v22, $0xF;
	v13 =	vadd.s32 v53, v13;
	v22, _, _ =	vpop @p1 (xrf0)  }
0x25c: {  	v59 =	vld [tilespmem:s13+$0x16BF0];
	s28 =	spop @p5 (v2sf);
	(v2sf) =	vpush @p2 v21, $0xF;
	v13 =	vadd.s32 v54, v13;
	v21, _, _ =	vpop @p1 (xrf0)  }
0x25d: {  	v60 =	vld [tilespmem:s13+$0x173F0];
	s24 =	spop @p4 (v2sf);
	v13 =	vadd.s32 v55, v13;
	(v2sf) =	vpush @p1 v21, $0xF  }
0x25e: {  	v61 =	vld [tilespmem:s13+$0x17BF0];
	s29 =	spop @p2 (v2sf);
	v13 =	vadd.s32 v56, v13  }
0x25f: {  	s31 =	simm.s32 $0x0;
	s25 =	sadd.s32 @p4 $0xFFFFFFFF, s24;
	s13 =	sadd.s32 @p2 s14, s29;
	v21 =	vperm.xlane @p1 v22, v3;
	v13 =	vadd.s32 v57, v13  }
0x260: {  	v16 =	vmov @p4 s25;
	s31 =	smov.u32 @p2 s13;
	v13 =	vadd.s32 v58, v13  }
0x261: {  	vm1 =	veq.s32 @p4 v16, v1;
	v16 =	vadd.s32 @p1 s31, v21;
	v13 =	vadd.s32 v59, v13  }
0x262: {  	v14 =	vnsel @p4 vm1, $0x0, v17;
	vm2 =	vge.s32 @p1 v16, v2;
	v13 =	vadd.s32 v60, v13  }
0x263: {  	v17 =	vnsel @p4 vm1, $0x0, v18;
	(xrf0) =	vadd.scan.msk.s32 @p4 $0xffff, v14;
	vm0 =	vmmov @p1 vm2;
	v13 =	vadd.s32 v61, v13  }
0x264: {  	(xrf0) =	vadd.scan.msk.s32 @p4 $0xffff, v17;
	v14 =	vsel @p1 vm0, $0x1, v0;
	v15 =	vperm.xlane v13, v3  }
0x265: {  	(xrf0) =	vadd.scan.msk.s32 @p1 $0xffff, v14  }
0x266: {  	(xrf0) =	vadd.scan.msk.s32 $0xffff, v15;
	_ =	sdelay $0x2  }
0x267: {  	v14, _, _ =	vpop @p4 (xrf0);
	s29 =	spop @p3 (v2sf)  }
0x268: {  	s0 =	simm.s32 @!p5 $0x0;
	v15, _, _ =	vpop @p4 (xrf0);
	s30 =	spop @p3 (v2sf)  }
0x269: {  	s0 =	simm.s32 @p5 $0x1;
	v17, _, _ =	vpop @p1 (xrf0);
	s14 =	spop @p2 (v2sf)  }
0x26a: {  	[smem:$0x7F6] =	sst s0;
	v62, _, _ =	vpop (xrf0);
	s0 =	spop @p1 (v2sf)  }
0x26b: {  	v3 =	vperm.xlane v62, v3;
	s0 =	sadd.s32 @p1 s31, s0;
	s31 =	simm.s32 $0x0  }
0x26c: {  	s31 =	smov.u32 @p1 s0  }
0x26d: {  	v3 =	vadd.s32 s31, v3;
	s31 =	sld [smem:$0x7F8];
	_ =	sdelay $0x1  }
0x26e: {  	(xrf0) =	vadd.scan.msk.s32 $0xffff, v13;
	s13 =	sadd.s32 @p2 $0xFFFFFFFF, s14  }
0x26f: {  	v9 =	vpsel p2, v10, v9;
	(v2sf) =	vpush @p4 v14, $0xF;
	v14 =	vmov @p2 s13;
	p5 =	seq.s32 s31, $0x1  }
0x270: {  	(v2sf) =	vpush @p4 v15, $0xF;
	vm0 =	veq.s32 @p2 v14, v1;
	vm14 =	vge.s32 v3, v2;
	p6 =	por @p5 p6, p0;
	p0 =	por $0x0, $0x0  }
0x271: {  	v6 =	vpsel p2, v6, v7;
	v7 =	vnsel @p2 vm0, $0x0, v9;
	v2 =	vsel vm14, $0x1, v0;
	s31 =	sld [smem:$0x7F6];
	p6 =	por @!p5 p0, p0  }
0x272: {  	v6 =	vnsel @p2 vm0, $0x0, v6;
	(xrf0) =	vadd.scan.msk.s32 @p2 $0xffff, v7;
	s0 =	simm.s32 @!p6 $0x0  }
0x273: {  	(v2sf) =	vpush @p1 v17, $0xF;
	(xrf0) =	vadd.scan.msk.s32 @p2 $0xffff, v6;
	s0 =	simm.s32 @p6 $0x1  }
0x274: {  	(xrf0) =	vadd.scan.msk.s32 $0xffff, v2;
	v2, _, _ =	vpop (xrf0);
	p0 =	seq.s32 s31, $0x1;
	[smem:$0x7F4] =	sst s0  }
0x275: {  	(v2sf) =	vpush v2, $0xF;
	p6 =	sgt.s32 @p0 s22, $0xFFFFFFFF;
	s22 =	sld [smem:$0x7F4];
	_ =	sdelay $0x2  }
0x276: {  	v2, _, _ =	vpop @p2 (xrf0);
	p5 =	seq.s32 s22, $0x1  }
0x277: {  	(v2sf) =	vpush @p2 v2, $0xF;
	v2, _, _ =	vpop @p2 (xrf0);
	p5 =	por @p0 !p5, !p5  }
0x278: {  	(v2sf) =	vpush @p2 v2, $0xF;
	s0 =	ssub.s32 @p0 s26, s28;
	v2, _, _ =	vpop (xrf0);
	s26 =	sld [smem:$0x7F4];
	p5 =	por @p0 !p6, !p5  }
0x279: {  	s9 =	sand.u32 $0x3F0, s9;
	s15 =	smov.u32 @p4 s25;
	(v2sf) =	vpush v2, $0xF;
	p5 =	por @p0 !p5, !p5  }
0x27a: {  	s28 =	sld [smem:$0x7F6];
	p6 =	por @!p0 p0, p0;
	p5 =	por !p5, !p0  }
0x27b: {  	s21 =	smov.u32 @p5 s17;
	s0 =	smov.u32 @p5 s20;
	p5 =	seq.s32 s26, $0x1  }
0x27c: {  	s20 =	spop @p4 (v2sf);
	s17 =	smov.u32 @p3 s19;
	s19 =	smov.u32 s11  }
0x27d: {  	s26 =	smov.u32 s12;
	p6 =	por @p0 p5, p6;
	s22 =	spop @p4 (v2sf)  }
0x27e: {  	s19 =	smov.u32 @p3 s17;
	s17 =	simm.s32 $0x0;
	p5 =	por $0x0, $0x0  }
0x27f: {  	s17 =	smov.u32 @p0 s21;
	p6 =	por @!p0 p5, p5;
	p5 =	sgt.s32 @p3 s19, $0xFFFFFFFF  }
0x280: {  	s19 =	spop @p1 (v2sf);
	s21 =	simm.s32 @!p6 $0x0;
	p0 =	por @p3 !p6, !p6  }
0x281: {  	s21 =	simm.s32 @p6 $0x1;
	p6 =	seq.s32 s28, $0x1;
	s28 =	ssub.s32 @p3 s29, s30  }
0x282: {  	s30 =	spop (v2sf);
	[smem:$0x7F5] =	sst s21;
	s21 =	simm.s32 $0x0  }
0x283: {  	s21 =	smov.u32 @p6 s0;
	p6 =	por @p3 !p5, !p0;
	s0 =	smov.u32 @p3 s23  }
0x284: {  	s23 =	sadd.s32 @p3 $0xFFFFFFF0, s18;
	s18 =	sadd.s32 @p1 $0xFFFFFFFF, s19;
	p6 =	por @p3 !p6, !p6  }
0x285: {  	v63 =	vpsel p1, v16, v11;
	v2 =	vmov @p1 v12;
	s31 =	sld [smem:$0x7F5];
	s26 =	smov.u32 @p3 s0;
	v7 =	vmov @p1 s18;
	p6 =	por !p6, !p3  }
0x286: {  	v5 =	vpsel p1, v63, v5;
	v2 =	vpsel p1, v2, v8;
	s0 =	simm.s32 $0x3EF;
	vm0 =	veq.s32 @p1 v7, v1;
	s28 =	smov.u32 @p6 s21;
	s21 =	spop @p2 (v2sf)  }
0x287: {  	v2 =	vpsel p1, v2, v4;
	s0 =	smov.u32 @p3 s23;
	s26 =	smov.u32 @p6 s17;
	v4 =	vnsel @p1 vm0, $0x0, v5;
	s23 =	spop @p2 (v2sf)  }
0x288: {  	s17 =	sadd.s32 @p4 s0, s24;
	v2 =	vnsel @p1 vm0, $0x0, v2;
	s24 =	smov.u32 @p4 s15;
	(xrf0) =	vadd.scan.msk.s32 @p1 $0xffff, v4;
	s15 =	spop (v2sf)  }
0x289: {  	s25 =	simm.s32 $0x0;
	s11 =	smov.u32 @p2 s13;
	(xrf0) =	vadd.scan.msk.s32 @p1 $0xffff, v2;
	s29 =	sadd.s32 $0xFFFFFFFF, s15  }
0x28a: {  	s11 =	smov.u32 @p2 s11;
	p5 =	por @!p3 p0, p0;
	p0 =	seq.s32 s31, $0x1;
	v2 =	vmov s29  }
0x28b: {  	s0 =	sadd.s32 @p4 $0xFFFFFFF0, s0;
	p0 =	por @p3 p0, p5;
	p5 =	por $0x0, $0x0;
	vm15 =	veq.s32 v2, v1  }
0x28c: {  	s25 =	smov.u32 @p3 s26;
	s26 =	simm.s32 $0x0;
	p0 =	por @!p3 p5, p5;
	v1 =	vnsel vm15, $0x0, v3  }
0x28d: {  	s26 =	smov.u32 @p3 s28;
	p3 =	sgt.s32 @p4 s24, $0xFFFFFFFF;
	s24 =	simm.s32 $0x3EF  }
0x28e: {  	s16 =	smov.u32 @p4 s17;
	p5 =	por @p4 !p0, !p0;
	s24 =	smov.u32 @p4 s0;
	v3 =	vnsel vm15, $0x0, v13;
	v2, _, _ =	vpop @p1 (xrf0);
	(xrf0) =	vadd.scan.msk.s32 $0xffff, v1  }
0x28f: {  	s0 =	smov.u32 @p4 s16;
	s16 =	ssub.s32 @p4 s20, s22;
	s20 =	simm.s32 $0x3EF;
	v1, _, _ =	vpop @p1 (xrf0);
	(xrf0) =	vadd.scan.msk.s32 $0xffff, v3  }
0x290: {  	p5 =	por @p4 !p3, !p5;
	s0 =	smov.u32 @p4 s0;
	s14 =	sadd.s32 @p2 s24, s14  }
0x291: {  	s13 =	sadd.s32 @p2 $0xFFFFFFF0, s24;
	p3 =	por @!p4 p0, p0;
	p6 =	sgt.s32 s29, $0xFFFFFFFF  }
0x292: {  	p5 =	por @p4 !p5, !p5;
	s12 =	smov.u32 @p2 s14;
	s20 =	smov.u32 @p2 s13  }
0x293: {  	s14 =	simm.s32 $0x0;
	p0 =	por @p4 p0, p3;
	p3 =	sgt.s32 @p2 s11, $0xFFFFFFFF;
	(v2sf) =	vpush @p1 v2, $0xF  }
0x294: {  	s11 =	smov.u32 @p1 s18;
	p5 =	por !p5, !p4;
	s13 =	sadd.s32 @p1 s20, s19;
	(v2sf) =	vpush @p1 v1, $0xF;
	v1, _, _ =	vpop (xrf0)  }
0x295: {  	s0 =	smov.u32 @p5 s25;
	s16 =	smov.u32 @p5 s26;
	p5 =	por $0x0, $0x0;
	(v2sf) =	vpush v1, $0xF;
	v1, _, _ =	vpop (xrf0)  }
0x296: {  	s14 =	smov.u32 @p4 s0;
	s0 =	simm.s32 $0x0;
	p0 =	por @!p4 p5, p5;
	(v2sf) =	vpush v1, $0xF  }
0x297: {  	s12 =	smov.u32 @p2 s12;
	s0 =	smov.u32 @p4 s16;
	p4 =	por @p2 !p0, !p0  }
0x298: {  	s13 =	smov.u32 @p1 s13;
	p4 =	por @p2 !p3, !p4;
	p3 =	por @!p2 p0, p0  }
0x299: {  	s16 =	ssub.s32 @p2 s21, s23;
	p4 =	por @p2 !p4, !p4;
	p0 =	por @p2 p0, p3  }
0x29a: {  	p4 =	por !p4, !p2;
	p0 =	por @!p2 p5, p5;
	p5 =	por $0x0, $0x0  }
0x29b: {  	s12 =	smov.u32 @p4 s14;
	s16 =	smov.u32 @p4 s0;
	s0 =	smov.u32 @p1 s11  }
0x29c: {  	s11 =	smov.u32 @p1 s13;
	p4 =	por @p1 !p0, !p0;
	p3 =	sgt.s32 @p1 s0, $0xFFFFFFFF  }
0x29d: {  	s13 =	simm.s32 $0x0;
	s0 =	smov.u32 @p1 s11;
	p4 =	por @p1 !p3, !p4  }
0x29e: {  	s11 =	simm.s32 $0x0;
	p3 =	por @!p1 p0, p0;
	p4 =	por @p1 !p4, !p4  }
0x29f: {  	s11 =	smov.u32 @p2 s12;
	p0 =	por @p1 p0, p3;
	p4 =	por !p4, !p1  }
0x2a0: {  	p0 =	por @!p1 p5, p5;
	s0 =	smov.u32 @p4 s11;
	s11 =	sadd.s32 @p1 $0xFFFFFFF0, s20  }
0x2a1: {  	s13 =	smov.u32 @p2 s16;
	p0 =	por !p0, !p0;
	s10 =	smov.u32 @p1 s11  }
0x2a2: {  	s11 =	simm.s32 $0x0;
	p0 =	por !p6, !p0;
	s12 =	spop @p1 (v2sf)  }
0x2a3: {  	s10 =	sadd.s32 s10, s15;
	p0 =	por !p0, !p0;
	s14 =	spop @p1 (v2sf)  }
0x2a4: {  	s14 =	ssub.s32 @p1 s12, s14;
	s12 =	simm.s32 $0x0;
	s30 =	spop (v2sf)  }
0x2a5: {  	s14 =	smov.u32 @p4 s13;
	s12 =	smov.u32 @p1 s0;
	s31 =	spop (v2sf)  }
0x2a6: {  	s13 =	smov.u32 s2;
	s11 =	smov.u32 @p1 s14;
	s0 =	ssub.s32 s30, s31  }
0x2a7: {  	[tilespmem:s8+$0x0] =	vst v0;
	s12 =	smov.u32 @p0 s10;
	s10 =	simm.s32 $0x10;
	s11 =	smov.u32 @p0 s0  }
.LBB2_45:
0x2a8: {  	p0 =	seq.s32 s10, $0x3F0;
	[tilespmem:s9+$0x10800] =	vst v0  }
0x2a9: {  	[tilespmem:s9+$0x11000] =	vst v0  }
0x2aa: {  	[tilespmem:s9+$0x11800] =	vst v0  }
0x2ab: {  	[tilespmem:s9+$0x12000] =	vst v0  }
0x2ac: {  	[tilespmem:s9+$0x12800] =	vst v0  }
0x2ad: {  	[tilespmem:s9+$0x13000] =	vst v0  }
0x2ae: {  	[tilespmem:s9+$0x13800] =	vst v0  }
0x2af: {  	[tilespmem:s9+$0x14000] =	vst v0  }
0x2b0: {  	[tilespmem:s9+$0x14800] =	vst v0  }
0x2b1: {  	[tilespmem:s9+$0x15000] =	vst v0  }
0x2b2: {  	[tilespmem:s9+$0x15800] =	vst v0  }
.Ltmp22:
0x2b3: {  	[tilespmem:s9+$0x16000] =	vst v0;
	(pc) =	sbr.rel @!p0 .LBB2_45-.Ltmp22, $4  }
0x2b4: {  	[tilespmem:s9+$0x16800] =	vst v0  }
0x2b5: {  	[tilespmem:s9+$0x17000] =	vst v0  }
0x2b6: {  	s8 =	sadd.s32 $0x10, s8;
	[tilespmem:s9+$0x17800] =	vst v0  }
0x2b7: {  	s9 =	sand.u32 $0x3F0, s10;
	s10 =	sadd.s32 $0x10, s10;
	[tilespmem:s8+$0x0] =	vst v0  }
0x2b8: {  	[tilespmem:s9+$0x10800] =	vst v0  }
0x2b9: {  	[tilespmem:s9+$0x11000] =	vst v0  }
0x2ba: {  	[tilespmem:s9+$0x11800] =	vst v0  }
0x2bb: {  	[tilespmem:s9+$0x12000] =	vst v0  }
0x2bc: {  	[tilespmem:s9+$0x12800] =	vst v0  }
0x2bd: {  	[tilespmem:s9+$0x13000] =	vst v0  }
0x2be: {  	[tilespmem:s9+$0x13800] =	vst v0  }
0x2bf: {  	[tilespmem:s9+$0x14000] =	vst v0  }
0x2c0: {  	[tilespmem:s9+$0x14800] =	vst v0  }
0x2c1: {  	[tilespmem:s9+$0x15000] =	vst v0  }
0x2c2: {  	[tilespmem:s9+$0x15800] =	vst v0  }
0x2c3: {  	[tilespmem:s9+$0x16000] =	vst v0  }
0x2c4: {  	[tilespmem:s9+$0x16800] =	vst v0;
	s0 =	sshll.u32 s6, $0xA  }
0x2c5: {  	[tilespmem:s9+$0x17000] =	vst v0;
	s2 =	stileid.u32;
	v1 =	vlaneseq.u32;
	s6 =	sor.u32 s0, s12  }
0x2c6: {  	[tilespmem:s9+$0x17800] =	vst v0;
	s8 =	simm.s32 $0x0;
	v2 =	vimm.s32 $0x1;
	s9 =	simm.s32 $0x0;
	s10 =	simm.s32 $0x10000;
	v1 =	vmul.u32 $0x800, v1;
	v0 =	vmov s6  }
.LBB2_47:
0x2c7: {  	s0 =	sshra.s32 s9, $0x2  }
0x2c8: {  	v3 =	vld [tilespmem:s0+$0x0];
	_ =	sdelay $0x4  }
0x2c9: {  	v4 =	vshra.s32 v3, $0xA  }
0x2ca: {  	v3 =	vand.u32 $0x3FF, v3;
	vm0 =	veq.s32 v4, v0  }
0x2cb: {  	p0 =	sne.s32 s9, $0x3FFC0;
	v3 =	vor.u32 v1, v3  }
.Ltmp23:
0x2cc: {  	_ = 	snop;
	(pc) =	sbr.rel @p0 .LBB2_47-.Ltmp23, $2  }
0x2cd: {  	_ =	sdelay $0x2  }
0x2ce: {  	s9 =	sadd.s32 $0x40, s9;
	[tilespmem:v3+s10+$0x0] =	vst.idx.add.s32.msk vm0, v2  }
0x2cf: {  	s0 =	sand.u32 $0x3F0, s8;
	v1 =	vld [tilespmem:s10+$0x0]  }
0x2d0: {  	v0 =	vld [tilespmem:s0+$0x10800]  }
0x2d1: {  	v2 =	vld [tilespmem:s0+$0x11000]  }
0x2d2: {  	v3 =	vld [tilespmem:s0+$0x11800]  }
0x2d3: {  	v4 =	vld [tilespmem:s0+$0x12000]  }
0x2d4: {  	v5 =	vld [tilespmem:s0+$0x12800]  }
0x2d5: {  	v0 =	vadd.s32 v1, v0;
	v1 =	vld [tilespmem:s0+$0x13000]  }
0x2d6: {  	v0 =	vadd.s32 v2, v0;
	v2 =	vld [tilespmem:s0+$0x13800]  }
0x2d7: {  	v0 =	vadd.s32 v3, v0;
	v3 =	vld [tilespmem:s0+$0x14000]  }
0x2d8: {  	v60 =	vld [tilespmem:s0+$0x14800];
	v0 =	vadd.s32 v4, v0  }
0x2d9: {  	v61 =	vld [tilespmem:s0+$0x15000];
	v0 =	vadd.s32 v5, v0  }
0x2da: {  	v0 =	vadd.s32 v1, v0;
	v1 =	vld [tilespmem:s0+$0x15800]  }
0x2db: {  	v0 =	vadd.s32 v2, v0;
	v2 =	vld [tilespmem:s0+$0x16000]  }
0x2dc: {  	v0 =	vadd.s32 v3, v0;
	v3 =	vld [tilespmem:s0+$0x16800]  }
0x2dd: {  	v62 =	vld [tilespmem:s0+$0x17000];
	v0 =	vadd.s32 v60, v0  }
0x2de: {  	v63 =	vld [tilespmem:s0+$0x17800];
	v0 =	vadd.s32 v61, v0  }
0x2df: {  	v0 =	vadd.s32 v1, v0  }
0x2e0: {  	v0 =	vadd.s32 v2, v0  }
0x2e1: {  	v0 =	vadd.s32 v3, v0  }
0x2e2: {  	v0 =	vadd.s32 v62, v0  }
0x2e3: {  	s8 =	simm.s32 $0x18000;
	s31 =	simm.s32 $0x10;
	v0 =	vadd.s32 v63, v0  }
0x2e4: {  	s9 =	sand.u32 $0x3F0, s31;
	[tilespmem:s8+$0x0] =	vst v0  }
0x2e5: {  	s12 =	simm.s32 $0x20;
	s10 =	simm.s32 $0x10010;
	v0 =	vld [tilespmem:s9+$0x10800]  }
.LBB2_49:
0x2e6: {  	p0 =	sne.s32 s12, $0x3F0;
	v1 =	vld [tilespmem:s10+$0x0]  }
0x2e7: {  	v2 =	vld [tilespmem:s9+$0x11000]  }
0x2e8: {  	v3 =	vld [tilespmem:s9+$0x11800]  }
0x2e9: {  	v4 =	vld [tilespmem:s9+$0x12000]  }
0x2ea: {  	v5 =	vld [tilespmem:s9+$0x12800]  }
0x2eb: {  	v0 =	vadd.s32 v1, v0;
	v1 =	vld [tilespmem:s9+$0x13000]  }
0x2ec: {  	v0 =	vadd.s32 v2, v0;
	v2 =	vld [tilespmem:s9+$0x13800]  }
0x2ed: {  	v0 =	vadd.s32 v3, v0;
	v3 =	vld [tilespmem:s9+$0x14000]  }
0x2ee: {  	v0 =	vadd.s32 v4, v0;
	v4 =	vld [tilespmem:s9+$0x14800]  }
0x2ef: {  	v0 =	vadd.s32 v5, v0;
	v5 =	vld [tilespmem:s9+$0x15000]  }
0x2f0: {  	v0 =	vadd.s32 v1, v0;
	v1 =	vld [tilespmem:s9+$0x15800]  }
0x2f1: {  	v0 =	vadd.s32 v2, v0;
	v2 =	vld [tilespmem:s9+$0x16000]  }
0x2f2: {  	v0 =	vadd.s32 v3, v0;
	v3 =	vld [tilespmem:s9+$0x16800]  }
0x2f3: {  	v0 =	vadd.s32 v4, v0;
	v4 =	vld [tilespmem:s9+$0x17000]  }
0x2f4: {  	v0 =	vadd.s32 v5, v0;
	v5 =	vld [tilespmem:s9+$0x17800]  }
0x2f5: {  	v0 =	vadd.s32 v1, v0  }
0x2f6: {  	v0 =	vadd.s32 v2, v0  }
.Ltmp24:
0x2f7: {  	v0 =	vadd.s32 v3, v0;
	(pc) =	sbr.rel @p0 .LBB2_49-.Ltmp24, $4  }
0x2f8: {  	v0 =	vadd.s32 v4, v0  }
0x2f9: {  	s8 =	sadd.s32 $0x10, s8;
	v0 =	vadd.s32 v5, v0  }
0x2fa: {  	s9 =	sand.u32 $0x3F0, s12;
	[tilespmem:s8+$0x0] =	vst v0  }
0x2fb: {  	s10 =	sadd.s32 $0x10, s10;
	s12 =	sadd.s32 $0x10, s12;
	v0 =	vld [tilespmem:s9+$0x10800]  }
0x2fc: {  	v1 =	vld [tilespmem:s10+$0x0]  }
0x2fd: {  	v2 =	vld [tilespmem:s9+$0x11000]  }
0x2fe: {  	v3 =	vld [tilespmem:s9+$0x11800]  }
0x2ff: {  	v4 =	vld [tilespmem:s9+$0x12000]  }
0x300: {  	v5 =	vld [tilespmem:s9+$0x12800]  }
0x301: {  	v0 =	vadd.s32 v1, v0;
	v1 =	vld [tilespmem:s9+$0x13000]  }
0x302: {  	v0 =	vadd.s32 v2, v0;
	v2 =	vld [tilespmem:s9+$0x13800]  }
0x303: {  	v0 =	vadd.s32 v3, v0;
	v3 =	vld [tilespmem:s9+$0x14000]  }
0x304: {  	v0 =	vadd.s32 v4, v0;
	v4 =	vld [tilespmem:s9+$0x14800]  }
0x305: {  	v0 =	vadd.s32 v5, v0;
	v5 =	vld [tilespmem:s9+$0x15000]  }
0x306: {  	v0 =	vadd.s32 v1, v0;
	v1 =	vld [tilespmem:s9+$0x15800]  }
0x307: {  	v0 =	vadd.s32 v2, v0;
	v2 =	vld [tilespmem:s9+$0x16000]  }
0x308: {  	v0 =	vadd.s32 v3, v0;
	v3 =	vld [tilespmem:s9+$0x16800]  }
0x309: {  	v0 =	vadd.s32 v4, v0;
	v4 =	vld [tilespmem:s9+$0x17000]  }
0x30a: {  	v0 =	vadd.s32 v5, v0;
	v5 =	vld [tilespmem:s9+$0x17800]  }
0x30b: {  	v0 =	vadd.s32 v1, v0  }
0x30c: {  	v0 =	vadd.s32 v2, v0  }
0x30d: {  	v0 =	vadd.s32 v3, v0  }
0x30e: {  	v0 =	vadd.s32 v4, v0  }
0x30f: {  	s0 =	sadd.s32 $0x10, s8;
	v0 =	vadd.s32 v5, v0  }
0x310: {  	s19 =	simm.s32 $0x18000;
	s20 =	simm.s32 $0x1;
	[tilespmem:s0+$0x0] =	vst v0  }
0x311: {  	[spmem:s5] =	stream.linear.scatter [tilespmem:s19], [sflag:$0x1], $0x400, $0x38;
	[tilespmem:$0x19210] =	vst v63  }
0x312: {  	_ =	swait.ge [sflag:s20], $0x400  }
0x313: {  	[sflag:s20] =	ssyncset.done $0x0  }
0x314: {  	[sflag:s20] =	ssyncadd.s32 $0xFFFFFC00  }
0x315: {  	s21 =	simm.s32 $0x10000;
	[bflag:$0x0] =	sbarrier.arrive $0xFFFF  }
0x316: {  	[tilespmem:s21], [sflag:$0x1] =	stream.linear.gather [spmem:s4], $0x8000, $0x38;
	[tilespmem:$0x19210] =	vst v63  }
0x317: {  	_ =	swait.ge [sflag:s20], $0x8000  }
0x318: {  	[sflag:s20] =	ssyncset.done $0x0  }
0x319: {  	[sflag:s20] =	ssyncadd.s32 $0xFFFF8000  }
0x31a: {  	s22 =	simm.s32 $0x0;
	[bflag:$0x0] =	sbarrier.arrive $0xFFFF  }
0x31b: {  	v0 =	vld [tilespmem:s22+$0x103F0]  }
0x31c: {  	v1 =	vld [tilespmem:s22+$0x10BF0]  }
0x31d: {  	v2 =	vld [tilespmem:s22+$0x113F0]  }
0x31e: {  	v3 =	vld [tilespmem:s22+$0x11BF0]  }
0x31f: {  	v4 =	vld [tilespmem:s22+$0x123F0]  }
0x320: {  	v5 =	vld [tilespmem:s22+$0x12BF0]  }
0x321: {  	v6 =	vld [tilespmem:s22+$0x133F0]  }
0x322: {  	v7 =	vld [tilespmem:s22+$0x13BF0]  }
0x323: {  	v8 =	vld [tilespmem:s22+$0x143F0];
	v0 =	vadd.s32 v0, v1  }
0x324: {  	v1 =	vld [tilespmem:s22+$0x14BF0];
	v0 =	vadd.s32 v2, v0  }
0x325: {  	v2 =	vld [tilespmem:s22+$0x153F0];
	v0 =	vadd.s32 v3, v0  }
0x326: {  	v3 =	vld [tilespmem:s22+$0x15BF0];
	v0 =	vadd.s32 v4, v0  }
0x327: {  	v4 =	vld [tilespmem:s22+$0x163F0];
	v0 =	vadd.s32 v5, v0  }
0x328: {  	v5 =	vld [tilespmem:s22+$0x16BF0];
	v0 =	vadd.s32 v6, v0  }
0x329: {  	v6 =	vld [tilespmem:s22+$0x173F0];
	v0 =	vadd.s32 v7, v0  }
0x32a: {  	s23 =	simm.s32 $0xFFFFFFF0;
	v7 =	vld [tilespmem:s22+$0x17BF0];
	v0 =	vadd.s32 v8, v0  }
0x32b: {  	v8 =	vld [tilespmem:s23+$0x103F0];
	v0 =	vadd.s32 v1, v0  }
0x32c: {  	v1 =	vld [tilespmem:s23+$0x10BF0];
	v0 =	vadd.s32 v2, v0  }
0x32d: {  	v2 =	vld [tilespmem:s23+$0x113F0];
	v0 =	vadd.s32 v3, v0  }
0x32e: {  	v9 =	vlaneseq.u32;
	v3 =	vld [tilespmem:s23+$0x11BF0];
	v0 =	vadd.s32 v4, v0  }
0x32f: {  	v9 =	vmul.u32 $0xFFFFFFFF, v9;
	v4 =	vld [tilespmem:s23+$0x123F0];
	v0 =	vadd.s32 v5, v0  }
0x330: {  	v5 =	vld [tilespmem:s23+$0x12BF0];
	v6 =	vadd.s32 v6, v0  }
0x331: {  	v1 =	vadd.s32 v8, v1;
	v8 =	vld [tilespmem:s23+$0x133F0];
	v0 =	vadd.s32 $0xF, v9;
	v6 =	vadd.s32 v7, v6  }
0x332: {  	v1 =	vadd.s32 v2, v1;
	v2 =	vld [tilespmem:s23+$0x13BF0];
	v7 =	vperm.xlane v6, v0  }
0x333: {  	v1 =	vadd.s32 v3, v1;
	v3 =	vld [tilespmem:s23+$0x143F0]  }
0x334: {  	v1 =	vadd.s32 v4, v1;
	v4 =	vld [tilespmem:s23+$0x14BF0];
	(xrf0) =	vadd.scan.msk.s32 $0xffff, v7  }
0x335: {  	v1 =	vadd.s32 v5, v1;
	v5 =	vld [tilespmem:s23+$0x153F0];
	(xrf0) =	vadd.scan.msk.s32 $0xffff, v6  }
0x336: {  	s24 =	simm.s32 $0xFFFFFFE0;
	v1 =	vadd.s32 v8, v1;
	v6 =	vld [tilespmem:s23+$0x15BF0]  }
0x337: {  	v9 =	vld [tilespmem:s24+$0x10BF0];
	v1 =	vadd.s32 v2, v1  }
0x338: {  	v2 =	vld [tilespmem:s23+$0x163F0];
	v1 =	vadd.s32 v3, v1  }
0x339: {  	v3 =	vld [tilespmem:s23+$0x16BF0];
	v1 =	vadd.s32 v4, v1  }
0x33a: {  	v4 =	vld [tilespmem:s23+$0x173F0];
	v1 =	vadd.s32 v5, v1;
	v7, _, _ =	vpop (xrf0)  }
0x33b: {  	v5 =	vld [tilespmem:s23+$0x17BF0];
	v1 =	vadd.s32 v6, v1;
	v6 =	vperm.xlane v7, v0;
	v7, _, _ =	vpop (xrf0)  }
0x33c: {  	v8 =	vld [tilespmem:s24+$0x103F0];
	(v2sf) =	vpush v7, $0xF  }
0x33d: {  	s25 =	ssub.s32 s7, s11;
	s4 =	simm.s32 $0x0;
	v1 =	vadd.s32 v2, v1;
	v7 =	vld [tilespmem:s24+$0x113F0]  }
0x33e: {  	v2 =	vadd.s32 v3, v1;
	v1 =	vmov s25;
	v3 =	vadd.s32 s4, v6;
	v6 =	vld [tilespmem:s24+$0x11BF0]  }
0x33f: {  	v4 =	vadd.s32 v4, v2;
	v2 =	vimm.s32 $0x0;
	vm0 =	vge.s32 v3, v1;
	v3 =	vld [tilespmem:s24+$0x123F0]  }
0x340: {  	v10 =	vld [tilespmem:s24+$0x12BF0];
	v4 =	vadd.s32 v5, v4;
	v5 =	vsel vm0, $0x1, v2  }
0x341: {  	v11 =	vperm.xlane v4, v0;
	(xrf0) =	vadd.scan.msk.s32 $0xffff, v5;
	v5 =	vadd.s32 v8, v9;
	v8 =	vld [tilespmem:s24+$0x133F0]  }
0x342: {  	v5 =	vadd.s32 v7, v5;
	v7 =	vld [tilespmem:s24+$0x13BF0]  }
0x343: {  	(xrf0) =	vadd.scan.msk.s32 $0xffff, v11;
	v5 =	vadd.s32 v6, v5;
	v6 =	vld [tilespmem:s24+$0x143F0]  }
0x344: {  	(xrf0) =	vadd.scan.msk.s32 $0xffff, v4;
	v4 =	vld [tilespmem:s24+$0x14BF0];
	v3 =	vadd.s32 v3, v5  }
0x345: {  	v5 =	vld [tilespmem:s24+$0x153F0];
	v3 =	vadd.s32 v10, v3  }
0x346: {  	v3 =	vadd.s32 v8, v3;
	v8 =	vld [tilespmem:s24+$0x15BF0]  }
0x347: {  	v3 =	vadd.s32 v7, v3;
	v7 =	vld [tilespmem:s24+$0x163F0]  }
0x348: {  	v3 =	vadd.s32 v6, v3;
	v6 =	vld [tilespmem:s24+$0x16BF0]  }
0x349: {  	v9, _, _ =	vpop (xrf0);
	v3 =	vadd.s32 v4, v3;
	v4 =	vld [tilespmem:s24+$0x173F0]  }
0x34a: {  	(v2sf) =	vpush v9, $0xF;
	v9, _, _ =	vpop (xrf0);
	v3 =	vadd.s32 v5, v3;
	v5 =	vld [tilespmem:s24+$0x17BF0]  }
0x34b: {  	v10, _, _ =	vpop (xrf0);
	v3 =	vadd.s32 v8, v3;
	v8 =	vperm.xlane v9, v0;
	s28 =	spop (v2sf)  }
0x34c: {  	s26 =	simm.s32 $0xFFFFFFD0;
	(v2sf) =	vpush v10, $0xF;
	v3 =	vadd.s32 v7, v3;
	s0 =	sadd.s32 $0x0, s28  }
0x34d: {  	v10 =	vld [tilespmem:s26+$0x103F0];
	v3 =	vadd.s32 v6, v3;
	v6 =	vadd.s32 s0, v8  }
0x34e: {  	v9 =	vld [tilespmem:s26+$0x10BF0];
	v3 =	vadd.s32 v4, v3;
	vm15 =	vge.s32 v6, v1  }
0x34f: {  	v7 =	vld [tilespmem:s26+$0x113F0];
	v3 =	vadd.s32 v5, v3;
	v5 =	vsel vm15, $0x1, v2  }
0x350: {  	v8 =	vld [tilespmem:s26+$0x11BF0];
	(xrf0) =	vadd.scan.msk.s32 $0xffff, v5  }
0x351: {  	v4 =	vld [tilespmem:s26+$0x123F0]  }
0x352: {  	v6 =	vld [tilespmem:s26+$0x12BF0];
	v11 =	vperm.xlane v3, v0  }
0x353: {  	v5 =	vadd.s32 v10, v9;
	v9 =	vld [tilespmem:s26+$0x133F0]  }
0x354: {  	v5 =	vadd.s32 v7, v5;
	v7 =	vld [tilespmem:s26+$0x13BF0];
	(xrf0) =	vadd.scan.msk.s32 $0xffff, v11  }
0x355: {  	v5 =	vadd.s32 v8, v5;
	v8 =	vld [tilespmem:s26+$0x143F0];
	(xrf0) =	vadd.scan.msk.s32 $0xffff, v3  }
0x356: {  	v3 =	vadd.s32 v4, v5;
	v5 =	vld [tilespmem:s26+$0x14BF0];
	v10, _, _ =	vpop (xrf0)  }
0x357: {  	v3 =	vadd.s32 v6, v3;
	v6 =	vld [tilespmem:s26+$0x153F0];
	(v2sf) =	vpush v10, $0xF  }
0x358: {  	v3 =	vadd.s32 v9, v3;
	v9 =	vld [tilespmem:s26+$0x15BF0]  }
0x359: {  	v4 =	vadd.s32 v7, v3;
	v3 =	vld [tilespmem:s26+$0x163F0]  }
0x35a: {  	p0 =	por $0x0, $0x0;
	s8 =	simm.s32 $0xFFFFFFC0;
	s29 =	spop (v2sf);
	v7 =	vadd.s32 v8, v4;
	v4 =	vld [tilespmem:s26+$0x16BF0];
	v8, _, _ =	vpop (xrf0)  }
0x35b: {  	s30 =	sadd.s32 $0xFFFFFFFF, s29;
	s9 =	sadd.s32 $0x3EF, s29;
	v7 =	vadd.s32 v5, v7;
	v5 =	vld [tilespmem:s26+$0x173F0];
	v8 =	vperm.xlane v8, v0;
	s31 =	spop (v2sf);
	v10, _, _ =	vpop (xrf0)  }
0x35c: {  	p1 =	sgt.s32 s30, $0xFFFFFFFF;
	s9 =	smov.u32 @p0 s4;
	v11 =	vadd.s32 v6, v7;
	v6 =	vld [tilespmem:s26+$0x17BF0];
	s7 =	sadd.s32 s0, s31;
	(v2sf) =	vpush v10, $0xF  }
0x35d: {  	s5 =	simm.s32 $0x3EF;
	s4 =	smov.u32 @p1 s9;
	v7 =	vld [tilespmem:s8+$0x103F0];
	s9 =	simm.s32 $0xFFFFFEC0;
	v9 =	vadd.s32 v9, v11;
	v8 =	vadd.s32 s7, v8  }
.LBB2_51:
0x35e: {  	p2 =	sne.s32 s9, $0xFFFFF040;
	v10 =	vld [tilespmem:s8+$0x10BF0];
	v3 =	vadd.s32 v3, v9;
	vm0 =	vge.s32 v8, v1  }
0x35f: {  	v8 =	vld [tilespmem:s8+$0x113F0];
	v3 =	vadd.s32 v4, v3;
	v4 =	vsel vm0, $0x1, v2  }
0x360: {  	v9 =	vld [tilespmem:s8+$0x11BF0];
	v3 =	vadd.s32 v5, v3;
	(xrf0) =	vadd.scan.msk.s32 $0xffff, v4  }
0x361: {  	v4 =	vld [tilespmem:s8+$0x123F0];
	v3 =	vadd.s32 v6, v3  }
0x362: {  	v5 =	vld [tilespmem:s8+$0x12BF0];
	v6 =	vperm.xlane v3, v0  }
0x363: {  	v7 =	vadd.s32 v7, v10;
	v10 =	vld [tilespmem:s8+$0x133F0]  }
0x364: {  	v7 =	vadd.s32 v8, v7;
	v8 =	vld [tilespmem:s8+$0x13BF0];
	(xrf0) =	vadd.scan.msk.s32 $0xffff, v6  }
0x365: {  	v6 =	vadd.s32 v9, v7;
	v7 =	vld [tilespmem:s8+$0x143F0];
	(xrf0) =	vadd.scan.msk.s32 $0xffff, v3  }
0x366: {  	s5 =	sadd.s32 $0xFFFFFFF0, s5;
	v3 =	vadd.s32 v4, v6;
	v6 =	vld [tilespmem:s8+$0x14BF0];
	v4, _, _ =	vpop (xrf0);
	s0 =	spop (v2sf)  }
0x367: {  	p0 =	por p0, p1;
	v3 =	vadd.s32 v5, v3;
	v9 =	vld [tilespmem:s8+$0x153F0];
	(v2sf) =	vpush v4, $0xF;
	s10 =	sadd.s32 $0xFFFFFFFF, s0;
	s0 =	sadd.s32 s5, s0  }
0x368: {  	v3 =	vadd.s32 v10, v3;
	v10 =	vld [tilespmem:s8+$0x15BF0];
	p1 =	sgt.s32 s10, $0xFFFFFFFF;
	s0 =	smov.u32 @p0 s4  }
.Ltmp25:
0x369: {  	v4 =	vadd.s32 v8, v3;
	v3 =	vld [tilespmem:s8+$0x163F0];
	s4 =	smov.u32 @p1 s0;
	(pc) =	sbr.rel @p2 .LBB2_51-.Ltmp25, $4  }
0x36a: {  	v5 =	vadd.s32 v7, v4;
	v4 =	vld [tilespmem:s8+$0x16BF0];
	v7, _, _ =	vpop (xrf0)  }
0x36b: {  	v6 =	vadd.s32 v6, v5;
	v5 =	vld [tilespmem:s8+$0x173F0];
	v8 =	vperm.xlane v7, v0;
	v7, _, _ =	vpop (xrf0);
	s0 =	spop (v2sf)  }
0x36c: {  	v9 =	vadd.s32 v9, v6;
	v6 =	vld [tilespmem:s8+$0x17BF0];
	s8 =	sshra.s32 s9, $0x2;
	(v2sf) =	vpush v7, $0xF;
	s7 =	sadd.s32 s7, s0  }
0x36d: {  	s9 =	sadd.s32 $0xFFFFFFC0, s9;
	v7 =	vld [tilespmem:s8+$0x103F0];
	v9 =	vadd.s32 v10, v9;
	v8 =	vadd.s32 s7, v8  }
0x36e: {  	v10 =	vld [tilespmem:s8+$0x10BF0];
	v3 =	vadd.s32 v3, v9  }
0x36f: {  	v57 =	vld [tilespmem:s8+$0x113F0];
	v3 =	vadd.s32 v4, v3  }
0x370: {  	v4 =	vld [tilespmem:s8+$0x11BF0];
	v3 =	vadd.s32 v5, v3  }
0x371: {  	vm0 =	vge.s32 v8, v1;
	v5 =	vld [tilespmem:s8+$0x123F0];
	v3 =	vadd.s32 v6, v3  }
0x372: {  	v58 =	vld [tilespmem:s8+$0x12BF0];
	v6 =	vsel vm0, $0x1, v2;
	v11 =	vperm.xlane v3, v0  }
0x373: {  	(xrf0) =	vadd.scan.msk.s32 $0xffff, v6;
	v6 =	vadd.s32 v7, v10;
	v7 =	vld [tilespmem:s8+$0x133F0]  }
0x374: {  	v59 =	vld [tilespmem:s8+$0x13BF0];
	v6 =	vadd.s32 v57, v6;
	(xrf0) =	vadd.scan.msk.s32 $0xffff, v11  }
0x375: {  	v4 =	vadd.s32 v4, v6;
	v6 =	vld [tilespmem:s8+$0x143F0];
	(xrf0) =	vadd.scan.msk.s32 $0xffff, v3  }
0x376: {  	v3 =	vadd.s32 v5, v4;
	v4 =	vld [tilespmem:s8+$0x14BF0]  }
0x377: {  	v5 =	vld [tilespmem:s8+$0x153F0];
	v3 =	vadd.s32 v58, v3  }
0x378: {  	v3 =	vadd.s32 v7, v3;
	v7 =	vld [tilespmem:s8+$0x15BF0]  }
0x379: {  	v61 =	vld [tilespmem:s8+$0x163F0];
	v60, _, _ =	vpop (xrf0);
	v3 =	vadd.s32 v59, v3  }
0x37a: {  	v3 =	vadd.s32 v6, v3;
	v6 =	vld [tilespmem:s8+$0x16BF0];
	v62, _, _ =	vpop (xrf0)  }
0x37b: {  	(v2sf) =	vpush v60, $0xF;
	v3 =	vadd.s32 v4, v3;
	v4 =	vld [tilespmem:s8+$0x173F0];
	v63, _, _ =	vpop (xrf0)  }
0x37c: {  	v3 =	vadd.s32 v5, v3;
	v5 =	vld [tilespmem:s8+$0x17BF0];
	(v2sf) =	vpush v63, $0xF  }
0x37d: {  	s0 =	spop (v2sf);
	v3 =	vadd.s32 v7, v3  }
0x37e: {  	s20 =	spop (v2sf);
	v7 =	vperm.xlane v62, v0;
	v3 =	vadd.s32 v61, v3  }
0x37f: {  	s7 =	sadd.s32 s7, s20;
	v3 =	vadd.s32 v6, v3  }
0x380: {  	v6 =	vadd.s32 s7, v7;
	v3 =	vadd.s32 v4, v3  }
0x381: {  	vm14 =	vge.s32 v6, v1;
	v3 =	vadd.s32 v5, v3  }
0x382: {  	v4 =	vsel vm14, $0x1, v2;
	v5 =	vperm.xlane v3, v0  }
0x383: {  	(xrf0) =	vadd.scan.msk.s32 $0xffff, v4  }
0x384: {  	(xrf0) =	vadd.scan.msk.s32 $0xffff, v5;
	_ =	sdelay $0x4  }
0x385: {  	v4, _, _ =	vpop (xrf0)  }
0x386: {  	s21 =	spop (v2sf);
	v5, _, _ =	vpop (xrf0)  }
0x387: {  	v0 =	vperm.xlane v5, v0;
	s9 =	spop (v2sf)  }
0x388: {  	s7 =	sadd.s32 s7, s9  }
0x389: {  	v0 =	vadd.s32 s7, v0  }
0x38a: {  	vm15 =	vge.s32 v0, v1  }
0x38b: {  	(xrf0) =	vadd.scan.msk.s32 $0xffff, v3;
	v0 =	vsel vm15, $0x1, v2  }
0x38c: {  	(xrf0) =	vadd.scan.msk.s32 $0xffff, v0;
	_ =	sdelay $0x3  }
0x38d: {  	(v2sf) =	vpush v4, $0xF  }
0x38e: {  	v0, _, _ =	vpop (xrf0)  }
0x38f: {  	(v2sf) =	vpush v0, $0xF;
	v0, _, _ =	vpop (xrf0)  }
0x390: {  	(v2sf) =	vpush v0, $0xF;
	_ =	sdelay $0x6  }
0x391: {  	s5 =	sadd.s32 $0xFFFFFFF0, s5  }
0x392: {  	p0 =	por p0, p1;
	s22 =	sadd.s32 $0xFFFFFFFF, s0;
	s0 =	sadd.s32 s5, s0  }
0x393: {  	s23 =	sadd.s32 $0xFFFFFFF0, s5;
	p1 =	sgt.s32 s22, $0xFFFFFFFF;
	s0 =	smov.u32 @p0 s4  }
0x394: {  	s4 =	smov.u32 @p1 s0;
	p0 =	por p0, p1;
	s24 =	sadd.s32 $0xFFFFFFFF, s21  }
0x395: {  	s0 =	sadd.s32 $0xFFFFFFF0, s23;
	p1 =	sgt.s32 s24, $0xFFFFFFFF;
	s7 =	sadd.s32 s23, s21  }
0x396: {  	s7 =	smov.u32 @p0 s4;
	p0 =	por p0, p1;
	s25 =	spop (v2sf)  }
0x397: {  	s4 =	smov.u32 @p1 s7;
	s26 =	sadd.s32 $0xFFFFFFFF, s25;
	s5 =	sadd.s32 s0, s25  }
0x398: {  	p1 =	sgt.s32 s26, $0xFFFFFFFF;
	s5 =	smov.u32 @p0 s4;
	s28 =	spop (v2sf)  }
0x399: {  	s0 =	sadd.s32 $0xFFFFFFF0, s0;
	s4 =	smov.u32 @p1 s5;
	s29 =	spop (v2sf)  }
0x39a: {  	p0 =	por p0, p1;
	s7 =	sadd.s32 $0xFFFFFFFF, s29;
	s0 =	sadd.s32 s0, s29  }
0x39b: {  	p1 =	sgt.s32 s7, $0xFFFFFFFF;
	s0 =	smov.u32 @p0 s4  }
0x39c: {  	s30 =	sshll.u32 s6, $0xA;
	s31 =	simm.s32 $0x0;
	s4 =	smov.u32 @p1 s0  }
0x39d: {  	v3 =	vimm.s32 $0x0;
	v2 =	vld [tilespmem:s31+$0x0];
	s0 =	sor.u32 s30, s4  }
0x39e: {  	v4 =	vimm.s32 $0x0;
	v0 =	vimm.f32 $0.0e+00;
	s4 =	simm.s32 $0x40;
	v1 =	vmov s0  }
.LBB2_53:
0x39f: {  	p0 =	sne.s32 s4, $0x3FFC0  }
.Ltmp26:
0x3a0: {  	_ = 	snop;
	(pc) =	sbr.rel @p0 .LBB2_53-.Ltmp26, $4  }
0x3a1: {  	_ = 	snop  }
0x3a2: {  	s0 =	sshra.s32 s4, $0x2;
	s4 =	sadd.s32 $0x40, s4;
	vm0 =	vle.s32 v1, v2  }
0x3a3: {  	v5 =	vnsel vm0, $0x0, v2;
	v2 =	vld [tilespmem:s0+$0x0];
	v6 =	vsel vm0, $0x1, v3  }
0x3a4: {  	v0 =	vadd.f32 v5, v0;
	v4 =	vadd.s32 v6, v4  }
0x3a5: {  	_ =	sdelay $0x2  }
0x3a6: {  	vm0 =	vle.s32 v1, v2  }
0x3a7: {  	v1 =	vsel vm0, $0x1, v3  }
0x3a8: {  	v1 =	vadd.s32 v1, v4  }
0x3a9: {  	(xrf0) =	vadd.scan.msk.s32 $0xffff, v1;
	_ =	sdelay $0x5  }
0x3aa: {  	v1, _, _ =	vpop (xrf0)  }
0x3ab: {  	(v2sf) =	vpush v1, $0xF;
	_ =	sdelay $0x3  }
0x3ac: {  	v62 =	vnsel vm0, $0x0, v2  }
0x3ad: {  	v0 =	vadd.f32 v62, v0;
	_ =	sdelay $0x1  }
0x3ae: {  	(xrf2) =	vadd.scan.msk.f32 $0xffff, v0;
	_ =	sdelay $0x7  }
0x3af: {  	s0 =	spop (v2sf)  }
0x3b0: {  	s0 =	scvt.s32.f32 s0  }
0x3b1: {  	v0, _, _ =	vpop (xrf2)  }
0x3b2: {  	vm0 =	vcmask $0x704;
	v0 =	vbroadcast v0, $0xF;
	v63 =	vmov s0  }
0x3b3: {  	v1 =	vnsel vm0, $0x0, v63;
	vm0 =	vmmov $0x1  }
0x3b4: {  	s31 =	sshll.u32 s2, $0x4;
	v0 =	vsel vm0, v0, v1  }
0x3b5: {  	s4 =	simm.s32 $0x18800;
	s0 =	sadd.s32 s31, s13;
	[tilespmem:$0x18800] =	vst v0  }
0x3b6: {  	[spmem:s0] =	stream.linear.scatter [tilespmem:s4], [sflag:$0x1], $0x10, $0x38;
	[tilespmem:$0x19210] =	vst v63  }
0x3b7: {  	s4 =	simm.s32 $0x1  }
0x3b8: {  	_ =	swait.ge [sflag:s4], $0x10  }
0x3b9: {  	[sflag:s4] =	ssyncset.done $0x0  }
0x3ba: {  	[sflag:s4] =	ssyncadd.s32 $0xFFFFFFF0  }
0x3bb: {  	p0 =	sne.s32 s2, $0x0;
	[bflag:$0x0] =	sbarrier.arrive $0xFFFF  }
0x3bc: {  	_ =	sfence.sel @p0 $0x180000  }
0x3bd: {  	[bflag:$0x0] =	sbarrier.arrive @p0 $0xFFFF  }
0x3be: {  	_ =	strace @p0 $0x90000047  }
0x3bf: {  	[bflag:$0x2] =	sbarrier.arrive @p0 $0xFFFF  }
0x3c0: {  	_ =	shalt @p0  }
.Ltmp27:
0x3c1: {  	_ = 	snop;
	(pc) =	sbr.rel .LBB2_57-.Ltmp27, $4  }
0x3c2: {  	_ = 	snop  }
0x3c3: {  	_ = 	snop  }
0x3c4: {  	_ = 	snop  }
0x3c5: {  	_ = 	snop  }
.LBB2_57:
0x3c6: {  	s0 =	simm.s32 $0x18880  }
0x3c7: {  	[tilespmem:s0], [sflag:$0x1] =	stream.linear.gather [spmem:s13], $0x100, $0x38;
	[tilespmem:$0x19210] =	vst v63  }
0x3c8: {  	_ =	swait.ge [sflag:s4], $0x100  }
0x3c9: {  	[sflag:s4] =	ssyncset.done $0x0  }
0x3ca: {  	[sflag:s4] =	ssyncadd.s32 $0xFFFFFF00  }
0x3cb: {  	v0 =	vld [tilespmem:$0x18880]  }
0x3cc: {  	v1 =	vld [tilespmem:$0x18890];
	_ =	sdelay $0x1  }
0x3cd: {  	v2 =	vld [tilespmem:$0x188A0];
	_ =	sdelay $0x1  }
0x3ce: {  	v3 =	vld [tilespmem:$0x188B0]  }
0x3cf: {  	v0 =	vadd.f32 v1, v0  }
0x3d0: {  	v49 =	vld [tilespmem:$0x188C0]  }
0x3d1: {  	v0 =	vadd.f32 v2, v0  }
0x3d2: {  	v50 =	vld [tilespmem:$0x188D0]  }
0x3d3: {  	v0 =	vadd.f32 v3, v0  }
0x3d4: {  	v51 =	vld [tilespmem:$0x188E0]  }
0x3d5: {  	v0 =	vadd.f32 v49, v0  }
0x3d6: {  	v52 =	vld [tilespmem:$0x188F0]  }
0x3d7: {  	v0 =	vadd.f32 v50, v0  }
0x3d8: {  	v53 =	vld [tilespmem:$0x18900]  }
0x3d9: {  	v0 =	vadd.f32 v51, v0  }
0x3da: {  	v54 =	vld [tilespmem:$0x18910]  }
0x3db: {  	v0 =	vadd.f32 v52, v0  }
0x3dc: {  	v55 =	vld [tilespmem:$0x18920]  }
0x3dd: {  	v0 =	vadd.f32 v53, v0  }
0x3de: {  	v56 =	vld [tilespmem:$0x18930]  }
0x3df: {  	v0 =	vadd.f32 v54, v0  }
0x3e0: {  	v57 =	vld [tilespmem:$0x18940]  }
0x3e1: {  	v0 =	vadd.f32 v55, v0  }
0x3e2: {  	v58 =	vld [tilespmem:$0x18950]  }
0x3e3: {  	v0 =	vadd.f32 v56, v0  }
0x3e4: {  	v59 =	vld [tilespmem:$0x18960]  }
0x3e5: {  	v0 =	vadd.f32 v57, v0  }
0x3e6: {  	v60 =	vld [tilespmem:$0x18970]  }
0x3e7: {  	v0 =	vadd.f32 v58, v0;
	_ =	sdelay $0x1  }
0x3e8: {  	v0 =	vadd.f32 v59, v0;
	_ =	sdelay $0x1  }
0x3e9: {  	v0 =	vadd.f32 v60, v0;
	_ =	sdelay $0x1  }
0x3ea: {  	vm15 =	vcmask $0x308;
	v61 =	vnsel vm0, $0x0, v0  }
0x3eb: {  	v0 =	vsel vm15, $0x0, v0;
	(xrf2) =	vadd.scan.msk.f32 $0xffff, v61  }
0x3ec: {  	(xrf2) =	vadd.scan.msk.f32 $0xffff, v0;
	_ =	sdelay $0x8  }
0x3ed: {  	v62, _, _ =	vpop (xrf2)  }
0x3ee: {  	v63, _, _ =	vpop (xrf2)  }
0x3ef: {  	v1 =	vadd.f32 $0.0e+00, v63;
	_ =	sdelay $0x1  }
0x3f0: {  	v1 =	vbroadcast v1, $0xF;
	_ =	sdelay $0x1  }
0x3f1: {  	(erf) = vrcp.f32 v1;
	_ =	sdelay $0x5  }
0x3f2: {  	v0 =	vadd.f32 $0.0e+00, v62;
	_ =	sdelay $0x1  }
0x3f3: {  	v0 =	vbroadcast v0, $0xF  }
0x3f4: {  	v1 =	vpop (erf)  }
0x3f5: {  	v0 =	vmul.f32 v1, v0;
	_ =	sdelay $0x1  }
0x3f6: {  	s30 =	simm.s32 $0x0;
	s2 =	simm.s32 $0x18980;
	[tilespmem:$0x18980] =	vst v0  }
0x3f7: {  	[hbm4b:s3+s30] =	stream.linear.scatter [tilespmem:s2], [sflag:$0x1], $0x80, $0x38;
	[tilespmem:$0x19210] =	vst v63  }
0x3f8: {  	_ =	swait.ge [sflag:s4], $0x80  }
0x3f9: {  	[sflag:s4] =	ssyncset.done $0x0  }
0x3fa: {  	[sflag:s4] =	ssyncadd.s32 $0xFFFFFF80  }
0x3fb: {  	_ =	sfence.sel $0x180000  }
0x3fc: {  	[bflag:$0x0] =	sbarrier.arrive $0xFFFF  }
0x3fd: {  	_ =	strace $0x90000047  }
0x3fe: {  	s31 =	sadd.s32 $0x100000, s1;
	[bflag:$0x2] =	sbarrier.arrive $0xFFFF  }
0x3ff: {  	[sflag:s31] =	ssyncadd.tile.s32 $0x1;
	_ =	shalt  }
.LBB2_7:
0x400: {  	p0 =	por $0x0, $0x0  }
0x401: {  	s1 =	simm.s32 @!p0 $0x0  }
0x402: {  	s1 =	simm.s32 @p0 $0x1;
	p0 =	por $0x0, $0x0  }
.Ltmp28:
0x403: {  	[smem:$0x7FB] =	sst s1;
	s1 =	simm.s32 @!p0 $0x0;
	(pc) =	sbr.rel .LBB2_22-.Ltmp28, $4  }
0x404: {  	p4 =	por $0x0, $0x0;
	p3 =	por $0x0, $0x0;
	s1 =	simm.s32 @p0 $0x1  }
0x405: {  	p6 =	por $0x0, $0x0;
	[smem:$0x7FC] =	sst s1;
	s1 =	simm.s32 @!p3 $0x0  }
0x406: {  	s15 =	simm.s32 $0x0;
	s18 =	simm.s32 $0x0;
	s1 =	simm.s32 @p3 $0x1  }
0x407: {  	s16 =	simm.s32 $0x7EF;
	s12 =	simm.s32 $0x0;
	[smem:$0x7FD] =	sst s1  }
.LBB2_29:
0x408: {  	p0 =	por $0x0, $0x0  }
0x409: {  	p4 =	por $0x0, $0x0;
	s1 =	simm.s32 @!p0 $0x0  }
0x40a: {  	s2 =	smov.u32 s31;
	s1 =	simm.s32 @p0 $0x1;
	p0 =	por $0x0, $0x0  }
.Ltmp29:
0x40b: {  	[smem:$0x7F6] =	sst s1;
	s1 =	simm.s32 @!p0 $0x0;
	(pc) =	sbr.rel .LBB2_44-.Ltmp29, $4  }
0x40c: {  	p6 =	por $0x0, $0x0;
	p3 =	por $0x0, $0x0;
	s1 =	simm.s32 @p0 $0x1  }
0x40d: {  	[smem:$0x7F7] =	sst s1;
	s1 =	smov.u32 s0;
	s0 =	simm.s32 @!p3 $0x0  }
0x40e: {  	s17 =	simm.s32 $0x0;
	s20 =	simm.s32 $0x0;
	s0 =	simm.s32 @p3 $0x1  }
0x40f: {  	s18 =	simm.s32 $0x3EF;
	s14 =	simm.s32 $0x0;
	[smem:$0x7F8] =	sst s0  }
.LBB2_9:
0x410: {  	p0 =	por $0x0, $0x0  }
0x411: {  	s1 =	simm.s32 @!p0 $0x0  }
0x412: {  	p4 =	por $0x0, $0x0;
	s1 =	simm.s32 @p0 $0x1;
	p0 =	por $0x0, $0x0  }
.Ltmp30:
0x413: {  	[smem:$0x7FB] =	sst s1;
	s1 =	simm.s32 @!p0 $0x0;
	(pc) =	sbr.rel .LBB2_22-.Ltmp30, $4  }
0x414: {  	s11 =	simm.s32 $0xFFFFFFF0;
	p3 =	por $0x0, $0x0;
	s1 =	simm.s32 @p0 $0x1  }
0x415: {  	p6 =	por $0x0, $0x0;
	[smem:$0x7FC] =	sst s1;
	s1 =	simm.s32 @!p3 $0x0  }
0x416: {  	s15 =	simm.s32 $0x0;
	s18 =	simm.s32 $0x0;
	s1 =	simm.s32 @p3 $0x1  }
0x417: {  	s16 =	simm.s32 $0x7EF;
	s12 =	simm.s32 $0x0;
	[smem:$0x7FD] =	sst s1  }
.LBB2_31:
0x418: {  	p0 =	por $0x0, $0x0  }
0x419: {  	p4 =	por $0x0, $0x0;
	s2 =	smov.u32 s31;
	s1 =	simm.s32 @!p0 $0x0  }
0x41a: {  	s13 =	simm.s32 $0xFFFFFFF0;
	s1 =	simm.s32 @p0 $0x1;
	p0 =	por $0x0, $0x0  }
.Ltmp31:
0x41b: {  	[smem:$0x7F6] =	sst s1;
	s1 =	simm.s32 @!p0 $0x0;
	(pc) =	sbr.rel .LBB2_44-.Ltmp31, $4  }
0x41c: {  	p6 =	por $0x0, $0x0;
	p3 =	por $0x0, $0x0;
	s1 =	simm.s32 @p0 $0x1  }
0x41d: {  	[smem:$0x7F7] =	sst s1;
	s1 =	smov.u32 s0;
	s0 =	simm.s32 @!p3 $0x0  }
0x41e: {  	s17 =	simm.s32 $0x0;
	s20 =	simm.s32 $0x0;
	s0 =	simm.s32 @p3 $0x1  }
0x41f: {  	s18 =	simm.s32 $0x3EF;
	s14 =	simm.s32 $0x0;
	[smem:$0x7F8] =	sst s0  }
.LBB2_11:
0x420: {  	p0 =	por $0x0, $0x0  }
0x421: {  	s1 =	simm.s32 @!p0 $0x0  }
0x422: {  	s1 =	simm.s32 @p0 $0x1;
	p0 =	por $0x0, $0x0  }
.Ltmp32:
0x423: {  	[smem:$0x7FB] =	sst s1;
	s1 =	simm.s32 @!p0 $0x0;
	(pc) =	sbr.rel .LBB2_22-.Ltmp32, $4  }
0x424: {  	p4 =	por $0x0, $0x0;
	p3 =	por $0x0, $0x0;
	s1 =	simm.s32 @p0 $0x1  }
0x425: {  	p6 =	por $0x0, $0x0;
	[smem:$0x7FC] =	sst s1;
	s1 =	simm.s32 @!p3 $0x0  }
0x426: {  	s15 =	simm.s32 $0x0;
	s18 =	simm.s32 $0x0;
	s1 =	simm.s32 @p3 $0x1  }
0x427: {  	s16 =	simm.s32 $0x7EF;
	s12 =	simm.s32 $0x0;
	[smem:$0x7FD] =	sst s1  }
.LBB2_33:
0x428: {  	p0 =	por $0x0, $0x0  }
0x429: {  	p4 =	por $0x0, $0x0;
	s1 =	simm.s32 @!p0 $0x0  }
0x42a: {  	s2 =	smov.u32 s31;
	s1 =	simm.s32 @p0 $0x1;
	p0 =	por $0x0, $0x0  }
.Ltmp33:
0x42b: {  	[smem:$0x7F6] =	sst s1;
	s1 =	simm.s32 @!p0 $0x0;
	(pc) =	sbr.rel .LBB2_44-.Ltmp33, $4  }
0x42c: {  	p6 =	por $0x0, $0x0;
	p3 =	por $0x0, $0x0;
	s1 =	simm.s32 @p0 $0x1  }
0x42d: {  	[smem:$0x7F7] =	sst s1;
	s1 =	smov.u32 s0;
	s0 =	simm.s32 @!p3 $0x0  }
0x42e: {  	s17 =	simm.s32 $0x0;
	s20 =	simm.s32 $0x0;
	s0 =	simm.s32 @p3 $0x1  }
0x42f: {  	s18 =	simm.s32 $0x3EF;
	s14 =	simm.s32 $0x0;
	[smem:$0x7F8] =	sst s0  }
.LBB2_13:
0x430: {  	p0 =	por $0x0, $0x0  }
0x431: {  	s1 =	simm.s32 @!p0 $0x0  }
0x432: {  	s1 =	simm.s32 @p0 $0x1;
	p0 =	por $0x0, $0x0  }
.Ltmp34:
0x433: {  	[smem:$0x7FB] =	sst s1;
	s1 =	simm.s32 @!p0 $0x0;
	(pc) =	sbr.rel .LBB2_22-.Ltmp34, $4  }
0x434: {  	p4 =	por $0x1, $0x1;
	p3 =	por $0x0, $0x0;
	s1 =	simm.s32 @p0 $0x1  }
0x435: {  	s11 =	simm.s32 $0xFFFFFFD0;
	[smem:$0x7FC] =	sst s1;
	s1 =	simm.s32 @!p3 $0x0  }
0x436: {  	p6 =	por $0x0, $0x0;
	s15 =	simm.s32 $0x0;
	s1 =	simm.s32 @p3 $0x1  }
0x437: {  	v16 =	vmovc v9;
	v17 =	vmov v5;
	v9 =	vmov v4;
	v5 =	vmov v3;
	s18 =	simm.s32 $0x0;
	s16 =	simm.s32 $0x7EF;
	[smem:$0x7FD] =	sst s1  }
.LBB2_35:
0x438: {  	p0 =	por $0x0, $0x0  }
0x439: {  	p4 =	por $0x1, $0x1;
	s1 =	simm.s32 @!p0 $0x0  }
0x43a: {  	s2 =	smov.u32 s31;
	s1 =	simm.s32 @p0 $0x1;
	p0 =	por $0x0, $0x0  }
.Ltmp35:
0x43b: {  	[smem:$0x7F6] =	sst s1;
	s1 =	simm.s32 @!p0 $0x0;
	(pc) =	sbr.rel .LBB2_44-.Ltmp35, $4  }
0x43c: {  	s13 =	simm.s32 $0xFFFFFFD0;
	p3 =	por $0x0, $0x0;
	s1 =	simm.s32 @p0 $0x1  }
0x43d: {  	[smem:$0x7F7] =	sst s1;
	s1 =	smov.u32 s0;
	s0 =	simm.s32 @!p3 $0x0  }
0x43e: {  	p6 =	por $0x0, $0x0;
	s17 =	simm.s32 $0x0;
	s0 =	simm.s32 @p3 $0x1  }
0x43f: {  	v17 =	vmovc v10;
	v18 =	vmov v6;
	v10 =	vmov v5;
	v6 =	vmov v4;
	s20 =	simm.s32 $0x0;
	s18 =	simm.s32 $0x3EF;
	[smem:$0x7F8] =	sst s0  }
.LBB2_15:
0x440: {  	p0 =	por $0x0, $0x0  }
0x441: {  	s1 =	simm.s32 @!p0 $0x0  }
0x442: {  	p4 =	por $0x1, $0x1;
	s1 =	simm.s32 @p0 $0x1;
	p0 =	por $0x1, $0x1  }
.Ltmp36:
0x443: {  	[smem:$0x7FB] =	sst s1;
	s1 =	simm.s32 @!p0 $0x0;
	(pc) =	sbr.rel .LBB2_22-.Ltmp36, $4  }
0x444: {  	p6 =	por $0x0, $0x0;
	p3 =	por $0x0, $0x0;
	s1 =	simm.s32 @p0 $0x1  }
0x445: {  	s17 =	smov.u32 s6;
	[smem:$0x7FC] =	sst s1;
	s1 =	simm.s32 @!p3 $0x0  }
0x446: {  	s15 =	simm.s32 $0x0;
	s18 =	simm.s32 $0x0;
	s1 =	simm.s32 @p3 $0x1  }
0x447: {  	v9 =	vmovc v8;
	v5 =	vmov v6;
	s21 =	smov.u32 s10;
	s16 =	simm.s32 $0x7EF;
	v16 =	vmov v4;
	v17 =	vmov v3;
	[smem:$0x7FD] =	sst s1  }
.LBB2_37:
0x448: {  	p0 =	por $0x0, $0x0  }
0x449: {  	p4 =	por $0x1, $0x1;
	s2 =	smov.u32 s31;
	s1 =	simm.s32 @!p0 $0x0  }
0x44a: {  	p6 =	por $0x0, $0x0;
	s1 =	simm.s32 @p0 $0x1;
	p0 =	por $0x1, $0x1  }
.Ltmp37:
0x44b: {  	[smem:$0x7F6] =	sst s1;
	s1 =	simm.s32 @!p0 $0x0;
	(pc) =	sbr.rel .LBB2_44-.Ltmp37, $4  }
0x44c: {  	s19 =	smov.u32 s11;
	p3 =	por $0x0, $0x0;
	s1 =	simm.s32 @p0 $0x1  }
0x44d: {  	[smem:$0x7F7] =	sst s1;
	s1 =	smov.u32 s0;
	s0 =	simm.s32 @!p3 $0x0  }
0x44e: {  	s17 =	simm.s32 $0x0;
	s20 =	simm.s32 $0x0;
	s0 =	simm.s32 @p3 $0x1  }
0x44f: {  	v10 =	vmovc v9;
	v6 =	vmov v7;
	s23 =	smov.u32 s12;
	s18 =	simm.s32 $0x3EF;
	v17 =	vmov v5;
	v18 =	vmov v4;
	[smem:$0x7F8] =	sst s0  }
.LBB2_17:
0x450: {  	p0 =	por $0x1, $0x1;
	p4 =	por $0x1, $0x1;
	s11 =	simm.s32 $0xFFFFFFB0  }
.Ltmp38:
0x451: {  	p6 =	por $0x0, $0x0;
	s1 =	simm.s32 @!p0 $0x0;
	(pc) =	sbr.rel .LBB2_22-.Ltmp38, $4  }
0x452: {  	s20 =	smov.u32 s6;
	p3 =	por $0x0, $0x0;
	s1 =	simm.s32 @p0 $0x1  }
0x453: {  	s17 =	smov.u32 s13;
	[smem:$0x7FB] =	sst s1;
	s1 =	simm.s32 @!p3 $0x0  }
0x454: {  	s19 =	smov.u32 s10;
	s15 =	simm.s32 $0x0;
	s1 =	simm.s32 @p3 $0x1  }
0x455: {  	vm1 =	vmmov vm0;
	s18 =	simm.s32 $0x0;
	s21 =	smov.u32 s14;
	v16 =	vmovc v8;
	v9 =	vmovc v10;
	v17 =	vmov v6;
	v5 =	vmov v7;
	[smem:$0x7FD] =	sst s1  }
.LBB2_39:
0x456: {  	p0 =	por $0x1, $0x1  }
0x457: {  	p4 =	por $0x1, $0x1;
	s2 =	smov.u32 s31;
	s13 =	simm.s32 $0xFFFFFFB0  }
.Ltmp39:
0x458: {  	p6 =	por $0x0, $0x0;
	s0 =	simm.s32 @!p0 $0x0;
	(pc) =	sbr.rel .LBB2_44-.Ltmp39, $4  }
0x459: {  	s22 =	smov.u32 s11;
	p3 =	por $0x0, $0x0;
	s0 =	simm.s32 @p0 $0x1  }
0x45a: {  	s19 =	smov.u32 s15;
	[smem:$0x7F6] =	sst s0;
	s0 =	simm.s32 @!p3 $0x0  }
0x45b: {  	s21 =	smov.u32 s12;
	s17 =	simm.s32 $0x0;
	s0 =	simm.s32 @p3 $0x1  }
0x45c: {  	vm1 =	vmmov vm0;
	s20 =	simm.s32 $0x0;
	s23 =	smov.u32 s16;
	v17 =	vmovc v9;
	v10 =	vmovc v11;
	v18 =	vmov v7;
	v6 =	vmov v8;
	[smem:$0x7F8] =	sst s0  }
.LBB2_55:
.Ltmp40:
0x45d: {  	(pc) =	sbr.rel .LBB2_22-.Ltmp40, $4  }
0x45e: {  	p3 =	por $0x1, $0x1  }
0x45f: {  	s1 =	simm.s32 @!p3 $0x0  }
0x460: {  	p4 =	por $0x1, $0x1;
	p6 =	por $0x0, $0x0;
	s1 =	simm.s32 @p3 $0x1  }
0x461: {  	s20 =	smov.u32 s13;
	s19 =	smov.u32 s14;
	v16 =	vmov v10;
	v17 =	vmov v7;
	[smem:$0x7FD] =	sst s1  }
.LBB2_56:
.Ltmp41:
0x462: {  	(pc) =	sbr.rel .LBB2_44-.Ltmp41, $4  }
0x463: {  	p3 =	por $0x1, $0x1  }
0x464: {  	p4 =	por $0x1, $0x1;
	s0 =	simm.s32 @!p3 $0x0  }
0x465: {  	s2 =	smov.u32 s31;
	p6 =	por $0x0, $0x0;
	s0 =	simm.s32 @p3 $0x1  }
0x466: {  	s22 =	smov.u32 s15;
	s21 =	smov.u32 s16;
	v17 =	vmov v11;
	v18 =	vmov v8;
	[smem:$0x7F8] =	sst s0  }
.Lfunc_end2:
_tile_overlayer_lowered:
.L_overlay_start_2:
0x467: {  	(tag) =	ssettag $0x2  }
0x468: {  	s0 =	rddreg [dreg:$0x0];
	s2 =	stileid.u32  }
0x469: {  	s1 =	rddreg [dreg:$0x1];
	p0 =	sne.s32 s2, $0x0  }
0x46a: {  	s3 =	rddreg [dreg:$0x2];
	[bflag:$0x3] =	sbarrier.arrive $0xFFFF;
	s2 =	simm.s32 @!p0 $0x1C01  }
0x46b: {  	[timem:s3], [sflag:s2] =	dma.local @!p0 [hbm:s0], s1  }
0x46c: {  	s0 =	simm.s32 @!p0 $0x1  }
0x46d: {  	_ =	swait.ge @!p0 [sflag:s0], s1  }
0x46e: {  	s1 =	ssub.s32 @!p0 $0x0, s1;
	[sflag:s0] =	ssyncset.done @!p0 $0x0  }
0x46f: {  	[sflag:s0] =	ssyncadd.s32 @!p0 s1  }
0x470: {  	[bflag:$0x3] =	sbarrier.arrive $0xFFFF  }
0x471: {  	_ =	shalt  }

</sc_bundles>
